<compile_context>
chip_gen: v7x
topology: tpu7x:2x2x1
jax: 0.10.2.dev20260603
libtpu: 0.0.44.dev20260713+nightly
codegen_flags: <defaults>
</compile_context>

<pallas_src>
import functools

import jax
import jax.numpy as jnp
from jax import lax
from jax.experimental import pallas as pl
from jax.experimental.pallas import tpu as pltpu
from jax.experimental.pallas import tpu_sc as plsc

N = 10000
E = 320000
H = 128
LAYERS = 3
NUM_NODE_TYPES = 16
NUM_EDGE_FLOWS = 8

NC, NS = 2, 16
NW = NC * NS
CH = 128
EPT = 10240
E_PAD = EPT * NW
N_PAD = 10112
BN = 1000


NCHUNK = EPT // CH
NGRP = NCHUNK // 2


def _make_sc_segsum():
  width = H
  mesh = plsc.VectorSubcoreMesh(core_axis_name="c", subcore_axis_name="s")
  rows_per_tile = N_PAD // NS

  @functools.partial(
      pl.kernel,
      out_type=jax.ShapeDtypeStruct((NC, N_PAD, width), jnp.float32),
      mesh=mesh,
      scratch_types=(
          [pltpu.VMEM((NCHUNK, CH), jnp.int32)]
          + [pltpu.VMEM((CH,), jnp.int32)] * 2
          + [pltpu.VMEM((CH, width), jnp.float32)] * 2
          + [pltpu.SemaphoreType.DMA] * 6
          + [pltpu.VMEM_SHARED((N_PAD, width), jnp.float32)]
      ),
  )
  def sc_segsum(table, srcs, dsts, zeros, out, didx, *rest):
    sidx = rest[0:2]
    rows = rest[2:4]
    isem = rest[4:6]
    gsem = rest[6:8]
    ssem = rest[8:10]
    acc = rest[10]
    c = lax.axis_index("c")
    s = lax.axis_index("s")
    wid = c * NS + s
    base = wid * EPT

    def load_sidx(b, chunk):
      pltpu.async_copy(srcs.at[pl.ds(base + chunk * CH, CH)], sidx[b], isem[b])

    def wait_sidx(b):
      pltpu.make_async_copy(srcs.at[pl.ds(0, CH)], sidx[b], isem[b]).wait()

    def start_gather(b):
      pltpu.async_copy(table.at[sidx[b]], rows[b], gsem[b])

    def wait_gather(b):
      pltpu.make_async_copy(table.at[sidx[b]], rows[b], gsem[b]).wait()

    def start_scatter(b, chunk):
      pltpu.async_copy(rows[b], acc.at[didx.at[chunk]], ssem[b], add=True)

    def wait_scatter(b):
      pltpu.make_async_copy(rows[b], acc.at[didx.at[0]], ssem[b]).wait()

    pltpu.sync_copy(zeros, acc.at[pl.ds(s * rows_per_tile, rows_per_tile)])
    pltpu.sync_copy(dsts.at[wid], didx)
    plsc.subcore_barrier()

    load_sidx(0, 0)
    load_sidx(1, 1)
    wait_sidx(0)
    start_gather(0)

    def visit(i, b, first, pre, cont):
      wait_gather(b)
      start_scatter(b, i)
      if pre:
        load_sidx(b, i + 2)
      if not first:
        wait_scatter(1 - b)
      if cont:
        wait_sidx(1 - b)
        start_gather(1 - b)

    def grp(g, _):
      i = g * 2

      @pl.when(g == 0)
      def _():
        visit(i, 0, first=True, pre=True, cont=True)

      @pl.when(jnp.logical_and(g > 0, g < NGRP - 1))
      def _():
        visit(i, 0, first=False, pre=True, cont=True)

      @pl.when(g == NGRP - 1)
      def _():
        visit(i, 0, first=False, pre=False, cont=True)

      @pl.when(g < NGRP - 1)
      def _():
        visit(i + 1, 1, first=False, pre=True, cont=True)

      @pl.when(g == NGRP - 1)
      def _():
        visit(i + 1, 1, first=False, pre=False, cont=False)

      return _

    lax.fori_loop(0, NGRP, grp, None)

    wait_scatter(1)

    plsc.subcore_barrier()
    pltpu.sync_copy(
        acc.at[pl.ds(s * rows_per_tile, rows_per_tile)],
        out.at[c, pl.ds(s * rows_per_tile, rows_per_tile)],
    )

  return sc_segsum


_sc_segsum = _make_sc_segsum()


def _x0_body(nt_ref, rf_ref, emb_ref, rw_ref, o_ref):
  nt = nt_ref[...]
  acc = rf_ref[...] * rw_ref[...]
  for t in range(NUM_NODE_TYPES):
    sel = (nt == t).astype(jnp.float32)
    acc = acc + sel * emb_ref[t:t + 1, :]
  o_ref[...] = acc


def _xw_body(x_ref, w_ref, o_ref):
  o_ref[...] = jnp.dot(x_ref[...], w_ref[...],
                       preferred_element_type=jnp.float32)


def _layer_body(x_ref, gp_ref, cp_ref, wst_ref, b_ref, embp_ref,
                wet_ref, o_ref):
  cmat = cp_ref[0] + cp_ref[1]
  deg = jnp.maximum(jnp.sum(cmat, axis=1, keepdims=True), 1.0)
  g = gp_ref[0] + gp_ref[1]
  ew = jnp.dot(embp_ref[...], wet_ref[...], preferred_element_type=jnp.float32)
  eterm = cmat[:, 0:1] * ew[0:1, :]
  for f in range(1, NUM_EDGE_FLOWS):
    eterm = eterm + cmat[:, f:f + 1] * ew[f:f + 1, :]
  agg = (g + eterm) / deg
  o_ref[...] = jnp.maximum(
      jnp.dot(x_ref[...], wst_ref[...], preferred_element_type=jnp.float32)
      + b_ref[...] + agg,
      0.0,
  )


def _head_body(x_ref, w1_ref, b1_ref, w2_ref, b2_ref, o_ref):
  h = jnp.maximum(
      jnp.dot(x_ref[...], w1_ref[...], preferred_element_type=jnp.float32)
      + b1_ref[...],
      0.0,
  )
  o_ref[...] = (
      jnp.dot(h, w2_ref[...], preferred_element_type=jnp.float32) + b2_ref[...]
  )


_row_spec = pl.BlockSpec((BN, H), lambda m: (m, 0))
_full128 = pl.BlockSpec((H, H), lambda m: (0, 0))
_bias_spec = pl.BlockSpec((1, H), lambda m: (0, 0))

_x0_call = pl.pallas_call(
    _x0_body,
    grid=(N // BN,),
    in_specs=[
        pl.BlockSpec((BN, 1), lambda m: (m, 0)),
        pl.BlockSpec((BN, 1), lambda m: (m, 0)),
        pl.BlockSpec((NUM_NODE_TYPES, H), lambda m: (0, 0)),
        _bias_spec,
    ],
    out_specs=_row_spec,
    out_shape=jax.ShapeDtypeStruct((N, H), jnp.float32),
)

_xw_call = pl.pallas_call(
    _xw_body,
    grid=(N // BN,),
    in_specs=[_row_spec, _full128],
    out_specs=_row_spec,
    out_shape=jax.ShapeDtypeStruct((N, H), jnp.float32),
)

_layer_call = pl.pallas_call(
    _layer_body,
    grid=(N // BN,),
    in_specs=[
        _row_spec,
        pl.BlockSpec((NC, BN, H), lambda m: (0, m, 0)),
        pl.BlockSpec((NC, BN, H), lambda m: (0, m, 0)),
        _full128,
        _bias_spec,
        _full128,
        _full128,
    ],
    out_specs=_row_spec,
    out_shape=jax.ShapeDtypeStruct((N, H), jnp.float32),
)

_head_call = pl.pallas_call(
    _head_body,
    grid=(N // BN,),
    in_specs=[
        _row_spec,
        _full128,
        _bias_spec,
        pl.BlockSpec((H, 1), lambda m: (0, 0)),
        pl.BlockSpec((1, 1), lambda m: (0, 0)),
    ],
    out_specs=pl.BlockSpec((BN, 1), lambda m: (m, 0)),
    out_shape=jax.ShapeDtypeStruct((N, 1), jnp.float32),
)


@jax.jit
def _run(node_type, root_flag, edge_index, edge_flow, node_emb, edge_emb,
         root_w, w_self_W, w_self_b, w_nei_W, w_edge_W, mlp1_W, mlp1_b,
         mlp2_W, mlp2_b):
  src = edge_index[0].astype(jnp.int32)
  dst = edge_index[1].astype(jnp.int32)
  flow = edge_flow.astype(jnp.int32)

  order = jnp.argsort(src).astype(jnp.int32)
  src = src[order]
  dst = dst[order]
  flow = flow[order]

  per_w = E // NW
  pad_w = EPT - per_w

  def pad_edges(a, fill):
    a2 = a.reshape(NW, per_w)
    padv = jnp.full((NW, pad_w), fill, jnp.int32)
    return jnp.concatenate([a2, padv], axis=1).reshape(NW, NCHUNK, CH)

  src_p = pad_edges(src, 0).reshape(E_PAD)
  dst_p = pad_edges(dst, N)

  nf = edge_emb.shape[0]
  rep = 256
  eye_tab = jnp.tile(jnp.eye(nf, H, dtype=jnp.float32), (rep, 1))
  spread = (jnp.arange(E_PAD, dtype=jnp.int32) % rep) * nf
  flow_p = pad_edges(flow, 0).reshape(E_PAD) + spread

  emb_pad = jnp.concatenate(
      [edge_emb, jnp.zeros((H - nf, H), jnp.float32)], axis=0)

  z_h = jnp.zeros((N_PAD // NS, H), jnp.float32)

  cp = _sc_segsum(eye_tab, flow_p, dst_p, z_h)

  nt = node_type.astype(jnp.int32).reshape(N, 1)
  rf = root_flag.reshape(N, 1)
  x = _x0_call(nt, rf, node_emb, root_w.reshape(1, H))

  for l in range(LAYERS):
    xw = _xw_call(x, w_nei_W[l].T)
    gp = _sc_segsum(xw, src_p, dst_p, z_h)
    x = _layer_call(
        x, gp, cp,
        w_self_W[l].T, w_self_b[l].reshape(1, H),
        emb_pad, w_edge_W[l].T,
    )

  logits = _head_call(x, mlp1_W.T, mlp1_b.reshape(1, H), mlp2_W.T,
                      mlp2_b.reshape(1, 1))
  return logits[:, 0]


def kernel(node_type, root_flag, edge_index, edge_flow, node_emb, edge_emb,
           root_w, w_self_W, w_self_b, w_nei_W, w_edge_W, mlp1_W, mlp1_b,
           mlp2_W, mlp2_b):
  return _run(node_type, root_flag, edge_index, edge_flow, node_emb, edge_emb,
              root_w, w_self_W, w_self_b, w_nei_W, w_edge_W, mlp1_W, mlp1_b,
              mlp2_W, mlp2_b)

# --- scband reference (transcript-rebuilt; emitter-appended) ---
"""Pipeline reference for scband-reachability-gnn-61134564491910 (READ-ONLY COPY).

The authoritative reference and input builder live on the scoring server;
editing this copy changes nothing except your own understanding.
"""

import jax, jax.numpy as jnp
import numpy as np

N = 10000
E = 320000
HIDDEN = 128
LAYERS = 3
NUM_NODE_TYPES = 16
NUM_EDGE_FLOWS = 8


def setup_inputs(seed: int = 0):
    key = jax.random.key(seed)
    ks = jax.random.split(key, 16)
    s = 1.0 / np.sqrt(HIDDEN)
    node_type = jax.random.randint(ks[0], (N,), 0, NUM_NODE_TYPES)
    root_flag = jax.random.uniform(ks[1], (N,), dtype=jnp.float32)
    edge_index = jax.random.randint(ks[2], (2, E), 0, N)
    edge_flow = jax.random.randint(ks[3], (E,), 0, NUM_EDGE_FLOWS)
    node_emb = jax.random.normal(ks[4], (NUM_NODE_TYPES, HIDDEN), dtype=jnp.float32)
    edge_emb = jax.random.normal(ks[5], (NUM_EDGE_FLOWS, HIDDEN), dtype=jnp.float32)
    root_w = jax.random.normal(ks[6], (HIDDEN,), dtype=jnp.float32) * s
    w_self_W = jax.random.normal(ks[7], (LAYERS, HIDDEN, HIDDEN), dtype=jnp.float32) * s
    w_self_b = jax.random.normal(ks[8], (LAYERS, HIDDEN), dtype=jnp.float32) * s
    w_nei_W = jax.random.normal(ks[9], (LAYERS, HIDDEN, HIDDEN), dtype=jnp.float32) * s
    w_edge_W = jax.random.normal(ks[10], (LAYERS, HIDDEN, HIDDEN), dtype=jnp.float32) * s
    mlp1_W = jax.random.normal(ks[11], (HIDDEN, HIDDEN), dtype=jnp.float32) * s
    mlp1_b = jax.random.normal(ks[12], (HIDDEN,), dtype=jnp.float32) * s
    mlp2_W = jax.random.normal(ks[13], (1, HIDDEN), dtype=jnp.float32) * s
    mlp2_b = jax.random.normal(ks[14], (1,), dtype=jnp.float32) * s
    return {"node_type": node_type, "root_flag": root_flag, "edge_index": edge_index, "edge_flow": edge_flow, "node_emb": node_emb, "edge_emb": edge_emb, "root_w": root_w, "w_self_W": w_self_W, "w_self_b": w_self_b, "w_nei_W": w_nei_W, "w_edge_W": w_edge_W, "mlp1_W": mlp1_W, "mlp1_b": mlp1_b, "mlp2_W": mlp2_W, "mlp2_b": mlp2_b}


def reference(node_type, root_flag, edge_index, edge_flow, node_emb, edge_emb, root_w, w_self_W, w_self_b, w_nei_W, w_edge_W, mlp1_W, mlp1_b, mlp2_W, mlp2_b):
    # node embedding lookup + root projection (Linear(1, hidden, bias=False))
    x = jnp.take(node_emb, node_type, axis=0) + root_flag[:, None] * root_w[None, :]
    # edge embedding lookup
    e = jnp.take(edge_emb, edge_flow, axis=0)
    src = edge_index[0]
    dst = edge_index[1]
    ones = jnp.ones((E,), dtype=x.dtype)
    for l in range(LAYERS):
        msg = x[src] @ w_nei_W[l].T + e @ w_edge_W[l].T
        agg = jax.ops.segment_sum(msg, dst, num_segments=N)
        deg = jax.ops.segment_sum(ones, dst, num_segments=N)
        deg = jnp.clip(deg, 1.0, None)[:, None]
        x = jax.nn.relu(x @ w_self_W[l].T + w_self_b[l] + agg / deg)
    h = jax.nn.relu(x @ mlp1_W.T + mlp1_b)
    logits = (h @ mlp2_W.T + mlp2_b)[:, 0]
    return logits

if __name__ == "__main__":
    import jax
    _d = setup_inputs()
    print(jax.jit(kernel)(*tuple(_d.values())))

</pallas_src>

<mosaic_0001>
#map = affine_map<(d0, d1) -> (0, 0)>
#map1 = affine_map<(d0, d1) -> (0)>
#map2 = affine_map<(d0, d1) -> (0, 0, 0)>
module attributes {stable_mosaic.version = 14 : i64} {
  func.func @sc_segsum(%arg0: i32, %arg1: i32, %arg2: memref<10000x128xf32, #tpu.memory_space<hbm>>, %arg3: memref<327680xi32, #tpu.memory_space<hbm>>, %arg4: memref<32x80x128xi32, #tpu.memory_space<hbm>>, %arg5: memref<632x128xf32, #tpu.memory_space<hbm>>, %arg6: memref<2x10112x128xf32, #tpu.memory_space<hbm>>, %arg7: memref<80x128xi32, #tpu.memory_space<vmem>>, %arg8: memref<128xi32, #tpu.memory_space<vmem>>, %arg9: memref<128xi32, #tpu.memory_space<vmem>>, %arg10: memref<128x128xf32, #tpu.memory_space<vmem>>, %arg11: memref<128x128xf32, #tpu.memory_space<vmem>>, %arg12: memref<!tpu.dma_semaphore, #tpu.memory_space<semaphore_mem>>, %arg13: memref<!tpu.dma_semaphore, #tpu.memory_space<semaphore_mem>>, %arg14: memref<!tpu.dma_semaphore, #tpu.memory_space<semaphore_mem>>, %arg15: memref<!tpu.dma_semaphore, #tpu.memory_space<semaphore_mem>>, %arg16: memref<!tpu.dma_semaphore, #tpu.memory_space<semaphore_mem>>, %arg17: memref<!tpu.dma_semaphore, #tpu.memory_space<semaphore_mem>>, %arg18: memref<10112x128xf32, #tpu.memory_space<vmem_shared>>) attributes {dimension_semantics = [#tpu.dimension_semantics<core_parallel>, #tpu.dimension_semantics<subcore_parallel>], iteration_bounds = array<i64: 2, 16>, scalar_prefetch = 0 : i64, scratch_operands = 12 : i64, tpu.core_type = #tpu.core_type<sc_vector_subcore>, window_params = [{transform_indices = #map}, {transform_indices = #map1}, {transform_indices = #map2}, {transform_indices = #map}, {transform_indices = #map2}]} {
    %mul3A = arith.constant 16 : i32
    %mul3A_0 = arith.muli %arg0, %mul3A : i32
    %add3A = arith.addi %mul3A_0, %arg1 : i32
    %mul3A_1 = arith.constant 10240 : i32
    %mul3A_2 = arith.muli %add3A, %mul3A_1 : i32
    %mul3A_3 = arith.constant 632 : i32
    %mul3A_4 = arith.muli %arg1, %mul3A_3 : i32
    "tpu.region"() ({
      %run_scoped3A = tpu.sem_alloc : memref<!tpu.dma_semaphore, #tpu.memory_space<semaphore_mem>>
      %dma_start3A_34 = arith.constant 0 : i32
      %dma_start3A_35 = tpu.memref_slice %arg18[%mul3A_4, %dma_start3A_34] : memref<10112x128xf32, #tpu.memory_space<vmem_shared>> -> memref<632x128xf32, #tpu.memory_space<vmem_shared>>
      tpu.enqueue_dma source(%arg5 : memref<632x128xf32, #tpu.memory_space<hbm>>) target(%dma_start3A_35 : memref<632x128xf32, #tpu.memory_space<vmem_shared>>) target_semaphore(%run_scoped3A : memref<!tpu.dma_semaphore, #tpu.memory_space<semaphore_mem>>)
      %dma_wait3A_36 = arith.constant 0 : i32
      %dma_wait3A_37 = tpu.memref_slice %arg18[%mul3A_4, %dma_wait3A_36] : memref<10112x128xf32, #tpu.memory_space<vmem_shared>> -> memref<632x128xf32, #tpu.memory_space<vmem_shared>>
      tpu.wait_dma2 semaphore(%run_scoped3A : memref<!tpu.dma_semaphore, #tpu.memory_space<semaphore_mem>>) src(%arg5 : memref<632x128xf32, #tpu.memory_space<hbm>>) dst(%dma_wait3A_37 : memref<632x128xf32, #tpu.memory_space<vmem_shared>>)
      tpu.yield
    }) : () -> ()
    "tpu.region"() ({
      %run_scoped3A = tpu.sem_alloc : memref<!tpu.dma_semaphore, #tpu.memory_space<semaphore_mem>>
      %dma_start3A_34 = arith.constant 0 : i32
      %dma_start3A_35 = arith.constant 0 : i32
      %dma_start3A_36 = tpu.memref_slice %arg4[%add3A, %dma_start3A_34, %dma_start3A_35] : memref<32x80x128xi32, #tpu.memory_space<hbm>> -> memref<1x80x128xi32, #tpu.memory_space<hbm>>
      %dma_start3A_37 = tpu.memref_squeeze %dma_start3A_36 : memref<1x80x128xi32, #tpu.memory_space<hbm>> -> memref<80x128xi32, #tpu.memory_space<hbm>>
      %dma_start3A_38 = arith.constant 0 : i32
      %dma_start3A_39 = arith.constant 0 : i32
      %dma_start3A_40 = tpu.memref_slice %arg4[%add3A, %dma_start3A_38, %dma_start3A_39] : memref<32x80x128xi32, #tpu.memory_space<hbm>> -> memref<1x80x128xi32, #tpu.memory_space<hbm>>
      %dma_start3A_41 = tpu.memref_squeeze %dma_start3A_40 : memref<1x80x128xi32, #tpu.memory_space<hbm>> -> memref<80x128xi32, #tpu.memory_space<hbm>>
      tpu.enqueue_dma source(%dma_start3A_41 : memref<80x128xi32, #tpu.memory_space<hbm>>) target(%arg7 : memref<80x128xi32, #tpu.memory_space<vmem>>) target_semaphore(%run_scoped3A : memref<!tpu.dma_semaphore, #tpu.memory_space<semaphore_mem>>)
      %dma_wait3A_42 = arith.constant 0 : i32
      %dma_wait3A_43 = arith.constant 0 : i32
      %dma_wait3A_44 = tpu.memref_slice %arg4[%add3A, %dma_wait3A_42, %dma_wait3A_43] : memref<32x80x128xi32, #tpu.memory_space<hbm>> -> memref<1x80x128xi32, #tpu.memory_space<hbm>>
      %dma_wait3A_45 = tpu.memref_squeeze %dma_wait3A_44 : memref<1x80x128xi32, #tpu.memory_space<hbm>> -> memref<80x128xi32, #tpu.memory_space<hbm>>
      %dma_wait3A_46 = arith.constant 0 : i32
      %dma_wait3A_47 = arith.constant 0 : i32
      %dma_wait3A_48 = tpu.memref_slice %arg4[%add3A, %dma_wait3A_46, %dma_wait3A_47] : memref<32x80x128xi32, #tpu.memory_space<hbm>> -> memref<1x80x128xi32, #tpu.memory_space<hbm>>
      %dma_wait3A_49 = tpu.memref_squeeze %dma_wait3A_48 : memref<1x80x128xi32, #tpu.memory_space<hbm>> -> memref<80x128xi32, #tpu.memory_space<hbm>>
      tpu.wait_dma2 semaphore(%run_scoped3A : memref<!tpu.dma_semaphore, #tpu.memory_space<semaphore_mem>>) src(%dma_wait3A_49 : memref<80x128xi32, #tpu.memory_space<hbm>>) dst(%arg7 : memref<80x128xi32, #tpu.memory_space<vmem>>)
      tpu.yield
    }) : () -> ()
    %barrier3A = arith.constant 0 : index
    tpu.barrier barrier_id(%barrier3A)
    %add3A_5 = arith.constant 0 : i32
    %add3A_6 = arith.addi %mul3A_2, %add3A_5 : i32
    %dma_start3A = tpu.memref_slice %arg3[%add3A_6] : memref<327680xi32, #tpu.memory_space<hbm>> -> memref<128xi32, #tpu.memory_space<hbm>>
    %dma_start3A_7 = tpu.memref_slice %arg3[%add3A_6] : memref<327680xi32, #tpu.memory_space<hbm>> -> memref<128xi32, #tpu.memory_space<hbm>>
    tpu.enqueue_dma source(%dma_start3A_7 : memref<128xi32, #tpu.memory_space<hbm>>) target(%arg8 : memref<128xi32, #tpu.memory_space<vmem>>) target_semaphore(%arg12 : memref<!tpu.dma_semaphore, #tpu.memory_space<semaphore_mem>>)
    %add3A_8 = arith.constant 128 : i32
    %add3A_9 = arith.addi %mul3A_2, %add3A_8 : i32
    %dma_start3A_10 = tpu.memref_slice %arg3[%add3A_9] : memref<327680xi32, #tpu.memory_space<hbm>> -> memref<128xi32, #tpu.memory_space<hbm>>
    %dma_start3A_11 = tpu.memref_slice %arg3[%add3A_9] : memref<327680xi32, #tpu.memory_space<hbm>> -> memref<128xi32, #tpu.memory_space<hbm>>
    tpu.enqueue_dma source(%dma_start3A_11 : memref<128xi32, #tpu.memory_space<hbm>>) target(%arg9 : memref<128xi32, #tpu.memory_space<vmem>>) target_semaphore(%arg13 : memref<!tpu.dma_semaphore, #tpu.memory_space<semaphore_mem>>)
    %dma_wait3A = arith.constant 0 : i32
    %dma_wait3A_12 = tpu.memref_slice %arg3[%dma_wait3A] : memref<327680xi32, #tpu.memory_space<hbm>> -> memref<128xi32, #tpu.memory_space<hbm>>
    %dma_wait3A_13 = arith.constant 0 : i32
    %dma_wait3A_14 = tpu.memref_slice %arg3[%dma_wait3A_13] : memref<327680xi32, #tpu.memory_space<hbm>> -> memref<128xi32, #tpu.memory_space<hbm>>
    tpu.wait_dma2 semaphore(%arg12 : memref<!tpu.dma_semaphore, #tpu.memory_space<semaphore_mem>>) src(%dma_wait3A_14 : memref<128xi32, #tpu.memory_space<hbm>>) dst(%arg8 : memref<128xi32, #tpu.memory_space<vmem>>)
    %dma_start3A_15 = arith.constant 0 : i32
    %dma_start3A_16 = arith.constant 0 : i32
    %dma_start3A_17 = tpu.memref_slice %arg2[%dma_start3A_15, %dma_start3A_16] : memref<10000x128xf32, #tpu.memory_space<hbm>> -> memref<10000x128xf32, #tpu.memory_space<hbm>>
    tpu.enqueue_indirect_dma source(%dma_start3A_17 : memref<10000x128xf32, #tpu.memory_space<hbm>>) target(%arg10 : memref<128x128xf32, #tpu.memory_space<vmem>>) offsets(%arg8 : memref<128xi32, #tpu.memory_space<vmem>>) semaphore(%arg14 : memref<!tpu.dma_semaphore, #tpu.memory_space<semaphore_mem>>)
    %scan3A = arith.constant 0 : i32
    %scan3A_18 = arith.constant 40 : i32
    %scan3A_19 = arith.addi %scan3A, %scan3A_18 : i32
    %scan3A_20 = arith.constant 1 : i32
    scf.for %scan3A_34 = %scan3A to %scan3A_19 step %scan3A_20  : i32 {
      %mul3A_35 = arith.constant 2 : i32
      %mul3A_36 = arith.muli %scan3A_34, %mul3A_35 : i32
      %eq3A = arith.constant 0 : i32
      %eq3A_37 = arith.cmpi eq, %scan3A_34, %eq3A : i32
      %convert_element_type3A = arith.extui %eq3A_37 : i1 to i32
      %cond3A = arith.constant 0 : i32
      %cond3A_38 = arith.cmpi ne, %convert_element_type3A, %cond3A : i32
      scf.if %cond3A_38 {
        %dma_wait3A_59 = arith.constant 0 : i32
        %dma_wait3A_60 = arith.constant 0 : i32
        %dma_wait3A_61 = tpu.memref_slice %arg2[%dma_wait3A_59, %dma_wait3A_60] : memref<10000x128xf32, #tpu.memory_space<hbm>> -> memref<10000x128xf32, #tpu.memory_space<hbm>>
        tpu.wait_indirect_dma semaphore(%arg14 : memref<!tpu.dma_semaphore, #tpu.memory_space<semaphore_mem>>) src(%dma_wait3A_61 : memref<10000x128xf32, #tpu.memory_space<hbm>>) dst(%arg10 : memref<128x128xf32, #tpu.memory_space<vmem>>)
        %dma_start3A_62 = arith.constant 0 : i32
        %dma_start3A_63 = tpu.memref_slice %arg7[%mul3A_36, %dma_start3A_62] : memref<80x128xi32, #tpu.memory_space<vmem>> -> memref<1x128xi32, #tpu.memory_space<vmem>>
        %dma_start3A_64 = tpu.memref_squeeze %dma_start3A_63 : memref<1x128xi32, #tpu.memory_space<vmem>> -> memref<128xi32, #tpu.memory_space<vmem>>
        %dma_start3A_65 = arith.constant 0 : i32
        %dma_start3A_66 = arith.constant 0 : i32
        %dma_start3A_67 = tpu.memref_slice %arg18[%dma_start3A_65, %dma_start3A_66] : memref<10112x128xf32, #tpu.memory_space<vmem_shared>> -> memref<10112x128xf32, #tpu.memory_space<vmem_shared>>
        tpu.enqueue_indirect_dma source(%arg10 : memref<128x128xf32, #tpu.memory_space<vmem>>) target(%dma_start3A_67 : memref<10112x128xf32, #tpu.memory_space<vmem_shared>>) offsets(%dma_start3A_64 : memref<128xi32, #tpu.memory_space<vmem>>) semaphore(%arg16 : memref<!tpu.dma_semaphore, #tpu.memory_space<semaphore_mem>>) {add = true}
        %add3A_68 = arith.constant 2 : i32
        %add3A_69 = arith.addi %mul3A_36, %add3A_68 : i32
        %mul3A_70 = arith.constant 128 : i32
        %mul3A_71 = arith.muli %add3A_69, %mul3A_70 : i32
        %add3A_72 = arith.addi %mul3A_2, %mul3A_71 : i32
        %dma_start3A_73 = tpu.memref_slice %arg3[%add3A_72] : memref<327680xi32, #tpu.memory_space<hbm>> -> memref<128xi32, #tpu.memory_space<hbm>>
        %dma_start3A_74 = tpu.memref_slice %arg3[%add3A_72] : memref<327680xi32, #tpu.memory_space<hbm>> -> memref<128xi32, #tpu.memory_space<hbm>>
        tpu.enqueue_dma source(%dma_start3A_74 : memref<128xi32, #tpu.memory_space<hbm>>) target(%arg8 : memref<128xi32, #tpu.memory_space<vmem>>) target_semaphore(%arg12 : memref<!tpu.dma_semaphore, #tpu.memory_space<semaphore_mem>>)
        %dma_wait3A_75 = arith.constant 0 : i32
        %dma_wait3A_76 = tpu.memref_slice %arg3[%dma_wait3A_75] : memref<327680xi32, #tpu.memory_space<hbm>> -> memref<128xi32, #tpu.memory_space<hbm>>
        %dma_wait3A_77 = arith.constant 0 : i32
        %dma_wait3A_78 = tpu.memref_slice %arg3[%dma_wait3A_77] : memref<327680xi32, #tpu.memory_space<hbm>> -> memref<128xi32, #tpu.memory_space<hbm>>
        tpu.wait_dma2 semaphore(%arg13 : memref<!tpu.dma_semaphore, #tpu.memory_space<semaphore_mem>>) src(%dma_wait3A_78 : memref<128xi32, #tpu.memory_space<hbm>>) dst(%arg9 : memref<128xi32, #tpu.memory_space<vmem>>)
        %dma_start3A_79 = arith.constant 0 : i32
        %dma_start3A_80 = arith.constant 0 : i32
        %dma_start3A_81 = tpu.memref_slice %arg2[%dma_start3A_79, %dma_start3A_80] : memref<10000x128xf32, #tpu.memory_space<hbm>> -> memref<10000x128xf32, #tpu.memory_space<hbm>>
        tpu.enqueue_indirect_dma source(%dma_start3A_81 : memref<10000x128xf32, #tpu.memory_space<hbm>>) target(%arg11 : memref<128x128xf32, #tpu.memory_space<vmem>>) offsets(%arg9 : memref<128xi32, #tpu.memory_space<vmem>>) semaphore(%arg15 : memref<!tpu.dma_semaphore, #tpu.memory_space<semaphore_mem>>)
      } else {
      }
      %gt3A = arith.constant 0 : i32
      %gt3A_39 = arith.cmpi sgt, %scan3A_34, %gt3A : i32
      %lt3A = arith.constant 39 : i32
      %lt3A_40 = arith.cmpi slt, %scan3A_34, %lt3A : i32
      %and3A = arith.andi %gt3A_39, %lt3A_40 : i1
      %convert_element_type3A_41 = arith.extui %and3A : i1 to i32
      %cond3A_42 = arith.constant 0 : i32
      %cond3A_43 = arith.cmpi ne, %convert_element_type3A_41, %cond3A_42 : i32
      scf.if %cond3A_43 {
        %dma_wait3A_59 = arith.constant 0 : i32
        %dma_wait3A_60 = arith.constant 0 : i32
        %dma_wait3A_61 = tpu.memref_slice %arg2[%dma_wait3A_59, %dma_wait3A_60] : memref<10000x128xf32, #tpu.memory_space<hbm>> -> memref<10000x128xf32, #tpu.memory_space<hbm>>
        tpu.wait_indirect_dma semaphore(%arg14 : memref<!tpu.dma_semaphore, #tpu.memory_space<semaphore_mem>>) src(%dma_wait3A_61 : memref<10000x128xf32, #tpu.memory_space<hbm>>) dst(%arg10 : memref<128x128xf32, #tpu.memory_space<vmem>>)
        %dma_start3A_62 = arith.constant 0 : i32
        %dma_start3A_63 = tpu.memref_slice %arg7[%mul3A_36, %dma_start3A_62] : memref<80x128xi32, #tpu.memory_space<vmem>> -> memref<1x128xi32, #tpu.memory_space<vmem>>
        %dma_start3A_64 = tpu.memref_squeeze %dma_start3A_63 : memref<1x128xi32, #tpu.memory_space<vmem>> -> memref<128xi32, #tpu.memory_space<vmem>>
        %dma_start3A_65 = arith.constant 0 : i32
        %dma_start3A_66 = arith.constant 0 : i32
        %dma_start3A_67 = tpu.memref_slice %arg18[%dma_start3A_65, %dma_start3A_66] : memref<10112x128xf32, #tpu.memory_space<vmem_shared>> -> memref<10112x128xf32, #tpu.memory_space<vmem_shared>>
        tpu.enqueue_indirect_dma source(%arg10 : memref<128x128xf32, #tpu.memory_space<vmem>>) target(%dma_start3A_67 : memref<10112x128xf32, #tpu.memory_space<vmem_shared>>) offsets(%dma_start3A_64 : memref<128xi32, #tpu.memory_space<vmem>>) semaphore(%arg16 : memref<!tpu.dma_semaphore, #tpu.memory_space<semaphore_mem>>) {add = true}
        %add3A_68 = arith.constant 2 : i32
        %add3A_69 = arith.addi %mul3A_36, %add3A_68 : i32
        %mul3A_70 = arith.constant 128 : i32
        %mul3A_71 = arith.muli %add3A_69, %mul3A_70 : i32
        %add3A_72 = arith.addi %mul3A_2, %mul3A_71 : i32
        %dma_start3A_73 = tpu.memref_slice %arg3[%add3A_72] : memref<327680xi32, #tpu.memory_space<hbm>> -> memref<128xi32, #tpu.memory_space<hbm>>
        %dma_start3A_74 = tpu.memref_slice %arg3[%add3A_72] : memref<327680xi32, #tpu.memory_space<hbm>> -> memref<128xi32, #tpu.memory_space<hbm>>
        tpu.enqueue_dma source(%dma_start3A_74 : memref<128xi32, #tpu.memory_space<hbm>>) target(%arg8 : memref<128xi32, #tpu.memory_space<vmem>>) target_semaphore(%arg12 : memref<!tpu.dma_semaphore, #tpu.memory_space<semaphore_mem>>)
        %dma_wait3A_75 = arith.constant 0 : i32
        %dma_wait3A_76 = arith.constant 0 : i32
        %dma_wait3A_77 = tpu.memref_slice %arg7[%dma_wait3A_75, %dma_wait3A_76] : memref<80x128xi32, #tpu.memory_space<vmem>> -> memref<1x128xi32, #tpu.memory_space<vmem>>
        %dma_wait3A_78 = tpu.memref_squeeze %dma_wait3A_77 : memref<1x128xi32, #tpu.memory_space<vmem>> -> memref<128xi32, #tpu.memory_space<vmem>>
        %dma_wait3A_79 = arith.constant 0 : i32
        %dma_wait3A_80 = arith.constant 0 : i32
        %dma_wait3A_81 = tpu.memref_slice %arg18[%dma_wait3A_79, %dma_wait3A_80] : memref<10112x128xf32, #tpu.memory_space<vmem_shared>> -> memref<10112x128xf32, #tpu.memory_space<vmem_shared>>
        tpu.wait_indirect_dma semaphore(%arg17 : memref<!tpu.dma_semaphore, #tpu.memory_space<semaphore_mem>>) src(%arg11 : memref<128x128xf32, #tpu.memory_space<vmem>>) dst(%dma_wait3A_81 : memref<10112x128xf32, #tpu.memory_space<vmem_shared>>)
        %dma_wait3A_82 = arith.constant 0 : i32
        %dma_wait3A_83 = tpu.memref_slice %arg3[%dma_wait3A_82] : memref<327680xi32, #tpu.memory_space<hbm>> -> memref<128xi32, #tpu.memory_space<hbm>>
        %dma_wait3A_84 = arith.constant 0 : i32
        %dma_wait3A_85 = tpu.memref_slice %arg3[%dma_wait3A_84] : memref<327680xi32, #tpu.memory_space<hbm>> -> memref<128xi32, #tpu.memory_space<hbm>>
        tpu.wait_dma2 semaphore(%arg13 : memref<!tpu.dma_semaphore, #tpu.memory_space<semaphore_mem>>) src(%dma_wait3A_85 : memref<128xi32, #tpu.memory_space<hbm>>) dst(%arg9 : memref<128xi32, #tpu.memory_space<vmem>>)
        %dma_start3A_86 = arith.constant 0 : i32
        %dma_start3A_87 = arith.constant 0 : i32
        %dma_start3A_88 = tpu.memref_slice %arg2[%dma_start3A_86, %dma_start3A_87] : memref<10000x128xf32, #tpu.memory_space<hbm>> -> memref<10000x128xf32, #tpu.memory_space<hbm>>
        tpu.enqueue_indirect_dma source(%dma_start3A_88 : memref<10000x128xf32, #tpu.memory_space<hbm>>) target(%arg11 : memref<128x128xf32, #tpu.memory_space<vmem>>) offsets(%arg9 : memref<128xi32, #tpu.memory_space<vmem>>) semaphore(%arg15 : memref<!tpu.dma_semaphore, #tpu.memory_space<semaphore_mem>>)
      } else {
      }
      %eq3A_44 = arith.constant 39 : i32
      %eq3A_45 = arith.cmpi eq, %scan3A_34, %eq3A_44 : i32
      %convert_element_type3A_46 = arith.extui %eq3A_45 : i1 to i32
      %cond3A_47 = arith.constant 0 : i32
      %cond3A_48 = arith.cmpi ne, %convert_element_type3A_46, %cond3A_47 : i32
      scf.if %cond3A_48 {
        %dma_wait3A_59 = arith.constant 0 : i32
        %dma_wait3A_60 = arith.constant 0 : i32
        %dma_wait3A_61 = tpu.memref_slice %arg2[%dma_wait3A_59, %dma_wait3A_60] : memref<10000x128xf32, #tpu.memory_space<hbm>> -> memref<10000x128xf32, #tpu.memory_space<hbm>>
        tpu.wait_indirect_dma semaphore(%arg14 : memref<!tpu.dma_semaphore, #tpu.memory_space<semaphore_mem>>) src(%dma_wait3A_61 : memref<10000x128xf32, #tpu.memory_space<hbm>>) dst(%arg10 : memref<128x128xf32, #tpu.memory_space<vmem>>)
        %dma_start3A_62 = arith.constant 0 : i32
        %dma_start3A_63 = tpu.memref_slice %arg7[%mul3A_36, %dma_start3A_62] : memref<80x128xi32, #tpu.memory_space<vmem>> -> memref<1x128xi32, #tpu.memory_space<vmem>>
        %dma_start3A_64 = tpu.memref_squeeze %dma_start3A_63 : memref<1x128xi32, #tpu.memory_space<vmem>> -> memref<128xi32, #tpu.memory_space<vmem>>
        %dma_start3A_65 = arith.constant 0 : i32
        %dma_start3A_66 = arith.constant 0 : i32
        %dma_start3A_67 = tpu.memref_slice %arg18[%dma_start3A_65, %dma_start3A_66] : memref<10112x128xf32, #tpu.memory_space<vmem_shared>> -> memref<10112x128xf32, #tpu.memory_space<vmem_shared>>
        tpu.enqueue_indirect_dma source(%arg10 : memref<128x128xf32, #tpu.memory_space<vmem>>) target(%dma_start3A_67 : memref<10112x128xf32, #tpu.memory_space<vmem_shared>>) offsets(%dma_start3A_64 : memref<128xi32, #tpu.memory_space<vmem>>) semaphore(%arg16 : memref<!tpu.dma_semaphore, #tpu.memory_space<semaphore_mem>>) {add = true}
        %dma_wait3A_68 = arith.constant 0 : i32
        %dma_wait3A_69 = arith.constant 0 : i32
        %dma_wait3A_70 = tpu.memref_slice %arg7[%dma_wait3A_68, %dma_wait3A_69] : memref<80x128xi32, #tpu.memory_space<vmem>> -> memref<1x128xi32, #tpu.memory_space<vmem>>
        %dma_wait3A_71 = tpu.memref_squeeze %dma_wait3A_70 : memref<1x128xi32, #tpu.memory_space<vmem>> -> memref<128xi32, #tpu.memory_space<vmem>>
        %dma_wait3A_72 = arith.constant 0 : i32
        %dma_wait3A_73 = arith.constant 0 : i32
        %dma_wait3A_74 = tpu.memref_slice %arg18[%dma_wait3A_72, %dma_wait3A_73] : memref<10112x128xf32, #tpu.memory_space<vmem_shared>> -> memref<10112x128xf32, #tpu.memory_space<vmem_shared>>
        tpu.wait_indirect_dma semaphore(%arg17 : memref<!tpu.dma_semaphore, #tpu.memory_space<semaphore_mem>>) src(%arg11 : memref<128x128xf32, #tpu.memory_space<vmem>>) dst(%dma_wait3A_74 : memref<10112x128xf32, #tpu.memory_space<vmem_shared>>)
        %dma_wait3A_75 = arith.constant 0 : i32
        %dma_wait3A_76 = tpu.memref_slice %arg3[%dma_wait3A_75] : memref<327680xi32, #tpu.memory_space<hbm>> -> memref<128xi32, #tpu.memory_space<hbm>>
        %dma_wait3A_77 = arith.constant 0 : i32
        %dma_wait3A_78 = tpu.memref_slice %arg3[%dma_wait3A_77] : memref<327680xi32, #tpu.memory_space<hbm>> -> memref<128xi32, #tpu.memory_space<hbm>>
        tpu.wait_dma2 semaphore(%arg13 : memref<!tpu.dma_semaphore, #tpu.memory_space<semaphore_mem>>) src(%dma_wait3A_78 : memref<128xi32, #tpu.memory_space<hbm>>) dst(%arg9 : memref<128xi32, #tpu.memory_space<vmem>>)
        %dma_start3A_79 = arith.constant 0 : i32
        %dma_start3A_80 = arith.constant 0 : i32
        %dma_start3A_81 = tpu.memref_slice %arg2[%dma_start3A_79, %dma_start3A_80] : memref<10000x128xf32, #tpu.memory_space<hbm>> -> memref<10000x128xf32, #tpu.memory_space<hbm>>
        tpu.enqueue_indirect_dma source(%dma_start3A_81 : memref<10000x128xf32, #tpu.memory_space<hbm>>) target(%arg11 : memref<128x128xf32, #tpu.memory_space<vmem>>) offsets(%arg9 : memref<128xi32, #tpu.memory_space<vmem>>) semaphore(%arg15 : memref<!tpu.dma_semaphore, #tpu.memory_space<semaphore_mem>>)
      } else {
      }
      %lt3A_49 = arith.constant 39 : i32
      %lt3A_50 = arith.cmpi slt, %scan3A_34, %lt3A_49 : i32
      %convert_element_type3A_51 = arith.extui %lt3A_50 : i1 to i32
      %cond3A_52 = arith.constant 0 : i32
      %cond3A_53 = arith.cmpi ne, %convert_element_type3A_51, %cond3A_52 : i32
      scf.if %cond3A_53 {
        %add3A_59 = arith.constant 1 : i32
        %add3A_60 = arith.addi %mul3A_36, %add3A_59 : i32
        %dma_wait3A_61 = arith.constant 0 : i32
        %dma_wait3A_62 = arith.constant 0 : i32
        %dma_wait3A_63 = tpu.memref_slice %arg2[%dma_wait3A_61, %dma_wait3A_62] : memref<10000x128xf32, #tpu.memory_space<hbm>> -> memref<10000x128xf32, #tpu.memory_space<hbm>>
        tpu.wait_indirect_dma semaphore(%arg15 : memref<!tpu.dma_semaphore, #tpu.memory_space<semaphore_mem>>) src(%dma_wait3A_63 : memref<10000x128xf32, #tpu.memory_space<hbm>>) dst(%arg11 : memref<128x128xf32, #tpu.memory_space<vmem>>)
        %dma_start3A_64 = arith.constant 0 : i32
        %dma_start3A_65 = tpu.memref_slice %arg7[%add3A_60, %dma_start3A_64] : memref<80x128xi32, #tpu.memory_space<vmem>> -> memref<1x128xi32, #tpu.memory_space<vmem>>
        %dma_start3A_66 = tpu.memref_squeeze %dma_start3A_65 : memref<1x128xi32, #tpu.memory_space<vmem>> -> memref<128xi32, #tpu.memory_space<vmem>>
        %dma_start3A_67 = arith.constant 0 : i32
        %dma_start3A_68 = arith.constant 0 : i32
        %dma_start3A_69 = tpu.memref_slice %arg18[%dma_start3A_67, %dma_start3A_68] : memref<10112x128xf32, #tpu.memory_space<vmem_shared>> -> memref<10112x128xf32, #tpu.memory_space<vmem_shared>>
        tpu.enqueue_indirect_dma source(%arg11 : memref<128x128xf32, #tpu.memory_space<vmem>>) target(%dma_start3A_69 : memref<10112x128xf32, #tpu.memory_space<vmem_shared>>) offsets(%dma_start3A_66 : memref<128xi32, #tpu.memory_space<vmem>>) semaphore(%arg17 : memref<!tpu.dma_semaphore, #tpu.memory_space<semaphore_mem>>) {add = true}
        %add3A_70 = arith.constant 2 : i32
        %add3A_71 = arith.addi %add3A_60, %add3A_70 : i32
        %mul3A_72 = arith.constant 128 : i32
        %mul3A_73 = arith.muli %add3A_71, %mul3A_72 : i32
        %add3A_74 = arith.addi %mul3A_2, %mul3A_73 : i32
        %dma_start3A_75 = tpu.memref_slice %arg3[%add3A_74] : memref<327680xi32, #tpu.memory_space<hbm>> -> memref<128xi32, #tpu.memory_space<hbm>>
        %dma_start3A_76 = tpu.memref_slice %arg3[%add3A_74] : memref<327680xi32, #tpu.memory_space<hbm>> -> memref<128xi32, #tpu.memory_space<hbm>>
        tpu.enqueue_dma source(%dma_start3A_76 : memref<128xi32, #tpu.memory_space<hbm>>) target(%arg9 : memref<128xi32, #tpu.memory_space<vmem>>) target_semaphore(%arg13 : memref<!tpu.dma_semaphore, #tpu.memory_space<semaphore_mem>>)
        %dma_wait3A_77 = arith.constant 0 : i32
        %dma_wait3A_78 = arith.constant 0 : i32
        %dma_wait3A_79 = tpu.memref_slice %arg7[%dma_wait3A_77, %dma_wait3A_78] : memref<80x128xi32, #tpu.memory_space<vmem>> -> memref<1x128xi32, #tpu.memory_space<vmem>>
        %dma_wait3A_80 = tpu.memref_squeeze %dma_wait3A_79 : memref<1x128xi32, #tpu.memory_space<vmem>> -> memref<128xi32, #tpu.memory_space<vmem>>
        %dma_wait3A_81 = arith.constant 0 : i32
        %dma_wait3A_82 = arith.constant 0 : i32
        %dma_wait3A_83 = tpu.memref_slice %arg18[%dma_wait3A_81, %dma_wait3A_82] : memref<10112x128xf32, #tpu.memory_space<vmem_shared>> -> memref<10112x128xf32, #tpu.memory_space<vmem_shared>>
        tpu.wait_indirect_dma semaphore(%arg16 : memref<!tpu.dma_semaphore, #tpu.memory_space<semaphore_mem>>) src(%arg10 : memref<128x128xf32, #tpu.memory_space<vmem>>) dst(%dma_wait3A_83 : memref<10112x128xf32, #tpu.memory_space<vmem_shared>>)
        %dma_wait3A_84 = arith.constant 0 : i32
        %dma_wait3A_85 = tpu.memref_slice %arg3[%dma_wait3A_84] : memref<327680xi32, #tpu.memory_space<hbm>> -> memref<128xi32, #tpu.memory_space<hbm>>
        %dma_wait3A_86 = arith.constant 0 : i32
        %dma_wait3A_87 = tpu.memref_slice %arg3[%dma_wait3A_86] : memref<327680xi32, #tpu.memory_space<hbm>> -> memref<128xi32, #tpu.memory_space<hbm>>
        tpu.wait_dma2 semaphore(%arg12 : memref<!tpu.dma_semaphore, #tpu.memory_space<semaphore_mem>>) src(%dma_wait3A_87 : memref<128xi32, #tpu.memory_space<hbm>>) dst(%arg8 : memref<128xi32, #tpu.memory_space<vmem>>)
        %dma_start3A_88 = arith.constant 0 : i32
        %dma_start3A_89 = arith.constant 0 : i32
        %dma_start3A_90 = tpu.memref_slice %arg2[%dma_start3A_88, %dma_start3A_89] : memref<10000x128xf32, #tpu.memory_space<hbm>> -> memref<10000x128xf32, #tpu.memory_space<hbm>>
        tpu.enqueue_indirect_dma source(%dma_start3A_90 : memref<10000x128xf32, #tpu.memory_space<hbm>>) target(%arg10 : memref<128x128xf32, #tpu.memory_space<vmem>>) offsets(%arg8 : memref<128xi32, #tpu.memory_space<vmem>>) semaphore(%arg14 : memref<!tpu.dma_semaphore, #tpu.memory_space<semaphore_mem>>)
      } else {
      }
      %eq3A_54 = arith.constant 39 : i32
      %eq3A_55 = arith.cmpi eq, %scan3A_34, %eq3A_54 : i32
      %convert_element_type3A_56 = arith.extui %eq3A_55 : i1 to i32
      %cond3A_57 = arith.constant 0 : i32
      %cond3A_58 = arith.cmpi ne, %convert_element_type3A_56, %cond3A_57 : i32
      scf.if %cond3A_58 {
        %add3A_59 = arith.constant 1 : i32
        %add3A_60 = arith.addi %mul3A_36, %add3A_59 : i32
        %dma_wait3A_61 = arith.constant 0 : i32
        %dma_wait3A_62 = arith.constant 0 : i32
        %dma_wait3A_63 = tpu.memref_slice %arg2[%dma_wait3A_61, %dma_wait3A_62] : memref<10000x128xf32, #tpu.memory_space<hbm>> -> memref<10000x128xf32, #tpu.memory_space<hbm>>
        tpu.wait_indirect_dma semaphore(%arg15 : memref<!tpu.dma_semaphore, #tpu.memory_space<semaphore_mem>>) src(%dma_wait3A_63 : memref<10000x128xf32, #tpu.memory_space<hbm>>) dst(%arg11 : memref<128x128xf32, #tpu.memory_space<vmem>>)
        %dma_start3A_64 = arith.constant 0 : i32
        %dma_start3A_65 = tpu.memref_slice %arg7[%add3A_60, %dma_start3A_64] : memref<80x128xi32, #tpu.memory_space<vmem>> -> memref<1x128xi32, #tpu.memory_space<vmem>>
        %dma_start3A_66 = tpu.memref_squeeze %dma_start3A_65 : memref<1x128xi32, #tpu.memory_space<vmem>> -> memref<128xi32, #tpu.memory_space<vmem>>
        %dma_start3A_67 = arith.constant 0 : i32
        %dma_start3A_68 = arith.constant 0 : i32
        %dma_start3A_69 = tpu.memref_slice %arg18[%dma_start3A_67, %dma_start3A_68] : memref<10112x128xf32, #tpu.memory_space<vmem_shared>> -> memref<10112x128xf32, #tpu.memory_space<vmem_shared>>
        tpu.enqueue_indirect_dma source(%arg11 : memref<128x128xf32, #tpu.memory_space<vmem>>) target(%dma_start3A_69 : memref<10112x128xf32, #tpu.memory_space<vmem_shared>>) offsets(%dma_start3A_66 : memref<128xi32, #tpu.memory_space<vmem>>) semaphore(%arg17 : memref<!tpu.dma_semaphore, #tpu.memory_space<semaphore_mem>>) {add = true}
        %dma_wait3A_70 = arith.constant 0 : i32
        %dma_wait3A_71 = arith.constant 0 : i32
        %dma_wait3A_72 = tpu.memref_slice %arg7[%dma_wait3A_70, %dma_wait3A_71] : memref<80x128xi32, #tpu.memory_space<vmem>> -> memref<1x128xi32, #tpu.memory_space<vmem>>
        %dma_wait3A_73 = tpu.memref_squeeze %dma_wait3A_72 : memref<1x128xi32, #tpu.memory_space<vmem>> -> memref<128xi32, #tpu.memory_space<vmem>>
        %dma_wait3A_74 = arith.constant 0 : i32
        %dma_wait3A_75 = arith.constant 0 : i32
        %dma_wait3A_76 = tpu.memref_slice %arg18[%dma_wait3A_74, %dma_wait3A_75] : memref<10112x128xf32, #tpu.memory_space<vmem_shared>> -> memref<10112x128xf32, #tpu.memory_space<vmem_shared>>
        tpu.wait_indirect_dma semaphore(%arg16 : memref<!tpu.dma_semaphore, #tpu.memory_space<semaphore_mem>>) src(%arg10 : memref<128x128xf32, #tpu.memory_space<vmem>>) dst(%dma_wait3A_76 : memref<10112x128xf32, #tpu.memory_space<vmem_shared>>)
      } else {
      }
    }
    %scan3A_21 = arith.constant 40 : i32
    %dma_wait3A_22 = arith.constant 0 : i32
    %dma_wait3A_23 = arith.constant 0 : i32
    %dma_wait3A_24 = tpu.memref_slice %arg7[%dma_wait3A_22, %dma_wait3A_23] : memref<80x128xi32, #tpu.memory_space<vmem>> -> memref<1x128xi32, #tpu.memory_space<vmem>>
    %dma_wait3A_25 = tpu.memref_squeeze %dma_wait3A_24 : memref<1x128xi32, #tpu.memory_space<vmem>> -> memref<128xi32, #tpu.memory_space<vmem>>
    %dma_wait3A_26 = arith.constant 0 : i32
    %dma_wait3A_27 = arith.constant 0 : i32
    %dma_wait3A_28 = tpu.memref_slice %arg18[%dma_wait3A_26, %dma_wait3A_27] : memref<10112x128xf32, #tpu.memory_space<vmem_shared>> -> memref<10112x128xf32, #tpu.memory_space<vmem_shared>>
    tpu.wait_indirect_dma semaphore(%arg17 : memref<!tpu.dma_semaphore, #tpu.memory_space<semaphore_mem>>) src(%arg11 : memref<128x128xf32, #tpu.memory_space<vmem>>) dst(%dma_wait3A_28 : memref<10112x128xf32, #tpu.memory_space<vmem_shared>>)
    %barrier3A_29 = arith.constant 0 : index
    tpu.barrier barrier_id(%barrier3A_29)
    %mul3A_30 = arith.constant 632 : i32
    %mul3A_31 = arith.muli %arg1, %mul3A_30 : i32
    %mul3A_32 = arith.constant 632 : i32
    %mul3A_33 = arith.muli %arg1, %mul3A_32 : i32
    "tpu.region"() ({
      %run_scoped3A = tpu.sem_alloc : memref<!tpu.dma_semaphore, #tpu.memory_space<semaphore_mem>>
      %dma_start3A_34 = arith.constant 0 : i32
      %dma_start3A_35 = tpu.memref_slice %arg6[%arg0, %mul3A_33, %dma_start3A_34] : memref<2x10112x128xf32, #tpu.memory_space<hbm>> -> memref<1x632x128xf32, #tpu.memory_space<hbm>>
      %dma_start3A_36 = tpu.memref_squeeze %dma_start3A_35 : memref<1x632x128xf32, #tpu.memory_space<hbm>> -> memref<632x128xf32, #tpu.memory_space<hbm>>
      %dma_start3A_37 = arith.constant 0 : i32
      %dma_start3A_38 = tpu.memref_slice %arg18[%mul3A_31, %dma_start3A_37] : memref<10112x128xf32, #tpu.memory_space<vmem_shared>> -> memref<632x128xf32, #tpu.memory_space<vmem_shared>>
      tpu.enqueue_dma source(%dma_start3A_38 : memref<632x128xf32, #tpu.memory_space<vmem_shared>>) target(%dma_start3A_36 : memref<632x128xf32, #tpu.memory_space<hbm>>) target_semaphore(%run_scoped3A : memref<!tpu.dma_semaphore, #tpu.memory_space<semaphore_mem>>)
      %dma_wait3A_39 = arith.constant 0 : i32
      %dma_wait3A_40 = tpu.memref_slice %arg6[%arg0, %mul3A_33, %dma_wait3A_39] : memref<2x10112x128xf32, #tpu.memory_space<hbm>> -> memref<1x632x128xf32, #tpu.memory_space<hbm>>
      %dma_wait3A_41 = tpu.memref_squeeze %dma_wait3A_40 : memref<1x632x128xf32, #tpu.memory_space<hbm>> -> memref<632x128xf32, #tpu.memory_space<hbm>>
      %dma_wait3A_42 = arith.constant 0 : i32
      %dma_wait3A_43 = tpu.memref_slice %arg18[%mul3A_31, %dma_wait3A_42] : memref<10112x128xf32, #tpu.memory_space<vmem_shared>> -> memref<632x128xf32, #tpu.memory_space<vmem_shared>>
      tpu.wait_dma2 semaphore(%run_scoped3A : memref<!tpu.dma_semaphore, #tpu.memory_space<semaphore_mem>>) src(%dma_wait3A_43 : memref<632x128xf32, #tpu.memory_space<vmem_shared>>) dst(%dma_wait3A_41 : memref<632x128xf32, #tpu.memory_space<hbm>>)
      tpu.yield
    }) : () -> ()
    return
  }
}

#map = affine_map<(d0, d1) -> (0, 0)>
#map1 = affine_map<(d0, d1) -> (0)>
#map2 = affine_map<(d0, d1) -> (0, 0, 0)>
module attributes {stable_mosaic.version = 14 : i64} {
  func.func @sc_segsum(%arg0: i32, %arg1: i32, %arg2: memref<2048x128xf32, #tpu.memory_space<hbm>>, %arg3: memref<327680xi32, #tpu.memory_space<hbm>>, %arg4: memref<32x80x128xi32, #tpu.memory_space<hbm>>, %arg5: memref<632x128xf32, #tpu.memory_space<hbm>>, %arg6: memref<2x10112x128xf32, #tpu.memory_space<hbm>>, %arg7: memref<80x128xi32, #tpu.memory_space<vmem>>, %arg8: memref<128xi32, #tpu.memory_space<vmem>>, %arg9: memref<128xi32, #tpu.memory_space<vmem>>, %arg10: memref<128x128xf32, #tpu.memory_space<vmem>>, %arg11: memref<128x128xf32, #tpu.memory_space<vmem>>, %arg12: memref<!tpu.dma_semaphore, #tpu.memory_space<semaphore_mem>>, %arg13: memref<!tpu.dma_semaphore, #tpu.memory_space<semaphore_mem>>, %arg14: memref<!tpu.dma_semaphore, #tpu.memory_space<semaphore_mem>>, %arg15: memref<!tpu.dma_semaphore, #tpu.memory_space<semaphore_mem>>, %arg16: memref<!tpu.dma_semaphore, #tpu.memory_space<semaphore_mem>>, %arg17: memref<!tpu.dma_semaphore, #tpu.memory_space<semaphore_mem>>, %arg18: memref<10112x128xf32, #tpu.memory_space<vmem_shared>>) attributes {dimension_semantics = [#tpu.dimension_semantics<core_parallel>, #tpu.dimension_semantics<subcore_parallel>], iteration_bounds = array<i64: 2, 16>, scalar_prefetch = 0 : i64, scratch_operands = 12 : i64, tpu.core_type = #tpu.core_type<sc_vector_subcore>, window_params = [{transform_indices = #map}, {transform_indices = #map1}, {transform_indices = #map2}, {transform_indices = #map}, {transform_indices = #map2}]} {
    %mul3A = arith.constant 16 : i32
    %mul3A_0 = arith.muli %arg0, %mul3A : i32
    %add3A = arith.addi %mul3A_0, %arg1 : i32
    %mul3A_1 = arith.constant 10240 : i32
    %mul3A_2 = arith.muli %add3A, %mul3A_1 : i32
    %mul3A_3 = arith.constant 632 : i32
    %mul3A_4 = arith.muli %arg1, %mul3A_3 : i32
    "tpu.region"() ({
      %run_scoped3A = tpu.sem_alloc : memref<!tpu.dma_semaphore, #tpu.memory_space<semaphore_mem>>
      %dma_start3A_34 = arith.constant 0 : i32
      %dma_start3A_35 = tpu.memref_slice %arg18[%mul3A_4, %dma_start3A_34] : memref<10112x128xf32, #tpu.memory_space<vmem_shared>> -> memref<632x128xf32, #tpu.memory_space<vmem_shared>>
      tpu.enqueue_dma source(%arg5 : memref<632x128xf32, #tpu.memory_space<hbm>>) target(%dma_start3A_35 : memref<632x128xf32, #tpu.memory_space<vmem_shared>>) target_semaphore(%run_scoped3A : memref<!tpu.dma_semaphore, #tpu.memory_space<semaphore_mem>>)
      %dma_wait3A_36 = arith.constant 0 : i32
      %dma_wait3A_37 = tpu.memref_slice %arg18[%mul3A_4, %dma_wait3A_36] : memref<10112x128xf32, #tpu.memory_space<vmem_shared>> -> memref<632x128xf32, #tpu.memory_space<vmem_shared>>
      tpu.wait_dma2 semaphore(%run_scoped3A : memref<!tpu.dma_semaphore, #tpu.memory_space<semaphore_mem>>) src(%arg5 : memref<632x128xf32, #tpu.memory_space<hbm>>) dst(%dma_wait3A_37 : memref<632x128xf32, #tpu.memory_space<vmem_shared>>)
      tpu.yield
    }) : () -> ()
    "tpu.region"() ({
      %run_scoped3A = tpu.sem_alloc : memref<!tpu.dma_semaphore, #tpu.memory_space<semaphore_mem>>
      %dma_start3A_34 = arith.constant 0 : i32
      %dma_start3A_35 = arith.constant 0 : i32
      %dma_start3A_36 = tpu.memref_slice %arg4[%add3A, %dma_start3A_34, %dma_start3A_35] : memref<32x80x128xi32, #tpu.memory_space<hbm>> -> memref<1x80x128xi32, #tpu.memory_space<hbm>>
      %dma_start3A_37 = tpu.memref_squeeze %dma_start3A_36 : memref<1x80x128xi32, #tpu.memory_space<hbm>> -> memref<80x128xi32, #tpu.memory_space<hbm>>
      %dma_start3A_38 = arith.constant 0 : i32
      %dma_start3A_39 = arith.constant 0 : i32
      %dma_start3A_40 = tpu.memref_slice %arg4[%add3A, %dma_start3A_38, %dma_start3A_39] : memref<32x80x128xi32, #tpu.memory_space<hbm>> -> memref<1x80x128xi32, #tpu.memory_space<hbm>>
      %dma_start3A_41 = tpu.memref_squeeze %dma_start3A_40 : memref<1x80x128xi32, #tpu.memory_space<hbm>> -> memref<80x128xi32, #tpu.memory_space<hbm>>
      tpu.enqueue_dma source(%dma_start3A_41 : memref<80x128xi32, #tpu.memory_space<hbm>>) target(%arg7 : memref<80x128xi32, #tpu.memory_space<vmem>>) target_semaphore(%run_scoped3A : memref<!tpu.dma_semaphore, #tpu.memory_space<semaphore_mem>>)
      %dma_wait3A_42 = arith.constant 0 : i32
      %dma_wait3A_43 = arith.constant 0 : i32
      %dma_wait3A_44 = tpu.memref_slice %arg4[%add3A, %dma_wait3A_42, %dma_wait3A_43] : memref<32x80x128xi32, #tpu.memory_space<hbm>> -> memref<1x80x128xi32, #tpu.memory_space<hbm>>
      %dma_wait3A_45 = tpu.memref_squeeze %dma_wait3A_44 : memref<1x80x128xi32, #tpu.memory_space<hbm>> -> memref<80x128xi32, #tpu.memory_space<hbm>>
      %dma_wait3A_46 = arith.constant 0 : i32
      %dma_wait3A_47 = arith.constant 0 : i32
      %dma_wait3A_48 = tpu.memref_slice %arg4[%add3A, %dma_wait3A_46, %dma_wait3A_47] : memref<32x80x128xi32, #tpu.memory_space<hbm>> -> memref<1x80x128xi32, #tpu.memory_space<hbm>>
      %dma_wait3A_49 = tpu.memref_squeeze %dma_wait3A_48 : memref<1x80x128xi32, #tpu.memory_space<hbm>> -> memref<80x128xi32, #tpu.memory_space<hbm>>
      tpu.wait_dma2 semaphore(%run_scoped3A : memref<!tpu.dma_semaphore, #tpu.memory_space<semaphore_mem>>) src(%dma_wait3A_49 : memref<80x128xi32, #tpu.memory_space<hbm>>) dst(%arg7 : memref<80x128xi32, #tpu.memory_space<vmem>>)
      tpu.yield
    }) : () -> ()
    %barrier3A = arith.constant 0 : index
    tpu.barrier barrier_id(%barrier3A)
    %add3A_5 = arith.constant 0 : i32
    %add3A_6 = arith.addi %mul3A_2, %add3A_5 : i32
    %dma_start3A = tpu.memref_slice %arg3[%add3A_6] : memref<327680xi32, #tpu.memory_space<hbm>> -> memref<128xi32, #tpu.memory_space<hbm>>
    %dma_start3A_7 = tpu.memref_slice %arg3[%add3A_6] : memref<327680xi32, #tpu.memory_space<hbm>> -> memref<128xi32, #tpu.memory_space<hbm>>
    tpu.enqueue_dma source(%dma_start3A_7 : memref<128xi32, #tpu.memory_space<hbm>>) target(%arg8 : memref<128xi32, #tpu.memory_space<vmem>>) target_semaphore(%arg12 : memref<!tpu.dma_semaphore, #tpu.memory_space<semaphore_mem>>)
    %add3A_8 = arith.constant 128 : i32
    %add3A_9 = arith.addi %mul3A_2, %add3A_8 : i32
    %dma_start3A_10 = tpu.memref_slice %arg3[%add3A_9] : memref<327680xi32, #tpu.memory_space<hbm>> -> memref<128xi32, #tpu.memory_space<hbm>>
    %dma_start3A_11 = tpu.memref_slice %arg3[%add3A_9] : memref<327680xi32, #tpu.memory_space<hbm>> -> memref<128xi32, #tpu.memory_space<hbm>>
    tpu.enqueue_dma source(%dma_start3A_11 : memref<128xi32, #tpu.memory_space<hbm>>) target(%arg9 : memref<128xi32, #tpu.memory_space<vmem>>) target_semaphore(%arg13 : memref<!tpu.dma_semaphore, #tpu.memory_space<semaphore_mem>>)
    %dma_wait3A = arith.constant 0 : i32
    %dma_wait3A_12 = tpu.memref_slice %arg3[%dma_wait3A] : memref<327680xi32, #tpu.memory_space<hbm>> -> memref<128xi32, #tpu.memory_space<hbm>>
    %dma_wait3A_13 = arith.constant 0 : i32
    %dma_wait3A_14 = tpu.memref_slice %arg3[%dma_wait3A_13] : memref<327680xi32, #tpu.memory_space<hbm>> -> memref<128xi32, #tpu.memory_space<hbm>>
    tpu.wait_dma2 semaphore(%arg12 : memref<!tpu.dma_semaphore, #tpu.memory_space<semaphore_mem>>) src(%dma_wait3A_14 : memref<128xi32, #tpu.memory_space<hbm>>) dst(%arg8 : memref<128xi32, #tpu.memory_space<vmem>>)
    %dma_start3A_15 = arith.constant 0 : i32
    %dma_start3A_16 = arith.constant 0 : i32
    %dma_start3A_17 = tpu.memref_slice %arg2[%dma_start3A_15, %dma_start3A_16] : memref<2048x128xf32, #tpu.memory_space<hbm>> -> memref<2048x128xf32, #tpu.memory_space<hbm>>
    tpu.enqueue_indirect_dma source(%dma_start3A_17 : memref<2048x128xf32, #tpu.memory_space<hbm>>) target(%arg10 : memref<128x128xf32, #tpu.memory_space<vmem>>) offsets(%arg8 : memref<128xi32, #tpu.memory_space<vmem>>) semaphore(%arg14 : memref<!tpu.dma_semaphore, #tpu.memory_space<semaphore_mem>>)
    %scan3A = arith.constant 0 : i32
    %scan3A_18 = arith.constant 40 : i32
    %scan3A_19 = arith.addi %scan3A, %scan3A_18 : i32
    %scan3A_20 = arith.constant 1 : i32
    scf.for %scan3A_34 = %scan3A to %scan3A_19 step %scan3A_20  : i32 {
      %mul3A_35 = arith.constant 2 : i32
      %mul3A_36 = arith.muli %scan3A_34, %mul3A_35 : i32
      %eq3A = arith.constant 0 : i32
      %eq3A_37 = arith.cmpi eq, %scan3A_34, %eq3A : i32
      %convert_element_type3A = arith.extui %eq3A_37 : i1 to i32
      %cond3A = arith.constant 0 : i32
      %cond3A_38 = arith.cmpi ne, %convert_element_type3A, %cond3A : i32
      scf.if %cond3A_38 {
        %dma_wait3A_59 = arith.constant 0 : i32
        %dma_wait3A_60 = arith.constant 0 : i32
        %dma_wait3A_61 = tpu.memref_slice %arg2[%dma_wait3A_59, %dma_wait3A_60] : memref<2048x128xf32, #tpu.memory_space<hbm>> -> memref<2048x128xf32, #tpu.memory_space<hbm>>
        tpu.wait_indirect_dma semaphore(%arg14 : memref<!tpu.dma_semaphore, #tpu.memory_space<semaphore_mem>>) src(%dma_wait3A_61 : memref<2048x128xf32, #tpu.memory_space<hbm>>) dst(%arg10 : memref<128x128xf32, #tpu.memory_space<vmem>>)
        %dma_start3A_62 = arith.constant 0 : i32
        %dma_start3A_63 = tpu.memref_slice %arg7[%mul3A_36, %dma_start3A_62] : memref<80x128xi32, #tpu.memory_space<vmem>> -> memref<1x128xi32, #tpu.memory_space<vmem>>
        %dma_start3A_64 = tpu.memref_squeeze %dma_start3A_63 : memref<1x128xi32, #tpu.memory_space<vmem>> -> memref<128xi32, #tpu.memory_space<vmem>>
        %dma_start3A_65 = arith.constant 0 : i32
        %dma_start3A_66 = arith.constant 0 : i32
        %dma_start3A_67 = tpu.memref_slice %arg18[%dma_start3A_65, %dma_start3A_66] : memref<10112x128xf32, #tpu.memory_space<vmem_shared>> -> memref<10112x128xf32, #tpu.memory_space<vmem_shared>>
        tpu.enqueue_indirect_dma source(%arg10 : memref<128x128xf32, #tpu.memory_space<vmem>>) target(%dma_start3A_67 : memref<10112x128xf32, #tpu.memory_space<vmem_shared>>) offsets(%dma_start3A_64 : memref<128xi32, #tpu.memory_space<vmem>>) semaphore(%arg16 : memref<!tpu.dma_semaphore, #tpu.memory_space<semaphore_mem>>) {add = true}
        %add3A_68 = arith.constant 2 : i32
        %add3A_69 = arith.addi %mul3A_36, %add3A_68 : i32
        %mul3A_70 = arith.constant 128 : i32
        %mul3A_71 = arith.muli %add3A_69, %mul3A_70 : i32
        %add3A_72 = arith.addi %mul3A_2, %mul3A_71 : i32
        %dma_start3A_73 = tpu.memref_slice %arg3[%add3A_72] : memref<327680xi32, #tpu.memory_space<hbm>> -> memref<128xi32, #tpu.memory_space<hbm>>
        %dma_start3A_74 = tpu.memref_slice %arg3[%add3A_72] : memref<327680xi32, #tpu.memory_space<hbm>> -> memref<128xi32, #tpu.memory_space<hbm>>
        tpu.enqueue_dma source(%dma_start3A_74 : memref<128xi32, #tpu.memory_space<hbm>>) target(%arg8 : memref<128xi32, #tpu.memory_space<vmem>>) target_semaphore(%arg12 : memref<!tpu.dma_semaphore, #tpu.memory_space<semaphore_mem>>)
        %dma_wait3A_75 = arith.constant 0 : i32
        %dma_wait3A_76 = tpu.memref_slice %arg3[%dma_wait3A_75] : memref<327680xi32, #tpu.memory_space<hbm>> -> memref<128xi32, #tpu.memory_space<hbm>>
        %dma_wait3A_77 = arith.constant 0 : i32
        %dma_wait3A_78 = tpu.memref_slice %arg3[%dma_wait3A_77] : memref<327680xi32, #tpu.memory_space<hbm>> -> memref<128xi32, #tpu.memory_space<hbm>>
        tpu.wait_dma2 semaphore(%arg13 : memref<!tpu.dma_semaphore, #tpu.memory_space<semaphore_mem>>) src(%dma_wait3A_78 : memref<128xi32, #tpu.memory_space<hbm>>) dst(%arg9 : memref<128xi32, #tpu.memory_space<vmem>>)
        %dma_start3A_79 = arith.constant 0 : i32
        %dma_start3A_80 = arith.constant 0 : i32
        %dma_start3A_81 = tpu.memref_slice %arg2[%dma_start3A_79, %dma_start3A_80] : memref<2048x128xf32, #tpu.memory_space<hbm>> -> memref<2048x128xf32, #tpu.memory_space<hbm>>
        tpu.enqueue_indirect_dma source(%dma_start3A_81 : memref<2048x128xf32, #tpu.memory_space<hbm>>) target(%arg11 : memref<128x128xf32, #tpu.memory_space<vmem>>) offsets(%arg9 : memref<128xi32, #tpu.memory_space<vmem>>) semaphore(%arg15 : memref<!tpu.dma_semaphore, #tpu.memory_space<semaphore_mem>>)
      } else {
      }
      %gt3A = arith.constant 0 : i32
      %gt3A_39 = arith.cmpi sgt, %scan3A_34, %gt3A : i32
      %lt3A = arith.constant 39 : i32
      %lt3A_40 = arith.cmpi slt, %scan3A_34, %lt3A : i32
      %and3A = arith.andi %gt3A_39, %lt3A_40 : i1
      %convert_element_type3A_41 = arith.extui %and3A : i1 to i32
      %cond3A_42 = arith.constant 0 : i32
      %cond3A_43 = arith.cmpi ne, %convert_element_type3A_41, %cond3A_42 : i32
      scf.if %cond3A_43 {
        %dma_wait3A_59 = arith.constant 0 : i32
        %dma_wait3A_60 = arith.constant 0 : i32
        %dma_wait3A_61 = tpu.memref_slice %arg2[%dma_wait3A_59, %dma_wait3A_60] : memref<2048x128xf32, #tpu.memory_space<hbm>> -> memref<2048x128xf32, #tpu.memory_space<hbm>>
        tpu.wait_indirect_dma semaphore(%arg14 : memref<!tpu.dma_semaphore, #tpu.memory_space<semaphore_mem>>) src(%dma_wait3A_61 : memref<2048x128xf32, #tpu.memory_space<hbm>>) dst(%arg10 : memref<128x128xf32, #tpu.memory_space<vmem>>)
        %dma_start3A_62 = arith.constant 0 : i32
        %dma_start3A_63 = tpu.memref_slice %arg7[%mul3A_36, %dma_start3A_62] : memref<80x128xi32, #tpu.memory_space<vmem>> -> memref<1x128xi32, #tpu.memory_space<vmem>>
        %dma_start3A_64 = tpu.memref_squeeze %dma_start3A_63 : memref<1x128xi32, #tpu.memory_space<vmem>> -> memref<128xi32, #tpu.memory_space<vmem>>
        %dma_start3A_65 = arith.constant 0 : i32
        %dma_start3A_66 = arith.constant 0 : i32
        %dma_start3A_67 = tpu.memref_slice %arg18[%dma_start3A_65, %dma_start3A_66] : memref<10112x128xf32, #tpu.memory_space<vmem_shared>> -> memref<10112x128xf32, #tpu.memory_space<vmem_shared>>
        tpu.enqueue_indirect_dma source(%arg10 : memref<128x128xf32, #tpu.memory_space<vmem>>) target(%dma_start3A_67 : memref<10112x128xf32, #tpu.memory_space<vmem_shared>>) offsets(%dma_start3A_64 : memref<128xi32, #tpu.memory_space<vmem>>) semaphore(%arg16 : memref<!tpu.dma_semaphore, #tpu.memory_space<semaphore_mem>>) {add = true}
        %add3A_68 = arith.constant 2 : i32
        %add3A_69 = arith.addi %mul3A_36, %add3A_68 : i32
        %mul3A_70 = arith.constant 128 : i32
        %mul3A_71 = arith.muli %add3A_69, %mul3A_70 : i32
        %add3A_72 = arith.addi %mul3A_2, %mul3A_71 : i32
        %dma_start3A_73 = tpu.memref_slice %arg3[%add3A_72] : memref<327680xi32, #tpu.memory_space<hbm>> -> memref<128xi32, #tpu.memory_space<hbm>>
        %dma_start3A_74 = tpu.memref_slice %arg3[%add3A_72] : memref<327680xi32, #tpu.memory_space<hbm>> -> memref<128xi32, #tpu.memory_space<hbm>>
        tpu.enqueue_dma source(%dma_start3A_74 : memref<128xi32, #tpu.memory_space<hbm>>) target(%arg8 : memref<128xi32, #tpu.memory_space<vmem>>) target_semaphore(%arg12 : memref<!tpu.dma_semaphore, #tpu.memory_space<semaphore_mem>>)
        %dma_wait3A_75 = arith.constant 0 : i32
        %dma_wait3A_76 = arith.constant 0 : i32
        %dma_wait3A_77 = tpu.memref_slice %arg7[%dma_wait3A_75, %dma_wait3A_76] : memref<80x128xi32, #tpu.memory_space<vmem>> -> memref<1x128xi32, #tpu.memory_space<vmem>>
        %dma_wait3A_78 = tpu.memref_squeeze %dma_wait3A_77 : memref<1x128xi32, #tpu.memory_space<vmem>> -> memref<128xi32, #tpu.memory_space<vmem>>
        %dma_wait3A_79 = arith.constant 0 : i32
        %dma_wait3A_80 = arith.constant 0 : i32
        %dma_wait3A_81 = tpu.memref_slice %arg18[%dma_wait3A_79, %dma_wait3A_80] : memref<10112x128xf32, #tpu.memory_space<vmem_shared>> -> memref<10112x128xf32, #tpu.memory_space<vmem_shared>>
        tpu.wait_indirect_dma semaphore(%arg17 : memref<!tpu.dma_semaphore, #tpu.memory_space<semaphore_mem>>) src(%arg11 : memref<128x128xf32, #tpu.memory_space<vmem>>) dst(%dma_wait3A_81 : memref<10112x128xf32, #tpu.memory_space<vmem_shared>>)
        %dma_wait3A_82 = arith.constant 0 : i32
        %dma_wait3A_83 = tpu.memref_slice %arg3[%dma_wait3A_82] : memref<327680xi32, #tpu.memory_space<hbm>> -> memref<128xi32, #tpu.memory_space<hbm>>
        %dma_wait3A_84 = arith.constant 0 : i32
        %dma_wait3A_85 = tpu.memref_slice %arg3[%dma_wait3A_84] : memref<327680xi32, #tpu.memory_space<hbm>> -> memref<128xi32, #tpu.memory_space<hbm>>
        tpu.wait_dma2 semaphore(%arg13 : memref<!tpu.dma_semaphore, #tpu.memory_space<semaphore_mem>>) src(%dma_wait3A_85 : memref<128xi32, #tpu.memory_space<hbm>>) dst(%arg9 : memref<128xi32, #tpu.memory_space<vmem>>)
        %dma_start3A_86 = arith.constant 0 : i32
        %dma_start3A_87 = arith.constant 0 : i32
        %dma_start3A_88 = tpu.memref_slice %arg2[%dma_start3A_86, %dma_start3A_87] : memref<2048x128xf32, #tpu.memory_space<hbm>> -> memref<2048x128xf32, #tpu.memory_space<hbm>>
        tpu.enqueue_indirect_dma source(%dma_start3A_88 : memref<2048x128xf32, #tpu.memory_space<hbm>>) target(%arg11 : memref<128x128xf32, #tpu.memory_space<vmem>>) offsets(%arg9 : memref<128xi32, #tpu.memory_space<vmem>>) semaphore(%arg15 : memref<!tpu.dma_semaphore, #tpu.memory_space<semaphore_mem>>)
      } else {
      }
      %eq3A_44 = arith.constant 39 : i32
      %eq3A_45 = arith.cmpi eq, %scan3A_34, %eq3A_44 : i32
      %convert_element_type3A_46 = arith.extui %eq3A_45 : i1 to i32
      %cond3A_47 = arith.constant 0 : i32
      %cond3A_48 = arith.cmpi ne, %convert_element_type3A_46, %cond3A_47 : i32
      scf.if %cond3A_48 {
        %dma_wait3A_59 = arith.constant 0 : i32
        %dma_wait3A_60 = arith.constant 0 : i32
        %dma_wait3A_61 = tpu.memref_slice %arg2[%dma_wait3A_59, %dma_wait3A_60] : memref<2048x128xf32, #tpu.memory_space<hbm>> -> memref<2048x128xf32, #tpu.memory_space<hbm>>
        tpu.wait_indirect_dma semaphore(%arg14 : memref<!tpu.dma_semaphore, #tpu.memory_space<semaphore_mem>>) src(%dma_wait3A_61 : memref<2048x128xf32, #tpu.memory_space<hbm>>) dst(%arg10 : memref<128x128xf32, #tpu.memory_space<vmem>>)
        %dma_start3A_62 = arith.constant 0 : i32
        %dma_start3A_63 = tpu.memref_slice %arg7[%mul3A_36, %dma_start3A_62] : memref<80x128xi32, #tpu.memory_space<vmem>> -> memref<1x128xi32, #tpu.memory_space<vmem>>
        %dma_start3A_64 = tpu.memref_squeeze %dma_start3A_63 : memref<1x128xi32, #tpu.memory_space<vmem>> -> memref<128xi32, #tpu.memory_space<vmem>>
        %dma_start3A_65 = arith.constant 0 : i32
        %dma_start3A_66 = arith.constant 0 : i32
        %dma_start3A_67 = tpu.memref_slice %arg18[%dma_start3A_65, %dma_start3A_66] : memref<10112x128xf32, #tpu.memory_space<vmem_shared>> -> memref<10112x128xf32, #tpu.memory_space<vmem_shared>>
        tpu.enqueue_indirect_dma source(%arg10 : memref<128x128xf32, #tpu.memory_space<vmem>>) target(%dma_start3A_67 : memref<10112x128xf32, #tpu.memory_space<vmem_shared>>) offsets(%dma_start3A_64 : memref<128xi32, #tpu.memory_space<vmem>>) semaphore(%arg16 : memref<!tpu.dma_semaphore, #tpu.memory_space<semaphore_mem>>) {add = true}
        %dma_wait3A_68 = arith.constant 0 : i32
        %dma_wait3A_69 = arith.constant 0 : i32
        %dma_wait3A_70 = tpu.memref_slice %arg7[%dma_wait3A_68, %dma_wait3A_69] : memref<80x128xi32, #tpu.memory_space<vmem>> -> memref<1x128xi32, #tpu.memory_space<vmem>>
        %dma_wait3A_71 = tpu.memref_squeeze %dma_wait3A_70 : memref<1x128xi32, #tpu.memory_space<vmem>> -> memref<128xi32, #tpu.memory_space<vmem>>
        %dma_wait3A_72 = arith.constant 0 : i32
        %dma_wait3A_73 = arith.constant 0 : i32
        %dma_wait3A_74 = tpu.memref_slice %arg18[%dma_wait3A_72, %dma_wait3A_73] : memref<10112x128xf32, #tpu.memory_space<vmem_shared>> -> memref<10112x128xf32, #tpu.memory_space<vmem_shared>>
        tpu.wait_indirect_dma semaphore(%arg17 : memref<!tpu.dma_semaphore, #tpu.memory_space<semaphore_mem>>) src(%arg11 : memref<128x128xf32, #tpu.memory_space<vmem>>) dst(%dma_wait3A_74 : memref<10112x128xf32, #tpu.memory_space<vmem_shared>>)
        %dma_wait3A_75 = arith.constant 0 : i32
        %dma_wait3A_76 = tpu.memref_slice %arg3[%dma_wait3A_75] : memref<327680xi32, #tpu.memory_space<hbm>> -> memref<128xi32, #tpu.memory_space<hbm>>
        %dma_wait3A_77 = arith.constant 0 : i32
        %dma_wait3A_78 = tpu.memref_slice %arg3[%dma_wait3A_77] : memref<327680xi32, #tpu.memory_space<hbm>> -> memref<128xi32, #tpu.memory_space<hbm>>
        tpu.wait_dma2 semaphore(%arg13 : memref<!tpu.dma_semaphore, #tpu.memory_space<semaphore_mem>>) src(%dma_wait3A_78 : memref<128xi32, #tpu.memory_space<hbm>>) dst(%arg9 : memref<128xi32, #tpu.memory_space<vmem>>)
        %dma_start3A_79 = arith.constant 0 : i32
        %dma_start3A_80 = arith.constant 0 : i32
        %dma_start3A_81 = tpu.memref_slice %arg2[%dma_start3A_79, %dma_start3A_80] : memref<2048x128xf32, #tpu.memory_space<hbm>> -> memref<2048x128xf32, #tpu.memory_space<hbm>>
        tpu.enqueue_indirect_dma source(%dma_start3A_81 : memref<2048x128xf32, #tpu.memory_space<hbm>>) target(%arg11 : memref<128x128xf32, #tpu.memory_space<vmem>>) offsets(%arg9 : memref<128xi32, #tpu.memory_space<vmem>>) semaphore(%arg15 : memref<!tpu.dma_semaphore, #tpu.memory_space<semaphore_mem>>)
      } else {
      }
      %lt3A_49 = arith.constant 39 : i32
      %lt3A_50 = arith.cmpi slt, %scan3A_34, %lt3A_49 : i32
      %convert_element_type3A_51 = arith.extui %lt3A_50 : i1 to i32
      %cond3A_52 = arith.constant 0 : i32
      %cond3A_53 = arith.cmpi ne, %convert_element_type3A_51, %cond3A_52 : i32
      scf.if %cond3A_53 {
        %add3A_59 = arith.constant 1 : i32
        %add3A_60 = arith.addi %mul3A_36, %add3A_59 : i32
        %dma_wait3A_61 = arith.constant 0 : i32
        %dma_wait3A_62 = arith.constant 0 : i32
        %dma_wait3A_63 = tpu.memref_slice %arg2[%dma_wait3A_61, %dma_wait3A_62] : memref<2048x128xf32, #tpu.memory_space<hbm>> -> memref<2048x128xf32, #tpu.memory_space<hbm>>
        tpu.wait_indirect_dma semaphore(%arg15 : memref<!tpu.dma_semaphore, #tpu.memory_space<semaphore_mem>>) src(%dma_wait3A_63 : memref<2048x128xf32, #tpu.memory_space<hbm>>) dst(%arg11 : memref<128x128xf32, #tpu.memory_space<vmem>>)
        %dma_start3A_64 = arith.constant 0 : i32
        %dma_start3A_65 = tpu.memref_slice %arg7[%add3A_60, %dma_start3A_64] : memref<80x128xi32, #tpu.memory_space<vmem>> -> memref<1x128xi32, #tpu.memory_space<vmem>>
        %dma_start3A_66 = tpu.memref_squeeze %dma_start3A_65 : memref<1x128xi32, #tpu.memory_space<vmem>> -> memref<128xi32, #tpu.memory_space<vmem>>
        %dma_start3A_67 = arith.constant 0 : i32
        %dma_start3A_68 = arith.constant 0 : i32
        %dma_start3A_69 = tpu.memref_slice %arg18[%dma_start3A_67, %dma_start3A_68] : memref<10112x128xf32, #tpu.memory_space<vmem_shared>> -> memref<10112x128xf32, #tpu.memory_space<vmem_shared>>
        tpu.enqueue_indirect_dma source(%arg11 : memref<128x128xf32, #tpu.memory_space<vmem>>) target(%dma_start3A_69 : memref<10112x128xf32, #tpu.memory_space<vmem_shared>>) offsets(%dma_start3A_66 : memref<128xi32, #tpu.memory_space<vmem>>) semaphore(%arg17 : memref<!tpu.dma_semaphore, #tpu.memory_space<semaphore_mem>>) {add = true}
        %add3A_70 = arith.constant 2 : i32
        %add3A_71 = arith.addi %add3A_60, %add3A_70 : i32
        %mul3A_72 = arith.constant 128 : i32
        %mul3A_73 = arith.muli %add3A_71, %mul3A_72 : i32
        %add3A_74 = arith.addi %mul3A_2, %mul3A_73 : i32
        %dma_start3A_75 = tpu.memref_slice %arg3[%add3A_74] : memref<327680xi32, #tpu.memory_space<hbm>> -> memref<128xi32, #tpu.memory_space<hbm>>
        %dma_start3A_76 = tpu.memref_slice %arg3[%add3A_74] : memref<327680xi32, #tpu.memory_space<hbm>> -> memref<128xi32, #tpu.memory_space<hbm>>
        tpu.enqueue_dma source(%dma_start3A_76 : memref<128xi32, #tpu.memory_space<hbm>>) target(%arg9 : memref<128xi32, #tpu.memory_space<vmem>>) target_semaphore(%arg13 : memref<!tpu.dma_semaphore, #tpu.memory_space<semaphore_mem>>)
        %dma_wait3A_77 = arith.constant 0 : i32
        %dma_wait3A_78 = arith.constant 0 : i32
        %dma_wait3A_79 = tpu.memref_slice %arg7[%dma_wait3A_77, %dma_wait3A_78] : memref<80x128xi32, #tpu.memory_space<vmem>> -> memref<1x128xi32, #tpu.memory_space<vmem>>
        %dma_wait3A_80 = tpu.memref_squeeze %dma_wait3A_79 : memref<1x128xi32, #tpu.memory_space<vmem>> -> memref<128xi32, #tpu.memory_space<vmem>>
        %dma_wait3A_81 = arith.constant 0 : i32
        %dma_wait3A_82 = arith.constant 0 : i32
        %dma_wait3A_83 = tpu.memref_slice %arg18[%dma_wait3A_81, %dma_wait3A_82] : memref<10112x128xf32, #tpu.memory_space<vmem_shared>> -> memref<10112x128xf32, #tpu.memory_space<vmem_shared>>
        tpu.wait_indirect_dma semaphore(%arg16 : memref<!tpu.dma_semaphore, #tpu.memory_space<semaphore_mem>>) src(%arg10 : memref<128x128xf32, #tpu.memory_space<vmem>>) dst(%dma_wait3A_83 : memref<10112x128xf32, #tpu.memory_space<vmem_shared>>)
        %dma_wait3A_84 = arith.constant 0 : i32
        %dma_wait3A_85 = tpu.memref_slice %arg3[%dma_wait3A_84] : memref<327680xi32, #tpu.memory_space<hbm>> -> memref<128xi32, #tpu.memory_space<hbm>>
        %dma_wait3A_86 = arith.constant 0 : i32
        %dma_wait3A_87 = tpu.memref_slice %arg3[%dma_wait3A_86] : memref<327680xi32, #tpu.memory_space<hbm>> -> memref<128xi32, #tpu.memory_space<hbm>>
        tpu.wait_dma2 semaphore(%arg12 : memref<!tpu.dma_semaphore, #tpu.memory_space<semaphore_mem>>) src(%dma_wait3A_87 : memref<128xi32, #tpu.memory_space<hbm>>) dst(%arg8 : memref<128xi32, #tpu.memory_space<vmem>>)
        %dma_start3A_88 = arith.constant 0 : i32
        %dma_start3A_89 = arith.constant 0 : i32
        %dma_start3A_90 = tpu.memref_slice %arg2[%dma_start3A_88, %dma_start3A_89] : memref<2048x128xf32, #tpu.memory_space<hbm>> -> memref<2048x128xf32, #tpu.memory_space<hbm>>
        tpu.enqueue_indirect_dma source(%dma_start3A_90 : memref<2048x128xf32, #tpu.memory_space<hbm>>) target(%arg10 : memref<128x128xf32, #tpu.memory_space<vmem>>) offsets(%arg8 : memref<128xi32, #tpu.memory_space<vmem>>) semaphore(%arg14 : memref<!tpu.dma_semaphore, #tpu.memory_space<semaphore_mem>>)
      } else {
      }
      %eq3A_54 = arith.constant 39 : i32
      %eq3A_55 = arith.cmpi eq, %scan3A_34, %eq3A_54 : i32
      %convert_element_type3A_56 = arith.extui %eq3A_55 : i1 to i32
      %cond3A_57 = arith.constant 0 : i32
      %cond3A_58 = arith.cmpi ne, %convert_element_type3A_56, %cond3A_57 : i32
      scf.if %cond3A_58 {
        %add3A_59 = arith.constant 1 : i32
        %add3A_60 = arith.addi %mul3A_36, %add3A_59 : i32
        %dma_wait3A_61 = arith.constant 0 : i32
        %dma_wait3A_62 = arith.constant 0 : i32
        %dma_wait3A_63 = tpu.memref_slice %arg2[%dma_wait3A_61, %dma_wait3A_62] : memref<2048x128xf32, #tpu.memory_space<hbm>> -> memref<2048x128xf32, #tpu.memory_space<hbm>>
        tpu.wait_indirect_dma semaphore(%arg15 : memref<!tpu.dma_semaphore, #tpu.memory_space<semaphore_mem>>) src(%dma_wait3A_63 : memref<2048x128xf32, #tpu.memory_space<hbm>>) dst(%arg11 : memref<128x128xf32, #tpu.memory_space<vmem>>)
        %dma_start3A_64 = arith.constant 0 : i32
        %dma_start3A_65 = tpu.memref_slice %arg7[%add3A_60, %dma_start3A_64] : memref<80x128xi32, #tpu.memory_space<vmem>> -> memref<1x128xi32, #tpu.memory_space<vmem>>
        %dma_start3A_66 = tpu.memref_squeeze %dma_start3A_65 : memref<1x128xi32, #tpu.memory_space<vmem>> -> memref<128xi32, #tpu.memory_space<vmem>>
        %dma_start3A_67 = arith.constant 0 : i32
        %dma_start3A_68 = arith.constant 0 : i32
        %dma_start3A_69 = tpu.memref_slice %arg18[%dma_start3A_67, %dma_start3A_68] : memref<10112x128xf32, #tpu.memory_space<vmem_shared>> -> memref<10112x128xf32, #tpu.memory_space<vmem_shared>>
        tpu.enqueue_indirect_dma source(%arg11 : memref<128x128xf32, #tpu.memory_space<vmem>>) target(%dma_start3A_69 : memref<10112x128xf32, #tpu.memory_space<vmem_shared>>) offsets(%dma_start3A_66 : memref<128xi32, #tpu.memory_space<vmem>>) semaphore(%arg17 : memref<!tpu.dma_semaphore, #tpu.memory_space<semaphore_mem>>) {add = true}
        %dma_wait3A_70 = arith.constant 0 : i32
        %dma_wait3A_71 = arith.constant 0 : i32
        %dma_wait3A_72 = tpu.memref_slice %arg7[%dma_wait3A_70, %dma_wait3A_71] : memref<80x128xi32, #tpu.memory_space<vmem>> -> memref<1x128xi32, #tpu.memory_space<vmem>>
        %dma_wait3A_73 = tpu.memref_squeeze %dma_wait3A_72 : memref<1x128xi32, #tpu.memory_space<vmem>> -> memref<128xi32, #tpu.memory_space<vmem>>
        %dma_wait3A_74 = arith.constant 0 : i32
        %dma_wait3A_75 = arith.constant 0 : i32
        %dma_wait3A_76 = tpu.memref_slice %arg18[%dma_wait3A_74, %dma_wait3A_75] : memref<10112x128xf32, #tpu.memory_space<vmem_shared>> -> memref<10112x128xf32, #tpu.memory_space<vmem_shared>>
        tpu.wait_indirect_dma semaphore(%arg16 : memref<!tpu.dma_semaphore, #tpu.memory_space<semaphore_mem>>) src(%arg10 : memref<128x128xf32, #tpu.memory_space<vmem>>) dst(%dma_wait3A_76 : memref<10112x128xf32, #tpu.memory_space<vmem_shared>>)
      } else {
      }
    }
    %scan3A_21 = arith.constant 40 : i32
    %dma_wait3A_22 = arith.constant 0 : i32
    %dma_wait3A_23 = arith.constant 0 : i32
    %dma_wait3A_24 = tpu.memref_slice %arg7[%dma_wait3A_22, %dma_wait3A_23] : memref<80x128xi32, #tpu.memory_space<vmem>> -> memref<1x128xi32, #tpu.memory_space<vmem>>
    %dma_wait3A_25 = tpu.memref_squeeze %dma_wait3A_24 : memref<1x128xi32, #tpu.memory_space<vmem>> -> memref<128xi32, #tpu.memory_space<vmem>>
    %dma_wait3A_26 = arith.constant 0 : i32
    %dma_wait3A_27 = arith.constant 0 : i32
    %dma_wait3A_28 = tpu.memref_slice %arg18[%dma_wait3A_26, %dma_wait3A_27] : memref<10112x128xf32, #tpu.memory_space<vmem_shared>> -> memref<10112x128xf32, #tpu.memory_space<vmem_shared>>
    tpu.wait_indirect_dma semaphore(%arg17 : memref<!tpu.dma_semaphore, #tpu.memory_space<semaphore_mem>>) src(%arg11 : memref<128x128xf32, #tpu.memory_space<vmem>>) dst(%dma_wait3A_28 : memref<10112x128xf32, #tpu.memory_space<vmem_shared>>)
    %barrier3A_29 = arith.constant 0 : index
    tpu.barrier barrier_id(%barrier3A_29)
    %mul3A_30 = arith.constant 632 : i32
    %mul3A_31 = arith.muli %arg1, %mul3A_30 : i32
    %mul3A_32 = arith.constant 632 : i32
    %mul3A_33 = arith.muli %arg1, %mul3A_32 : i32
    "tpu.region"() ({
      %run_scoped3A = tpu.sem_alloc : memref<!tpu.dma_semaphore, #tpu.memory_space<semaphore_mem>>
      %dma_start3A_34 = arith.constant 0 : i32
      %dma_start3A_35 = tpu.memref_slice %arg6[%arg0, %mul3A_33, %dma_start3A_34] : memref<2x10112x128xf32, #tpu.memory_space<hbm>> -> memref<1x632x128xf32, #tpu.memory_space<hbm>>
      %dma_start3A_36 = tpu.memref_squeeze %dma_start3A_35 : memref<1x632x128xf32, #tpu.memory_space<hbm>> -> memref<632x128xf32, #tpu.memory_space<hbm>>
      %dma_start3A_37 = arith.constant 0 : i32
      %dma_start3A_38 = tpu.memref_slice %arg18[%mul3A_31, %dma_start3A_37] : memref<10112x128xf32, #tpu.memory_space<vmem_shared>> -> memref<632x128xf32, #tpu.memory_space<vmem_shared>>
      tpu.enqueue_dma source(%dma_start3A_38 : memref<632x128xf32, #tpu.memory_space<vmem_shared>>) target(%dma_start3A_36 : memref<632x128xf32, #tpu.memory_space<hbm>>) target_semaphore(%run_scoped3A : memref<!tpu.dma_semaphore, #tpu.memory_space<semaphore_mem>>)
      %dma_wait3A_39 = arith.constant 0 : i32
      %dma_wait3A_40 = tpu.memref_slice %arg6[%arg0, %mul3A_33, %dma_wait3A_39] : memref<2x10112x128xf32, #tpu.memory_space<hbm>> -> memref<1x632x128xf32, #tpu.memory_space<hbm>>
      %dma_wait3A_41 = tpu.memref_squeeze %dma_wait3A_40 : memref<1x632x128xf32, #tpu.memory_space<hbm>> -> memref<632x128xf32, #tpu.memory_space<hbm>>
      %dma_wait3A_42 = arith.constant 0 : i32
      %dma_wait3A_43 = tpu.memref_slice %arg18[%mul3A_31, %dma_wait3A_42] : memref<10112x128xf32, #tpu.memory_space<vmem_shared>> -> memref<632x128xf32, #tpu.memory_space<vmem_shared>>
      tpu.wait_dma2 semaphore(%run_scoped3A : memref<!tpu.dma_semaphore, #tpu.memory_space<semaphore_mem>>) src(%dma_wait3A_43 : memref<632x128xf32, #tpu.memory_space<vmem_shared>>) dst(%dma_wait3A_41 : memref<632x128xf32, #tpu.memory_space<hbm>>)
      tpu.yield
    }) : () -> ()
    return
  }
}

#map = affine_map<(d0, d1) -> (0, 0)>
#map1 = affine_map<(d0, d1) -> (0)>
#map2 = affine_map<(d0, d1) -> (0, 0, 0)>
module attributes {stable_mosaic.version = 14 : i64} {
  func.func @sc_segsum(%arg0: i32, %arg1: i32, %arg2: memref<10000x128xf32, #tpu.memory_space<hbm>>, %arg3: memref<327680xi32, #tpu.memory_space<hbm>>, %arg4: memref<32x80x128xi32, #tpu.memory_space<hbm>>, %arg5: memref<632x128xf32, #tpu.memory_space<hbm>>, %arg6: memref<2x10112x128xf32, #tpu.memory_space<hbm>>, %arg7: memref<80x128xi32, #tpu.memory_space<vmem>>, %arg8: memref<128xi32, #tpu.memory_space<vmem>>, %arg9: memref<128xi32, #tpu.memory_space<vmem>>, %arg10: memref<128x128xf32, #tpu.memory_space<vmem>>, %arg11: memref<128x128xf32, #tpu.memory_space<vmem>>, %arg12: memref<!tpu.dma_semaphore, #tpu.memory_space<semaphore_mem>>, %arg13: memref<!tpu.dma_semaphore, #tpu.memory_space<semaphore_mem>>, %arg14: memref<!tpu.dma_semaphore, #tpu.memory_space<semaphore_mem>>, %arg15: memref<!tpu.dma_semaphore, #tpu.memory_space<semaphore_mem>>, %arg16: memref<!tpu.dma_semaphore, #tpu.memory_space<semaphore_mem>>, %arg17: memref<!tpu.dma_semaphore, #tpu.memory_space<semaphore_mem>>, %arg18: memref<10112x128xf32, #tpu.memory_space<vmem_shared>>) attributes {dimension_semantics = [#tpu.dimension_semantics<core_parallel>, #tpu.dimension_semantics<subcore_parallel>], iteration_bounds = array<i64: 2, 16>, scalar_prefetch = 0 : i64, scratch_operands = 12 : i64, tpu.core_type = #tpu.core_type<sc_vector_subcore>, window_params = [{transform_indices = #map}, {transform_indices = #map1}, {transform_indices = #map2}, {transform_indices = #map}, {transform_indices = #map2}]} {
    %mul3A = arith.constant 16 : i32
    %mul3A_0 = arith.muli %arg0, %mul3A : i32
    %add3A = arith.addi %mul3A_0, %arg1 : i32
    %mul3A_1 = arith.constant 10240 : i32
    %mul3A_2 = arith.muli %add3A, %mul3A_1 : i32
    %mul3A_3 = arith.constant 632 : i32
    %mul3A_4 = arith.muli %arg1, %mul3A_3 : i32
    "tpu.region"() ({
      %run_scoped3A = tpu.sem_alloc : memref<!tpu.dma_semaphore, #tpu.memory_space<semaphore_mem>>
      %dma_start3A_34 = arith.constant 0 : i32
      %dma_start3A_35 = tpu.memref_slice %arg18[%mul3A_4, %dma_start3A_34] : memref<10112x128xf32, #tpu.memory_space<vmem_shared>> -> memref<632x128xf32, #tpu.memory_space<vmem_shared>>
      tpu.enqueue_dma source(%arg5 : memref<632x128xf32, #tpu.memory_space<hbm>>) target(%dma_start3A_35 : memref<632x128xf32, #tpu.memory_space<vmem_shared>>) target_semaphore(%run_scoped3A : memref<!tpu.dma_semaphore, #tpu.memory_space<semaphore_mem>>)
      %dma_wait3A_36 = arith.constant 0 : i32
      %dma_wait3A_37 = tpu.memref_slice %arg18[%mul3A_4, %dma_wait3A_36] : memref<10112x128xf32, #tpu.memory_space<vmem_shared>> -> memref<632x128xf32, #tpu.memory_space<vmem_shared>>
      tpu.wait_dma2 semaphore(%run_scoped3A : memref<!tpu.dma_semaphore, #tpu.memory_space<semaphore_mem>>) src(%arg5 : memref<632x128xf32, #tpu.memory_space<hbm>>) dst(%dma_wait3A_37 : memref<632x128xf32, #tpu.memory_space<vmem_shared>>)
      tpu.yield
    }) : () -> ()
    "tpu.region"() ({
      %run_scoped3A = tpu.sem_alloc : memref<!tpu.dma_semaphore, #tpu.memory_space<semaphore_mem>>
      %dma_start3A_34 = arith.constant 0 : i32
      %dma_start3A_35 = arith.constant 0 : i32
      %dma_start3A_36 = tpu.memref_slice %arg4[%add3A, %dma_start3A_34, %dma_start3A_35] : memref<32x80x128xi32, #tpu.memory_space<hbm>> -> memref<1x80x128xi32, #tpu.memory_space<hbm>>
      %dma_start3A_37 = tpu.memref_squeeze %dma_start3A_36 : memref<1x80x128xi32, #tpu.memory_space<hbm>> -> memref<80x128xi32, #tpu.memory_space<hbm>>
      %dma_start3A_38 = arith.constant 0 : i32
      %dma_start3A_39 = arith.constant 0 : i32
      %dma_start3A_40 = tpu.memref_slice %arg4[%add3A, %dma_start3A_38, %dma_start3A_39] : memref<32x80x128xi32, #tpu.memory_space<hbm>> -> memref<1x80x128xi32, #tpu.memory_space<hbm>>
      %dma_start3A_41 = tpu.memref_squeeze %dma_start3A_40 : memref<1x80x128xi32, #tpu.memory_space<hbm>> -> memref<80x128xi32, #tpu.memory_space<hbm>>
      tpu.enqueue_dma source(%dma_start3A_41 : memref<80x128xi32, #tpu.memory_space<hbm>>) target(%arg7 : memref<80x128xi32, #tpu.memory_space<vmem>>) target_semaphore(%run_scoped3A : memref<!tpu.dma_semaphore, #tpu.memory_space<semaphore_mem>>)
      %dma_wait3A_42 = arith.constant 0 : i32
      %dma_wait3A_43 = arith.constant 0 : i32
      %dma_wait3A_44 = tpu.memref_slice %arg4[%add3A, %dma_wait3A_42, %dma_wait3A_43] : memref<32x80x128xi32, #tpu.memory_space<hbm>> -> memref<1x80x128xi32, #tpu.memory_space<hbm>>
      %dma_wait3A_45 = tpu.memref_squeeze %dma_wait3A_44 : memref<1x80x128xi32, #tpu.memory_space<hbm>> -> memref<80x128xi32, #tpu.memory_space<hbm>>
      %dma_wait3A_46 = arith.constant 0 : i32
      %dma_wait3A_47 = arith.constant 0 : i32
      %dma_wait3A_48 = tpu.memref_slice %arg4[%add3A, %dma_wait3A_46, %dma_wait3A_47] : memref<32x80x128xi32, #tpu.memory_space<hbm>> -> memref<1x80x128xi32, #tpu.memory_space<hbm>>
      %dma_wait3A_49 = tpu.memref_squeeze %dma_wait3A_48 : memref<1x80x128xi32, #tpu.memory_space<hbm>> -> memref<80x128xi32, #tpu.memory_space<hbm>>
      tpu.wait_dma2 semaphore(%run_scoped3A : memref<!tpu.dma_semaphore, #tpu.memory_space<semaphore_mem>>) src(%dma_wait3A_49 : memref<80x128xi32, #tpu.memory_space<hbm>>) dst(%arg7 : memref<80x128xi32, #tpu.memory_space<vmem>>)
      tpu.yield
    }) : () -> ()
    %barrier3A = arith.constant 0 : index
    tpu.barrier barrier_id(%barrier3A)
    %add3A_5 = arith.constant 0 : i32
    %add3A_6 = arith.addi %mul3A_2, %add3A_5 : i32
    %dma_start3A = tpu.memref_slice %arg3[%add3A_6] : memref<327680xi32, #tpu.memory_space<hbm>> -> memref<128xi32, #tpu.memory_space<hbm>>
    %dma_start3A_7 = tpu.memref_slice %arg3[%add3A_6] : memref<327680xi32, #tpu.memory_space<hbm>> -> memref<128xi32, #tpu.memory_space<hbm>>
    tpu.enqueue_dma source(%dma_start3A_7 : memref<128xi32, #tpu.memory_space<hbm>>) target(%arg8 : memref<128xi32, #tpu.memory_space<vmem>>) target_semaphore(%arg12 : memref<!tpu.dma_semaphore, #tpu.memory_space<semaphore_mem>>)
    %add3A_8 = arith.constant 128 : i32
    %add3A_9 = arith.addi %mul3A_2, %add3A_8 : i32
    %dma_start3A_10 = tpu.memref_slice %arg3[%add3A_9] : memref<327680xi32, #tpu.memory_space<hbm>> -> memref<128xi32, #tpu.memory_space<hbm>>
    %dma_start3A_11 = tpu.memref_slice %arg3[%add3A_9] : memref<327680xi32, #tpu.memory_space<hbm>> -> memref<128xi32, #tpu.memory_space<hbm>>
    tpu.enqueue_dma source(%dma_start3A_11 : memref<128xi32, #tpu.memory_space<hbm>>) target(%arg9 : memref<128xi32, #tpu.memory_space<vmem>>) target_semaphore(%arg13 : memref<!tpu.dma_semaphore, #tpu.memory_space<semaphore_mem>>)
    %dma_wait3A = arith.constant 0 : i32
    %dma_wait3A_12 = tpu.memref_slice %arg3[%dma_wait3A] : memref<327680xi32, #tpu.memory_space<hbm>> -> memref<128xi32, #tpu.memory_space<hbm>>
    %dma_wait3A_13 = arith.constant 0 : i32
    %dma_wait3A_14 = tpu.memref_slice %arg3[%dma_wait3A_13] : memref<327680xi32, #tpu.memory_space<hbm>> -> memref<128xi32, #tpu.memory_space<hbm>>
    tpu.wait_dma2 semaphore(%arg12 : memref<!tpu.dma_semaphore, #tpu.memory_space<semaphore_mem>>) src(%dma_wait3A_14 : memref<128xi32, #tpu.memory_space<hbm>>) dst(%arg8 : memref<128xi32, #tpu.memory_space<vmem>>)
    %dma_start3A_15 = arith.constant 0 : i32
    %dma_start3A_16 = arith.constant 0 : i32
    %dma_start3A_17 = tpu.memref_slice %arg2[%dma_start3A_15, %dma_start3A_16] : memref<10000x128xf32, #tpu.memory_space<hbm>> -> memref<10000x128xf32, #tpu.memory_space<hbm>>
    tpu.enqueue_indirect_dma source(%dma_start3A_17 : memref<10000x128xf32, #tpu.memory_space<hbm>>) target(%arg10 : memref<128x128xf32, #tpu.memory_space<vmem>>) offsets(%arg8 : memref<128xi32, #tpu.memory_space<vmem>>) semaphore(%arg14 : memref<!tpu.dma_semaphore, #tpu.memory_space<semaphore_mem>>)
    %scan3A = arith.constant 0 : i32
    %scan3A_18 = arith.constant 40 : i32
    %scan3A_19 = arith.addi %scan3A, %scan3A_18 : i32
    %scan3A_20 = arith.constant 1 : i32
    scf.for %scan3A_34 = %scan3A to %scan3A_19 step %scan3A_20  : i32 {
      %mul3A_35 = arith.constant 2 : i32
      %mul3A_36 = arith.muli %scan3A_34, %mul3A_35 : i32
      %eq3A = arith.constant 0 : i32
      %eq3A_37 = arith.cmpi eq, %scan3A_34, %eq3A : i32
      %convert_element_type3A = arith.extui %eq3A_37 : i1 to i32
      %cond3A = arith.constant 0 : i32
      %cond3A_38 = arith.cmpi ne, %convert_element_type3A, %cond3A : i32
      scf.if %cond3A_38 {
        %dma_wait3A_59 = arith.constant 0 : i32
        %dma_wait3A_60 = arith.constant 0 : i32
        %dma_wait3A_61 = tpu.memref_slice %arg2[%dma_wait3A_59, %dma_wait3A_60] : memref<10000x128xf32, #tpu.memory_space<hbm>> -> memref<10000x128xf32, #tpu.memory_space<hbm>>
        tpu.wait_indirect_dma semaphore(%arg14 : memref<!tpu.dma_semaphore, #tpu.memory_space<semaphore_mem>>) src(%dma_wait3A_61 : memref<10000x128xf32, #tpu.memory_space<hbm>>) dst(%arg10 : memref<128x128xf32, #tpu.memory_space<vmem>>)
        %dma_start3A_62 = arith.constant 0 : i32
        %dma_start3A_63 = tpu.memref_slice %arg7[%mul3A_36, %dma_start3A_62] : memref<80x128xi32, #tpu.memory_space<vmem>> -> memref<1x128xi32, #tpu.memory_space<vmem>>
        %dma_start3A_64 = tpu.memref_squeeze %dma_start3A_63 : memref<1x128xi32, #tpu.memory_space<vmem>> -> memref<128xi32, #tpu.memory_space<vmem>>
        %dma_start3A_65 = arith.constant 0 : i32
        %dma_start3A_66 = arith.constant 0 : i32
        %dma_start3A_67 = tpu.memref_slice %arg18[%dma_start3A_65, %dma_start3A_66] : memref<10112x128xf32, #tpu.memory_space<vmem_shared>> -> memref<10112x128xf32, #tpu.memory_space<vmem_shared>>
        tpu.enqueue_indirect_dma source(%arg10 : memref<128x128xf32, #tpu.memory_space<vmem>>) target(%dma_start3A_67 : memref<10112x128xf32, #tpu.memory_space<vmem_shared>>) offsets(%dma_start3A_64 : memref<128xi32, #tpu.memory_space<vmem>>) semaphore(%arg16 : memref<!tpu.dma_semaphore, #tpu.memory_space<semaphore_mem>>) {add = true}
        %add3A_68 = arith.constant 2 : i32
        %add3A_69 = arith.addi %mul3A_36, %add3A_68 : i32
        %mul3A_70 = arith.constant 128 : i32
        %mul3A_71 = arith.muli %add3A_69, %mul3A_70 : i32
        %add3A_72 = arith.addi %mul3A_2, %mul3A_71 : i32
        %dma_start3A_73 = tpu.memref_slice %arg3[%add3A_72] : memref<327680xi32, #tpu.memory_space<hbm>> -> memref<128xi32, #tpu.memory_space<hbm>>
        %dma_start3A_74 = tpu.memref_slice %arg3[%add3A_72] : memref<327680xi32, #tpu.memory_space<hbm>> -> memref<128xi32, #tpu.memory_space<hbm>>
        tpu.enqueue_dma source(%dma_start3A_74 : memref<128xi32, #tpu.memory_space<hbm>>) target(%arg8 : memref<128xi32, #tpu.memory_space<vmem>>) target_semaphore(%arg12 : memref<!tpu.dma_semaphore, #tpu.memory_space<semaphore_mem>>)
        %dma_wait3A_75 = arith.constant 0 : i32
        %dma_wait3A_76 = tpu.memref_slice %arg3[%dma_wait3A_75] : memref<327680xi32, #tpu.memory_space<hbm>> -> memref<128xi32, #tpu.memory_space<hbm>>
        %dma_wait3A_77 = arith.constant 0 : i32
        %dma_wait3A_78 = tpu.memref_slice %arg3[%dma_wait3A_77] : memref<327680xi32, #tpu.memory_space<hbm>> -> memref<128xi32, #tpu.memory_space<hbm>>
        tpu.wait_dma2 semaphore(%arg13 : memref<!tpu.dma_semaphore, #tpu.memory_space<semaphore_mem>>) src(%dma_wait3A_78 : memref<128xi32, #tpu.memory_space<hbm>>) dst(%arg9 : memref<128xi32, #tpu.memory_space<vmem>>)
        %dma_start3A_79 = arith.constant 0 : i32
        %dma_start3A_80 = arith.constant 0 : i32
        %dma_start3A_81 = tpu.memref_slice %arg2[%dma_start3A_79, %dma_start3A_80] : memref<10000x128xf32, #tpu.memory_space<hbm>> -> memref<10000x128xf32, #tpu.memory_space<hbm>>
        tpu.enqueue_indirect_dma source(%dma_start3A_81 : memref<10000x128xf32, #tpu.memory_space<hbm>>) target(%arg11 : memref<128x128xf32, #tpu.memory_space<vmem>>) offsets(%arg9 : memref<128xi32, #tpu.memory_space<vmem>>) semaphore(%arg15 : memref<!tpu.dma_semaphore, #tpu.memory_space<semaphore_mem>>)
      } else {
      }
      %gt3A = arith.constant 0 : i32
      %gt3A_39 = arith.cmpi sgt, %scan3A_34, %gt3A : i32
      %lt3A = arith.constant 39 : i32
      %lt3A_40 = arith.cmpi slt, %scan3A_34, %lt3A : i32
      %and3A = arith.andi %gt3A_39, %lt3A_40 : i1
      %convert_element_type3A_41 = arith.extui %and3A : i1 to i32
      %cond3A_42 = arith.constant 0 : i32
      %cond3A_43 = arith.cmpi ne, %convert_element_type3A_41, %cond3A_42 : i32
      scf.if %cond3A_43 {
        %dma_wait3A_59 = arith.constant 0 : i32
        %dma_wait3A_60 = arith.constant 0 : i32
        %dma_wait3A_61 = tpu.memref_slice %arg2[%dma_wait3A_59, %dma_wait3A_60] : memref<10000x128xf32, #tpu.memory_space<hbm>> -> memref<10000x128xf32, #tpu.memory_space<hbm>>
        tpu.wait_indirect_dma semaphore(%arg14 : memref<!tpu.dma_semaphore, #tpu.memory_space<semaphore_mem>>) src(%dma_wait3A_61 : memref<10000x128xf32, #tpu.memory_space<hbm>>) dst(%arg10 : memref<128x128xf32, #tpu.memory_space<vmem>>)
        %dma_start3A_62 = arith.constant 0 : i32
        %dma_start3A_63 = tpu.memref_slice %arg7[%mul3A_36, %dma_start3A_62] : memref<80x128xi32, #tpu.memory_space<vmem>> -> memref<1x128xi32, #tpu.memory_space<vmem>>
        %dma_start3A_64 = tpu.memref_squeeze %dma_start3A_63 : memref<1x128xi32, #tpu.memory_space<vmem>> -> memref<128xi32, #tpu.memory_space<vmem>>
        %dma_start3A_65 = arith.constant 0 : i32
        %dma_start3A_66 = arith.constant 0 : i32
        %dma_start3A_67 = tpu.memref_slice %arg18[%dma_start3A_65, %dma_start3A_66] : memref<10112x128xf32, #tpu.memory_space<vmem_shared>> -> memref<10112x128xf32, #tpu.memory_space<vmem_shared>>
        tpu.enqueue_indirect_dma source(%arg10 : memref<128x128xf32, #tpu.memory_space<vmem>>) target(%dma_start3A_67 : memref<10112x128xf32, #tpu.memory_space<vmem_shared>>) offsets(%dma_start3A_64 : memref<128xi32, #tpu.memory_space<vmem>>) semaphore(%arg16 : memref<!tpu.dma_semaphore, #tpu.memory_space<semaphore_mem>>) {add = true}
        %add3A_68 = arith.constant 2 : i32
        %add3A_69 = arith.addi %mul3A_36, %add3A_68 : i32
        %mul3A_70 = arith.constant 128 : i32
        %mul3A_71 = arith.muli %add3A_69, %mul3A_70 : i32
        %add3A_72 = arith.addi %mul3A_2, %mul3A_71 : i32
        %dma_start3A_73 = tpu.memref_slice %arg3[%add3A_72] : memref<327680xi32, #tpu.memory_space<hbm>> -> memref<128xi32, #tpu.memory_space<hbm>>
        %dma_start3A_74 = tpu.memref_slice %arg3[%add3A_72] : memref<327680xi32, #tpu.memory_space<hbm>> -> memref<128xi32, #tpu.memory_space<hbm>>
        tpu.enqueue_dma source(%dma_start3A_74 : memref<128xi32, #tpu.memory_space<hbm>>) target(%arg8 : memref<128xi32, #tpu.memory_space<vmem>>) target_semaphore(%arg12 : memref<!tpu.dma_semaphore, #tpu.memory_space<semaphore_mem>>)
        %dma_wait3A_75 = arith.constant 0 : i32
        %dma_wait3A_76 = arith.constant 0 : i32
        %dma_wait3A_77 = tpu.memref_slice %arg7[%dma_wait3A_75, %dma_wait3A_76] : memref<80x128xi32, #tpu.memory_space<vmem>> -> memref<1x128xi32, #tpu.memory_space<vmem>>
        %dma_wait3A_78 = tpu.memref_squeeze %dma_wait3A_77 : memref<1x128xi32, #tpu.memory_space<vmem>> -> memref<128xi32, #tpu.memory_space<vmem>>
        %dma_wait3A_79 = arith.constant 0 : i32
        %dma_wait3A_80 = arith.constant 0 : i32
        %dma_wait3A_81 = tpu.memref_slice %arg18[%dma_wait3A_79, %dma_wait3A_80] : memref<10112x128xf32, #tpu.memory_space<vmem_shared>> -> memref<10112x128xf32, #tpu.memory_space<vmem_shared>>
        tpu.wait_indirect_dma semaphore(%arg17 : memref<!tpu.dma_semaphore, #tpu.memory_space<semaphore_mem>>) src(%arg11 : memref<128x128xf32, #tpu.memory_space<vmem>>) dst(%dma_wait3A_81 : memref<10112x128xf32, #tpu.memory_space<vmem_shared>>)
        %dma_wait3A_82 = arith.constant 0 : i32
        %dma_wait3A_83 = tpu.memref_slice %arg3[%dma_wait3A_82] : memref<327680xi32, #tpu.memory_space<hbm>> -> memref<128xi32, #tpu.memory_space<hbm>>
        %dma_wait3A_84 = arith.constant 0 : i32
        %dma_wait3A_85 = tpu.memref_slice %arg3[%dma_wait3A_84] : memref<327680xi32, #tpu.memory_space<hbm>> -> memref<128xi32, #tpu.memory_space<hbm>>
        tpu.wait_dma2 semaphore(%arg13 : memref<!tpu.dma_semaphore, #tpu.memory_space<semaphore_mem>>) src(%dma_wait3A_85 : memref<128xi32, #tpu.memory_space<hbm>>) dst(%arg9 : memref<128xi32, #tpu.memory_space<vmem>>)
        %dma_start3A_86 = arith.constant 0 : i32
        %dma_start3A_87 = arith.constant 0 : i32
        %dma_start3A_88 = tpu.memref_slice %arg2[%dma_start3A_86, %dma_start3A_87] : memref<10000x128xf32, #tpu.memory_space<hbm>> -> memref<10000x128xf32, #tpu.memory_space<hbm>>
        tpu.enqueue_indirect_dma source(%dma_start3A_88 : memref<10000x128xf32, #tpu.memory_space<hbm>>) target(%arg11 : memref<128x128xf32, #tpu.memory_space<vmem>>) offsets(%arg9 : memref<128xi32, #tpu.memory_space<vmem>>) semaphore(%arg15 : memref<!tpu.dma_semaphore, #tpu.memory_space<semaphore_mem>>)
      } else {
      }
      %eq3A_44 = arith.constant 39 : i32
      %eq3A_45 = arith.cmpi eq, %scan3A_34, %eq3A_44 : i32
      %convert_element_type3A_46 = arith.extui %eq3A_45 : i1 to i32
      %cond3A_47 = arith.constant 0 : i32
      %cond3A_48 = arith.cmpi ne, %convert_element_type3A_46, %cond3A_47 : i32
      scf.if %cond3A_48 {
        %dma_wait3A_59 = arith.constant 0 : i32
        %dma_wait3A_60 = arith.constant 0 : i32
        %dma_wait3A_61 = tpu.memref_slice %arg2[%dma_wait3A_59, %dma_wait3A_60] : memref<10000x128xf32, #tpu.memory_space<hbm>> -> memref<10000x128xf32, #tpu.memory_space<hbm>>
        tpu.wait_indirect_dma semaphore(%arg14 : memref<!tpu.dma_semaphore, #tpu.memory_space<semaphore_mem>>) src(%dma_wait3A_61 : memref<10000x128xf32, #tpu.memory_space<hbm>>) dst(%arg10 : memref<128x128xf32, #tpu.memory_space<vmem>>)
        %dma_start3A_62 = arith.constant 0 : i32
        %dma_start3A_63 = tpu.memref_slice %arg7[%mul3A_36, %dma_start3A_62] : memref<80x128xi32, #tpu.memory_space<vmem>> -> memref<1x128xi32, #tpu.memory_space<vmem>>
        %dma_start3A_64 = tpu.memref_squeeze %dma_start3A_63 : memref<1x128xi32, #tpu.memory_space<vmem>> -> memref<128xi32, #tpu.memory_space<vmem>>
        %dma_start3A_65 = arith.constant 0 : i32
        %dma_start3A_66 = arith.constant 0 : i32
        %dma_start3A_67 = tpu.memref_slice %arg18[%dma_start3A_65, %dma_start3A_66] : memref<10112x128xf32, #tpu.memory_space<vmem_shared>> -> memref<10112x128xf32, #tpu.memory_space<vmem_shared>>
        tpu.enqueue_indirect_dma source(%arg10 : memref<128x128xf32, #tpu.memory_space<vmem>>) target(%dma_start3A_67 : memref<10112x128xf32, #tpu.memory_space<vmem_shared>>) offsets(%dma_start3A_64 : memref<128xi32, #tpu.memory_space<vmem>>) semaphore(%arg16 : memref<!tpu.dma_semaphore, #tpu.memory_space<semaphore_mem>>) {add = true}
        %dma_wait3A_68 = arith.constant 0 : i32
        %dma_wait3A_69 = arith.constant 0 : i32
        %dma_wait3A_70 = tpu.memref_slice %arg7[%dma_wait3A_68, %dma_wait3A_69] : memref<80x128xi32, #tpu.memory_space<vmem>> -> memref<1x128xi32, #tpu.memory_space<vmem>>
        %dma_wait3A_71 = tpu.memref_squeeze %dma_wait3A_70 : memref<1x128xi32, #tpu.memory_space<vmem>> -> memref<128xi32, #tpu.memory_space<vmem>>
        %dma_wait3A_72 = arith.constant 0 : i32
        %dma_wait3A_73 = arith.constant 0 : i32
        %dma_wait3A_74 = tpu.memref_slice %arg18[%dma_wait3A_72, %dma_wait3A_73] : memref<10112x128xf32, #tpu.memory_space<vmem_shared>> -> memref<10112x128xf32, #tpu.memory_space<vmem_shared>>
        tpu.wait_indirect_dma semaphore(%arg17 : memref<!tpu.dma_semaphore, #tpu.memory_space<semaphore_mem>>) src(%arg11 : memref<128x128xf32, #tpu.memory_space<vmem>>) dst(%dma_wait3A_74 : memref<10112x128xf32, #tpu.memory_space<vmem_shared>>)
        %dma_wait3A_75 = arith.constant 0 : i32
        %dma_wait3A_76 = tpu.memref_slice %arg3[%dma_wait3A_75] : memref<327680xi32, #tpu.memory_space<hbm>> -> memref<128xi32, #tpu.memory_space<hbm>>
        %dma_wait3A_77 = arith.constant 0 : i32
        %dma_wait3A_78 = tpu.memref_slice %arg3[%dma_wait3A_77] : memref<327680xi32, #tpu.memory_space<hbm>> -> memref<128xi32, #tpu.memory_space<hbm>>
        tpu.wait_dma2 semaphore(%arg13 : memref<!tpu.dma_semaphore, #tpu.memory_space<semaphore_mem>>) src(%dma_wait3A_78 : memref<128xi32, #tpu.memory_space<hbm>>) dst(%arg9 : memref<128xi32, #tpu.memory_space<vmem>>)
        %dma_start3A_79 = arith.constant 0 : i32
        %dma_start3A_80 = arith.constant 0 : i32
        %dma_start3A_81 = tpu.memref_slice %arg2[%dma_start3A_79, %dma_start3A_80] : memref<10000x128xf32, #tpu.memory_space<hbm>> -> memref<10000x128xf32, #tpu.memory_space<hbm>>
        tpu.enqueue_indirect_dma source(%dma_start3A_81 : memref<10000x128xf32, #tpu.memory_space<hbm>>) target(%arg11 : memref<128x128xf32, #tpu.memory_space<vmem>>) offsets(%arg9 : memref<128xi32, #tpu.memory_space<vmem>>) semaphore(%arg15 : memref<!tpu.dma_semaphore, #tpu.memory_space<semaphore_mem>>)
      } else {
      }
      %lt3A_49 = arith.constant 39 : i32
      %lt3A_50 = arith.cmpi slt, %scan3A_34, %lt3A_49 : i32
      %convert_element_type3A_51 = arith.extui %lt3A_50 : i1 to i32
      %cond3A_52 = arith.constant 0 : i32
      %cond3A_53 = arith.cmpi ne, %convert_element_type3A_51, %cond3A_52 : i32
      scf.if %cond3A_53 {
        %add3A_59 = arith.constant 1 : i32
        %add3A_60 = arith.addi %mul3A_36, %add3A_59 : i32
        %dma_wait3A_61 = arith.constant 0 : i32
        %dma_wait3A_62 = arith.constant 0 : i32
        %dma_wait3A_63 = tpu.memref_slice %arg2[%dma_wait3A_61, %dma_wait3A_62] : memref<10000x128xf32, #tpu.memory_space<hbm>> -> memref<10000x128xf32, #tpu.memory_space<hbm>>
        tpu.wait_indirect_dma semaphore(%arg15 : memref<!tpu.dma_semaphore, #tpu.memory_space<semaphore_mem>>) src(%dma_wait3A_63 : memref<10000x128xf32, #tpu.memory_space<hbm>>) dst(%arg11 : memref<128x128xf32, #tpu.memory_space<vmem>>)
        %dma_start3A_64 = arith.constant 0 : i32
        %dma_start3A_65 = tpu.memref_slice %arg7[%add3A_60, %dma_start3A_64] : memref<80x128xi32, #tpu.memory_space<vmem>> -> memref<1x128xi32, #tpu.memory_space<vmem>>
        %dma_start3A_66 = tpu.memref_squeeze %dma_start3A_65 : memref<1x128xi32, #tpu.memory_space<vmem>> -> memref<128xi32, #tpu.memory_space<vmem>>
        %dma_start3A_67 = arith.constant 0 : i32
        %dma_start3A_68 = arith.constant 0 : i32
        %dma_start3A_69 = tpu.memref_slice %arg18[%dma_start3A_67, %dma_start3A_68] : memref<10112x128xf32, #tpu.memory_space<vmem_shared>> -> memref<10112x128xf32, #tpu.memory_space<vmem_shared>>
        tpu.enqueue_indirect_dma source(%arg11 : memref<128x128xf32, #tpu.memory_space<vmem>>) target(%dma_start3A_69 : memref<10112x128xf32, #tpu.memory_space<vmem_shared>>) offsets(%dma_start3A_66 : memref<128xi32, #tpu.memory_space<vmem>>) semaphore(%arg17 : memref<!tpu.dma_semaphore, #tpu.memory_space<semaphore_mem>>) {add = true}
        %add3A_70 = arith.constant 2 : i32
        %add3A_71 = arith.addi %add3A_60, %add3A_70 : i32
        %mul3A_72 = arith.constant 128 : i32
        %mul3A_73 = arith.muli %add3A_71, %mul3A_72 : i32
        %add3A_74 = arith.addi %mul3A_2, %mul3A_73 : i32
        %dma_start3A_75 = tpu.memref_slice %arg3[%add3A_74] : memref<327680xi32, #tpu.memory_space<hbm>> -> memref<128xi32, #tpu.memory_space<hbm>>
        %dma_start3A_76 = tpu.memref_slice %arg3[%add3A_74] : memref<327680xi32, #tpu.memory_space<hbm>> -> memref<128xi32, #tpu.memory_space<hbm>>
        tpu.enqueue_dma source(%dma_start3A_76 : memref<128xi32, #tpu.memory_space<hbm>>) target(%arg9 : memref<128xi32, #tpu.memory_space<vmem>>) target_semaphore(%arg13 : memref<!tpu.dma_semaphore, #tpu.memory_space<semaphore_mem>>)
        %dma_wait3A_77 = arith.constant 0 : i32
        %dma_wait3A_78 = arith.constant 0 : i32
        %dma_wait3A_79 = tpu.memref_slice %arg7[%dma_wait3A_77, %dma_wait3A_78] : memref<80x128xi32, #tpu.memory_space<vmem>> -> memref<1x128xi32, #tpu.memory_space<vmem>>
        %dma_wait3A_80 = tpu.memref_squeeze %dma_wait3A_79 : memref<1x128xi32, #tpu.memory_space<vmem>> -> memref<128xi32, #tpu.memory_space<vmem>>
        %dma_wait3A_81 = arith.constant 0 : i32
        %dma_wait3A_82 = arith.constant 0 : i32
        %dma_wait3A_83 = tpu.memref_slice %arg18[%dma_wait3A_81, %dma_wait3A_82] : memref<10112x128xf32, #tpu.memory_space<vmem_shared>> -> memref<10112x128xf32, #tpu.memory_space<vmem_shared>>
        tpu.wait_indirect_dma semaphore(%arg16 : memref<!tpu.dma_semaphore, #tpu.memory_space<semaphore_mem>>) src(%arg10 : memref<128x128xf32, #tpu.memory_space<vmem>>) dst(%dma_wait3A_83 : memref<10112x128xf32, #tpu.memory_space<vmem_shared>>)
        %dma_wait3A_84 = arith.constant 0 : i32
        %dma_wait3A_85 = tpu.memref_slice %arg3[%dma_wait3A_84] : memref<327680xi32, #tpu.memory_space<hbm>> -> memref<128xi32, #tpu.memory_space<hbm>>
        %dma_wait3A_86 = arith.constant 0 : i32
        %dma_wait3A_87 = tpu.memref_slice %arg3[%dma_wait3A_86] : memref<327680xi32, #tpu.memory_space<hbm>> -> memref<128xi32, #tpu.memory_space<hbm>>
        tpu.wait_dma2 semaphore(%arg12 : memref<!tpu.dma_semaphore, #tpu.memory_space<semaphore_mem>>) src(%dma_wait3A_87 : memref<128xi32, #tpu.memory_space<hbm>>) dst(%arg8 : memref<128xi32, #tpu.memory_space<vmem>>)
        %dma_start3A_88 = arith.constant 0 : i32
        %dma_start3A_89 = arith.constant 0 : i32
        %dma_start3A_90 = tpu.memref_slice %arg2[%dma_start3A_88, %dma_start3A_89] : memref<10000x128xf32, #tpu.memory_space<hbm>> -> memref<10000x128xf32, #tpu.memory_space<hbm>>
        tpu.enqueue_indirect_dma source(%dma_start3A_90 : memref<10000x128xf32, #tpu.memory_space<hbm>>) target(%arg10 : memref<128x128xf32, #tpu.memory_space<vmem>>) offsets(%arg8 : memref<128xi32, #tpu.memory_space<vmem>>) semaphore(%arg14 : memref<!tpu.dma_semaphore, #tpu.memory_space<semaphore_mem>>)
      } else {
      }
      %eq3A_54 = arith.constant 39 : i32
      %eq3A_55 = arith.cmpi eq, %scan3A_34, %eq3A_54 : i32
      %convert_element_type3A_56 = arith.extui %eq3A_55 : i1 to i32
      %cond3A_57 = arith.constant 0 : i32
      %cond3A_58 = arith.cmpi ne, %convert_element_type3A_56, %cond3A_57 : i32
      scf.if %cond3A_58 {
        %add3A_59 = arith.constant 1 : i32
        %add3A_60 = arith.addi %mul3A_36, %add3A_59 : i32
        %dma_wait3A_61 = arith.constant 0 : i32
        %dma_wait3A_62 = arith.constant 0 : i32
        %dma_wait3A_63 = tpu.memref_slice %arg2[%dma_wait3A_61, %dma_wait3A_62] : memref<10000x128xf32, #tpu.memory_space<hbm>> -> memref<10000x128xf32, #tpu.memory_space<hbm>>
        tpu.wait_indirect_dma semaphore(%arg15 : memref<!tpu.dma_semaphore, #tpu.memory_space<semaphore_mem>>) src(%dma_wait3A_63 : memref<10000x128xf32, #tpu.memory_space<hbm>>) dst(%arg11 : memref<128x128xf32, #tpu.memory_space<vmem>>)
        %dma_start3A_64 = arith.constant 0 : i32
        %dma_start3A_65 = tpu.memref_slice %arg7[%add3A_60, %dma_start3A_64] : memref<80x128xi32, #tpu.memory_space<vmem>> -> memref<1x128xi32, #tpu.memory_space<vmem>>
        %dma_start3A_66 = tpu.memref_squeeze %dma_start3A_65 : memref<1x128xi32, #tpu.memory_space<vmem>> -> memref<128xi32, #tpu.memory_space<vmem>>
        %dma_start3A_67 = arith.constant 0 : i32
        %dma_start3A_68 = arith.constant 0 : i32
        %dma_start3A_69 = tpu.memref_slice %arg18[%dma_start3A_67, %dma_start3A_68] : memref<10112x128xf32, #tpu.memory_space<vmem_shared>> -> memref<10112x128xf32, #tpu.memory_space<vmem_shared>>
        tpu.enqueue_indirect_dma source(%arg11 : memref<128x128xf32, #tpu.memory_space<vmem>>) target(%dma_start3A_69 : memref<10112x128xf32, #tpu.memory_space<vmem_shared>>) offsets(%dma_start3A_66 : memref<128xi32, #tpu.memory_space<vmem>>) semaphore(%arg17 : memref<!tpu.dma_semaphore, #tpu.memory_space<semaphore_mem>>) {add = true}
        %dma_wait3A_70 = arith.constant 0 : i32
        %dma_wait3A_71 = arith.constant 0 : i32
        %dma_wait3A_72 = tpu.memref_slice %arg7[%dma_wait3A_70, %dma_wait3A_71] : memref<80x128xi32, #tpu.memory_space<vmem>> -> memref<1x128xi32, #tpu.memory_space<vmem>>
        %dma_wait3A_73 = tpu.memref_squeeze %dma_wait3A_72 : memref<1x128xi32, #tpu.memory_space<vmem>> -> memref<128xi32, #tpu.memory_space<vmem>>
        %dma_wait3A_74 = arith.constant 0 : i32
        %dma_wait3A_75 = arith.constant 0 : i32
        %dma_wait3A_76 = tpu.memref_slice %arg18[%dma_wait3A_74, %dma_wait3A_75] : memref<10112x128xf32, #tpu.memory_space<vmem_shared>> -> memref<10112x128xf32, #tpu.memory_space<vmem_shared>>
        tpu.wait_indirect_dma semaphore(%arg16 : memref<!tpu.dma_semaphore, #tpu.memory_space<semaphore_mem>>) src(%arg10 : memref<128x128xf32, #tpu.memory_space<vmem>>) dst(%dma_wait3A_76 : memref<10112x128xf32, #tpu.memory_space<vmem_shared>>)
      } else {
      }
    }
    %scan3A_21 = arith.constant 40 : i32
    %dma_wait3A_22 = arith.constant 0 : i32
    %dma_wait3A_23 = arith.constant 0 : i32
    %dma_wait3A_24 = tpu.memref_slice %arg7[%dma_wait3A_22, %dma_wait3A_23] : memref<80x128xi32, #tpu.memory_space<vmem>> -> memref<1x128xi32, #tpu.memory_space<vmem>>
    %dma_wait3A_25 = tpu.memref_squeeze %dma_wait3A_24 : memref<1x128xi32, #tpu.memory_space<vmem>> -> memref<128xi32, #tpu.memory_space<vmem>>
    %dma_wait3A_26 = arith.constant 0 : i32
    %dma_wait3A_27 = arith.constant 0 : i32
    %dma_wait3A_28 = tpu.memref_slice %arg18[%dma_wait3A_26, %dma_wait3A_27] : memref<10112x128xf32, #tpu.memory_space<vmem_shared>> -> memref<10112x128xf32, #tpu.memory_space<vmem_shared>>
    tpu.wait_indirect_dma semaphore(%arg17 : memref<!tpu.dma_semaphore, #tpu.memory_space<semaphore_mem>>) src(%arg11 : memref<128x128xf32, #tpu.memory_space<vmem>>) dst(%dma_wait3A_28 : memref<10112x128xf32, #tpu.memory_space<vmem_shared>>)
    %barrier3A_29 = arith.constant 0 : index
    tpu.barrier barrier_id(%barrier3A_29)
    %mul3A_30 = arith.constant 632 : i32
    %mul3A_31 = arith.muli %arg1, %mul3A_30 : i32
    %mul3A_32 = arith.constant 632 : i32
    %mul3A_33 = arith.muli %arg1, %mul3A_32 : i32
    "tpu.region"() ({
      %run_scoped3A = tpu.sem_alloc : memref<!tpu.dma_semaphore, #tpu.memory_space<semaphore_mem>>
      %dma_start3A_34 = arith.constant 0 : i32
      %dma_start3A_35 = tpu.memref_slice %arg6[%arg0, %mul3A_33, %dma_start3A_34] : memref<2x10112x128xf32, #tpu.memory_space<hbm>> -> memref<1x632x128xf32, #tpu.memory_space<hbm>>
      %dma_start3A_36 = tpu.memref_squeeze %dma_start3A_35 : memref<1x632x128xf32, #tpu.memory_space<hbm>> -> memref<632x128xf32, #tpu.memory_space<hbm>>
      %dma_start3A_37 = arith.constant 0 : i32
      %dma_start3A_38 = tpu.memref_slice %arg18[%mul3A_31, %dma_start3A_37] : memref<10112x128xf32, #tpu.memory_space<vmem_shared>> -> memref<632x128xf32, #tpu.memory_space<vmem_shared>>
      tpu.enqueue_dma source(%dma_start3A_38 : memref<632x128xf32, #tpu.memory_space<vmem_shared>>) target(%dma_start3A_36 : memref<632x128xf32, #tpu.memory_space<hbm>>) target_semaphore(%run_scoped3A : memref<!tpu.dma_semaphore, #tpu.memory_space<semaphore_mem>>)
      %dma_wait3A_39 = arith.constant 0 : i32
      %dma_wait3A_40 = tpu.memref_slice %arg6[%arg0, %mul3A_33, %dma_wait3A_39] : memref<2x10112x128xf32, #tpu.memory_space<hbm>> -> memref<1x632x128xf32, #tpu.memory_space<hbm>>
      %dma_wait3A_41 = tpu.memref_squeeze %dma_wait3A_40 : memref<1x632x128xf32, #tpu.memory_space<hbm>> -> memref<632x128xf32, #tpu.memory_space<hbm>>
      %dma_wait3A_42 = arith.constant 0 : i32
      %dma_wait3A_43 = tpu.memref_slice %arg18[%mul3A_31, %dma_wait3A_42] : memref<10112x128xf32, #tpu.memory_space<vmem_shared>> -> memref<632x128xf32, #tpu.memory_space<vmem_shared>>
      tpu.wait_dma2 semaphore(%run_scoped3A : memref<!tpu.dma_semaphore, #tpu.memory_space<semaphore_mem>>) src(%dma_wait3A_43 : memref<632x128xf32, #tpu.memory_space<vmem_shared>>) dst(%dma_wait3A_41 : memref<632x128xf32, #tpu.memory_space<hbm>>)
      tpu.yield
    }) : () -> ()
    return
  }
}

#map = affine_map<(d0, d1) -> (0, 0)>
#map1 = affine_map<(d0, d1) -> (0)>
#map2 = affine_map<(d0, d1) -> (0, 0, 0)>
module attributes {stable_mosaic.version = 14 : i64} {
  func.func @sc_segsum(%arg0: i32, %arg1: i32, %arg2: memref<10000x128xf32, #tpu.memory_space<hbm>>, %arg3: memref<327680xi32, #tpu.memory_space<hbm>>, %arg4: memref<32x80x128xi32, #tpu.memory_space<hbm>>, %arg5: memref<632x128xf32, #tpu.memory_space<hbm>>, %arg6: memref<2x10112x128xf32, #tpu.memory_space<hbm>>, %arg7: memref<80x128xi32, #tpu.memory_space<vmem>>, %arg8: memref<128xi32, #tpu.memory_space<vmem>>, %arg9: memref<128xi32, #tpu.memory_space<vmem>>, %arg10: memref<128x128xf32, #tpu.memory_space<vmem>>, %arg11: memref<128x128xf32, #tpu.memory_space<vmem>>, %arg12: memref<!tpu.dma_semaphore, #tpu.memory_space<semaphore_mem>>, %arg13: memref<!tpu.dma_semaphore, #tpu.memory_space<semaphore_mem>>, %arg14: memref<!tpu.dma_semaphore, #tpu.memory_space<semaphore_mem>>, %arg15: memref<!tpu.dma_semaphore, #tpu.memory_space<semaphore_mem>>, %arg16: memref<!tpu.dma_semaphore, #tpu.memory_space<semaphore_mem>>, %arg17: memref<!tpu.dma_semaphore, #tpu.memory_space<semaphore_mem>>, %arg18: memref<10112x128xf32, #tpu.memory_space<vmem_shared>>) attributes {dimension_semantics = [#tpu.dimension_semantics<core_parallel>, #tpu.dimension_semantics<subcore_parallel>], iteration_bounds = array<i64: 2, 16>, scalar_prefetch = 0 : i64, scratch_operands = 12 : i64, tpu.core_type = #tpu.core_type<sc_vector_subcore>, window_params = [{transform_indices = #map}, {transform_indices = #map1}, {transform_indices = #map2}, {transform_indices = #map}, {transform_indices = #map2}]} {
    %mul3A = arith.constant 16 : i32
    %mul3A_0 = arith.muli %arg0, %mul3A : i32
    %add3A = arith.addi %mul3A_0, %arg1 : i32
    %mul3A_1 = arith.constant 10240 : i32
    %mul3A_2 = arith.muli %add3A, %mul3A_1 : i32
    %mul3A_3 = arith.constant 632 : i32
    %mul3A_4 = arith.muli %arg1, %mul3A_3 : i32
    "tpu.region"() ({
      %run_scoped3A = tpu.sem_alloc : memref<!tpu.dma_semaphore, #tpu.memory_space<semaphore_mem>>
      %dma_start3A_34 = arith.constant 0 : i32
      %dma_start3A_35 = tpu.memref_slice %arg18[%mul3A_4, %dma_start3A_34] : memref<10112x128xf32, #tpu.memory_space<vmem_shared>> -> memref<632x128xf32, #tpu.memory_space<vmem_shared>>
      tpu.enqueue_dma source(%arg5 : memref<632x128xf32, #tpu.memory_space<hbm>>) target(%dma_start3A_35 : memref<632x128xf32, #tpu.memory_space<vmem_shared>>) target_semaphore(%run_scoped3A : memref<!tpu.dma_semaphore, #tpu.memory_space<semaphore_mem>>)
      %dma_wait3A_36 = arith.constant 0 : i32
      %dma_wait3A_37 = tpu.memref_slice %arg18[%mul3A_4, %dma_wait3A_36] : memref<10112x128xf32, #tpu.memory_space<vmem_shared>> -> memref<632x128xf32, #tpu.memory_space<vmem_shared>>
      tpu.wait_dma2 semaphore(%run_scoped3A : memref<!tpu.dma_semaphore, #tpu.memory_space<semaphore_mem>>) src(%arg5 : memref<632x128xf32, #tpu.memory_space<hbm>>) dst(%dma_wait3A_37 : memref<632x128xf32, #tpu.memory_space<vmem_shared>>)
      tpu.yield
    }) : () -> ()
    "tpu.region"() ({
      %run_scoped3A = tpu.sem_alloc : memref<!tpu.dma_semaphore, #tpu.memory_space<semaphore_mem>>
      %dma_start3A_34 = arith.constant 0 : i32
      %dma_start3A_35 = arith.constant 0 : i32
      %dma_start3A_36 = tpu.memref_slice %arg4[%add3A, %dma_start3A_34, %dma_start3A_35] : memref<32x80x128xi32, #tpu.memory_space<hbm>> -> memref<1x80x128xi32, #tpu.memory_space<hbm>>
      %dma_start3A_37 = tpu.memref_squeeze %dma_start3A_36 : memref<1x80x128xi32, #tpu.memory_space<hbm>> -> memref<80x128xi32, #tpu.memory_space<hbm>>
      %dma_start3A_38 = arith.constant 0 : i32
      %dma_start3A_39 = arith.constant 0 : i32
      %dma_start3A_40 = tpu.memref_slice %arg4[%add3A, %dma_start3A_38, %dma_start3A_39] : memref<32x80x128xi32, #tpu.memory_space<hbm>> -> memref<1x80x128xi32, #tpu.memory_space<hbm>>
      %dma_start3A_41 = tpu.memref_squeeze %dma_start3A_40 : memref<1x80x128xi32, #tpu.memory_space<hbm>> -> memref<80x128xi32, #tpu.memory_space<hbm>>
      tpu.enqueue_dma source(%dma_start3A_41 : memref<80x128xi32, #tpu.memory_space<hbm>>) target(%arg7 : memref<80x128xi32, #tpu.memory_space<vmem>>) target_semaphore(%run_scoped3A : memref<!tpu.dma_semaphore, #tpu.memory_space<semaphore_mem>>)
      %dma_wait3A_42 = arith.constant 0 : i32
      %dma_wait3A_43 = arith.constant 0 : i32
      %dma_wait3A_44 = tpu.memref_slice %arg4[%add3A, %dma_wait3A_42, %dma_wait3A_43] : memref<32x80x128xi32, #tpu.memory_space<hbm>> -> memref<1x80x128xi32, #tpu.memory_space<hbm>>
      %dma_wait3A_45 = tpu.memref_squeeze %dma_wait3A_44 : memref<1x80x128xi32, #tpu.memory_space<hbm>> -> memref<80x128xi32, #tpu.memory_space<hbm>>
      %dma_wait3A_46 = arith.constant 0 : i32
      %dma_wait3A_47 = arith.constant 0 : i32
      %dma_wait3A_48 = tpu.memref_slice %arg4[%add3A, %dma_wait3A_46, %dma_wait3A_47] : memref<32x80x128xi32, #tpu.memory_space<hbm>> -> memref<1x80x128xi32, #tpu.memory_space<hbm>>
      %dma_wait3A_49 = tpu.memref_squeeze %dma_wait3A_48 : memref<1x80x128xi32, #tpu.memory_space<hbm>> -> memref<80x128xi32, #tpu.memory_space<hbm>>
      tpu.wait_dma2 semaphore(%run_scoped3A : memref<!tpu.dma_semaphore, #tpu.memory_space<semaphore_mem>>) src(%dma_wait3A_49 : memref<80x128xi32, #tpu.memory_space<hbm>>) dst(%arg7 : memref<80x128xi32, #tpu.memory_space<vmem>>)
      tpu.yield
    }) : () -> ()
    %barrier3A = arith.constant 0 : index
    tpu.barrier barrier_id(%barrier3A)
    %add3A_5 = arith.constant 0 : i32
    %add3A_6 = arith.addi %mul3A_2, %add3A_5 : i32
    %dma_start3A = tpu.memref_slice %arg3[%add3A_6] : memref<327680xi32, #tpu.memory_space<hbm>> -> memref<128xi32, #tpu.memory_space<hbm>>
    %dma_start3A_7 = tpu.memref_slice %arg3[%add3A_6] : memref<327680xi32, #tpu.memory_space<hbm>> -> memref<128xi32, #tpu.memory_space<hbm>>
    tpu.enqueue_dma source(%dma_start3A_7 : memref<128xi32, #tpu.memory_space<hbm>>) target(%arg8 : memref<128xi32, #tpu.memory_space<vmem>>) target_semaphore(%arg12 : memref<!tpu.dma_semaphore, #tpu.memory_space<semaphore_mem>>)
    %add3A_8 = arith.constant 128 : i32
    %add3A_9 = arith.addi %mul3A_2, %add3A_8 : i32
    %dma_start3A_10 = tpu.memref_slice %arg3[%add3A_9] : memref<327680xi32, #tpu.memory_space<hbm>> -> memref<128xi32, #tpu.memory_space<hbm>>
    %dma_start3A_11 = tpu.memref_slice %arg3[%add3A_9] : memref<327680xi32, #tpu.memory_space<hbm>> -> memref<128xi32, #tpu.memory_space<hbm>>
    tpu.enqueue_dma source(%dma_start3A_11 : memref<128xi32, #tpu.memory_space<hbm>>) target(%arg9 : memref<128xi32, #tpu.memory_space<vmem>>) target_semaphore(%arg13 : memref<!tpu.dma_semaphore, #tpu.memory_space<semaphore_mem>>)
    %dma_wait3A = arith.constant 0 : i32
    %dma_wait3A_12 = tpu.memref_slice %arg3[%dma_wait3A] : memref<327680xi32, #tpu.memory_space<hbm>> -> memref<128xi32, #tpu.memory_space<hbm>>
    %dma_wait3A_13 = arith.constant 0 : i32
    %dma_wait3A_14 = tpu.memref_slice %arg3[%dma_wait3A_13] : memref<327680xi32, #tpu.memory_space<hbm>> -> memref<128xi32, #tpu.memory_space<hbm>>
    tpu.wait_dma2 semaphore(%arg12 : memref<!tpu.dma_semaphore, #tpu.memory_space<semaphore_mem>>) src(%dma_wait3A_14 : memref<128xi32, #tpu.memory_space<hbm>>) dst(%arg8 : memref<128xi32, #tpu.memory_space<vmem>>)
    %dma_start3A_15 = arith.constant 0 : i32
    %dma_start3A_16 = arith.constant 0 : i32
    %dma_start3A_17 = tpu.memref_slice %arg2[%dma_start3A_15, %dma_start3A_16] : memref<10000x128xf32, #tpu.memory_space<hbm>> -> memref<10000x128xf32, #tpu.memory_space<hbm>>
    tpu.enqueue_indirect_dma source(%dma_start3A_17 : memref<10000x128xf32, #tpu.memory_space<hbm>>) target(%arg10 : memref<128x128xf32, #tpu.memory_space<vmem>>) offsets(%arg8 : memref<128xi32, #tpu.memory_space<vmem>>) semaphore(%arg14 : memref<!tpu.dma_semaphore, #tpu.memory_space<semaphore_mem>>)
    %scan3A = arith.constant 0 : i32
    %scan3A_18 = arith.constant 40 : i32
    %scan3A_19 = arith.addi %scan3A, %scan3A_18 : i32
    %scan3A_20 = arith.constant 1 : i32
    scf.for %scan3A_34 = %scan3A to %scan3A_19 step %scan3A_20  : i32 {
      %mul3A_35 = arith.constant 2 : i32
      %mul3A_36 = arith.muli %scan3A_34, %mul3A_35 : i32
      %eq3A = arith.constant 0 : i32
      %eq3A_37 = arith.cmpi eq, %scan3A_34, %eq3A : i32
      %convert_element_type3A = arith.extui %eq3A_37 : i1 to i32
      %cond3A = arith.constant 0 : i32
      %cond3A_38 = arith.cmpi ne, %convert_element_type3A, %cond3A : i32
      scf.if %cond3A_38 {
        %dma_wait3A_59 = arith.constant 0 : i32
        %dma_wait3A_60 = arith.constant 0 : i32
        %dma_wait3A_61 = tpu.memref_slice %arg2[%dma_wait3A_59, %dma_wait3A_60] : memref<10000x128xf32, #tpu.memory_space<hbm>> -> memref<10000x128xf32, #tpu.memory_space<hbm>>
        tpu.wait_indirect_dma semaphore(%arg14 : memref<!tpu.dma_semaphore, #tpu.memory_space<semaphore_mem>>) src(%dma_wait3A_61 : memref<10000x128xf32, #tpu.memory_space<hbm>>) dst(%arg10 : memref<128x128xf32, #tpu.memory_space<vmem>>)
        %dma_start3A_62 = arith.constant 0 : i32
        %dma_start3A_63 = tpu.memref_slice %arg7[%mul3A_36, %dma_start3A_62] : memref<80x128xi32, #tpu.memory_space<vmem>> -> memref<1x128xi32, #tpu.memory_space<vmem>>
        %dma_start3A_64 = tpu.memref_squeeze %dma_start3A_63 : memref<1x128xi32, #tpu.memory_space<vmem>> -> memref<128xi32, #tpu.memory_space<vmem>>
        %dma_start3A_65 = arith.constant 0 : i32
        %dma_start3A_66 = arith.constant 0 : i32
        %dma_start3A_67 = tpu.memref_slice %arg18[%dma_start3A_65, %dma_start3A_66] : memref<10112x128xf32, #tpu.memory_space<vmem_shared>> -> memref<10112x128xf32, #tpu.memory_space<vmem_shared>>
        tpu.enqueue_indirect_dma source(%arg10 : memref<128x128xf32, #tpu.memory_space<vmem>>) target(%dma_start3A_67 : memref<10112x128xf32, #tpu.memory_space<vmem_shared>>) offsets(%dma_start3A_64 : memref<128xi32, #tpu.memory_space<vmem>>) semaphore(%arg16 : memref<!tpu.dma_semaphore, #tpu.memory_space<semaphore_mem>>) {add = true}
        %add3A_68 = arith.constant 2 : i32
        %add3A_69 = arith.addi %mul3A_36, %add3A_68 : i32
        %mul3A_70 = arith.constant 128 : i32
        %mul3A_71 = arith.muli %add3A_69, %mul3A_70 : i32
        %add3A_72 = arith.addi %mul3A_2, %mul3A_71 : i32
        %dma_start3A_73 = tpu.memref_slice %arg3[%add3A_72] : memref<327680xi32, #tpu.memory_space<hbm>> -> memref<128xi32, #tpu.memory_space<hbm>>
        %dma_start3A_74 = tpu.memref_slice %arg3[%add3A_72] : memref<327680xi32, #tpu.memory_space<hbm>> -> memref<128xi32, #tpu.memory_space<hbm>>
        tpu.enqueue_dma source(%dma_start3A_74 : memref<128xi32, #tpu.memory_space<hbm>>) target(%arg8 : memref<128xi32, #tpu.memory_space<vmem>>) target_semaphore(%arg12 : memref<!tpu.dma_semaphore, #tpu.memory_space<semaphore_mem>>)
        %dma_wait3A_75 = arith.constant 0 : i32
        %dma_wait3A_76 = tpu.memref_slice %arg3[%dma_wait3A_75] : memref<327680xi32, #tpu.memory_space<hbm>> -> memref<128xi32, #tpu.memory_space<hbm>>
        %dma_wait3A_77 = arith.constant 0 : i32
        %dma_wait3A_78 = tpu.memref_slice %arg3[%dma_wait3A_77] : memref<327680xi32, #tpu.memory_space<hbm>> -> memref<128xi32, #tpu.memory_space<hbm>>
        tpu.wait_dma2 semaphore(%arg13 : memref<!tpu.dma_semaphore, #tpu.memory_space<semaphore_mem>>) src(%dma_wait3A_78 : memref<128xi32, #tpu.memory_space<hbm>>) dst(%arg9 : memref<128xi32, #tpu.memory_space<vmem>>)
        %dma_start3A_79 = arith.constant 0 : i32
        %dma_start3A_80 = arith.constant 0 : i32
        %dma_start3A_81 = tpu.memref_slice %arg2[%dma_start3A_79, %dma_start3A_80] : memref<10000x128xf32, #tpu.memory_space<hbm>> -> memref<10000x128xf32, #tpu.memory_space<hbm>>
        tpu.enqueue_indirect_dma source(%dma_start3A_81 : memref<10000x128xf32, #tpu.memory_space<hbm>>) target(%arg11 : memref<128x128xf32, #tpu.memory_space<vmem>>) offsets(%arg9 : memref<128xi32, #tpu.memory_space<vmem>>) semaphore(%arg15 : memref<!tpu.dma_semaphore, #tpu.memory_space<semaphore_mem>>)
      } else {
      }
      %gt3A = arith.constant 0 : i32
      %gt3A_39 = arith.cmpi sgt, %scan3A_34, %gt3A : i32
      %lt3A = arith.constant 39 : i32
      %lt3A_40 = arith.cmpi slt, %scan3A_34, %lt3A : i32
      %and3A = arith.andi %gt3A_39, %lt3A_40 : i1
      %convert_element_type3A_41 = arith.extui %and3A : i1 to i32
      %cond3A_42 = arith.constant 0 : i32
      %cond3A_43 = arith.cmpi ne, %convert_element_type3A_41, %cond3A_42 : i32
      scf.if %cond3A_43 {
        %dma_wait3A_59 = arith.constant 0 : i32
        %dma_wait3A_60 = arith.constant 0 : i32
        %dma_wait3A_61 = tpu.memref_slice %arg2[%dma_wait3A_59, %dma_wait3A_60] : memref<10000x128xf32, #tpu.memory_space<hbm>> -> memref<10000x128xf32, #tpu.memory_space<hbm>>
        tpu.wait_indirect_dma semaphore(%arg14 : memref<!tpu.dma_semaphore, #tpu.memory_space<semaphore_mem>>) src(%dma_wait3A_61 : memref<10000x128xf32, #tpu.memory_space<hbm>>) dst(%arg10 : memref<128x128xf32, #tpu.memory_space<vmem>>)
        %dma_start3A_62 = arith.constant 0 : i32
        %dma_start3A_63 = tpu.memref_slice %arg7[%mul3A_36, %dma_start3A_62] : memref<80x128xi32, #tpu.memory_space<vmem>> -> memref<1x128xi32, #tpu.memory_space<vmem>>
        %dma_start3A_64 = tpu.memref_squeeze %dma_start3A_63 : memref<1x128xi32, #tpu.memory_space<vmem>> -> memref<128xi32, #tpu.memory_space<vmem>>
        %dma_start3A_65 = arith.constant 0 : i32
        %dma_start3A_66 = arith.constant 0 : i32
        %dma_start3A_67 = tpu.memref_slice %arg18[%dma_start3A_65, %dma_start3A_66] : memref<10112x128xf32, #tpu.memory_space<vmem_shared>> -> memref<10112x128xf32, #tpu.memory_space<vmem_shared>>
        tpu.enqueue_indirect_dma source(%arg10 : memref<128x128xf32, #tpu.memory_space<vmem>>) target(%dma_start3A_67 : memref<10112x128xf32, #tpu.memory_space<vmem_shared>>) offsets(%dma_start3A_64 : memref<128xi32, #tpu.memory_space<vmem>>) semaphore(%arg16 : memref<!tpu.dma_semaphore, #tpu.memory_space<semaphore_mem>>) {add = true}
        %add3A_68 = arith.constant 2 : i32
        %add3A_69 = arith.addi %mul3A_36, %add3A_68 : i32
        %mul3A_70 = arith.constant 128 : i32
        %mul3A_71 = arith.muli %add3A_69, %mul3A_70 : i32
        %add3A_72 = arith.addi %mul3A_2, %mul3A_71 : i32
        %dma_start3A_73 = tpu.memref_slice %arg3[%add3A_72] : memref<327680xi32, #tpu.memory_space<hbm>> -> memref<128xi32, #tpu.memory_space<hbm>>
        %dma_start3A_74 = tpu.memref_slice %arg3[%add3A_72] : memref<327680xi32, #tpu.memory_space<hbm>> -> memref<128xi32, #tpu.memory_space<hbm>>
        tpu.enqueue_dma source(%dma_start3A_74 : memref<128xi32, #tpu.memory_space<hbm>>) target(%arg8 : memref<128xi32, #tpu.memory_space<vmem>>) target_semaphore(%arg12 : memref<!tpu.dma_semaphore, #tpu.memory_space<semaphore_mem>>)
        %dma_wait3A_75 = arith.constant 0 : i32
        %dma_wait3A_76 = arith.constant 0 : i32
        %dma_wait3A_77 = tpu.memref_slice %arg7[%dma_wait3A_75, %dma_wait3A_76] : memref<80x128xi32, #tpu.memory_space<vmem>> -> memref<1x128xi32, #tpu.memory_space<vmem>>
        %dma_wait3A_78 = tpu.memref_squeeze %dma_wait3A_77 : memref<1x128xi32, #tpu.memory_space<vmem>> -> memref<128xi32, #tpu.memory_space<vmem>>
        %dma_wait3A_79 = arith.constant 0 : i32
        %dma_wait3A_80 = arith.constant 0 : i32
        %dma_wait3A_81 = tpu.memref_slice %arg18[%dma_wait3A_79, %dma_wait3A_80] : memref<10112x128xf32, #tpu.memory_space<vmem_shared>> -> memref<10112x128xf32, #tpu.memory_space<vmem_shared>>
        tpu.wait_indirect_dma semaphore(%arg17 : memref<!tpu.dma_semaphore, #tpu.memory_space<semaphore_mem>>) src(%arg11 : memref<128x128xf32, #tpu.memory_space<vmem>>) dst(%dma_wait3A_81 : memref<10112x128xf32, #tpu.memory_space<vmem_shared>>)
        %dma_wait3A_82 = arith.constant 0 : i32
        %dma_wait3A_83 = tpu.memref_slice %arg3[%dma_wait3A_82] : memref<327680xi32, #tpu.memory_space<hbm>> -> memref<128xi32, #tpu.memory_space<hbm>>
        %dma_wait3A_84 = arith.constant 0 : i32
        %dma_wait3A_85 = tpu.memref_slice %arg3[%dma_wait3A_84] : memref<327680xi32, #tpu.memory_space<hbm>> -> memref<128xi32, #tpu.memory_space<hbm>>
        tpu.wait_dma2 semaphore(%arg13 : memref<!tpu.dma_semaphore, #tpu.memory_space<semaphore_mem>>) src(%dma_wait3A_85 : memref<128xi32, #tpu.memory_space<hbm>>) dst(%arg9 : memref<128xi32, #tpu.memory_space<vmem>>)
        %dma_start3A_86 = arith.constant 0 : i32
        %dma_start3A_87 = arith.constant 0 : i32
        %dma_start3A_88 = tpu.memref_slice %arg2[%dma_start3A_86, %dma_start3A_87] : memref<10000x128xf32, #tpu.memory_space<hbm>> -> memref<10000x128xf32, #tpu.memory_space<hbm>>
        tpu.enqueue_indirect_dma source(%dma_start3A_88 : memref<10000x128xf32, #tpu.memory_space<hbm>>) target(%arg11 : memref<128x128xf32, #tpu.memory_space<vmem>>) offsets(%arg9 : memref<128xi32, #tpu.memory_space<vmem>>) semaphore(%arg15 : memref<!tpu.dma_semaphore, #tpu.memory_space<semaphore_mem>>)
      } else {
      }
      %eq3A_44 = arith.constant 39 : i32
      %eq3A_45 = arith.cmpi eq, %scan3A_34, %eq3A_44 : i32
      %convert_element_type3A_46 = arith.extui %eq3A_45 : i1 to i32
      %cond3A_47 = arith.constant 0 : i32
      %cond3A_48 = arith.cmpi ne, %convert_element_type3A_46, %cond3A_47 : i32
      scf.if %cond3A_48 {
        %dma_wait3A_59 = arith.constant 0 : i32
        %dma_wait3A_60 = arith.constant 0 : i32
        %dma_wait3A_61 = tpu.memref_slice %arg2[%dma_wait3A_59, %dma_wait3A_60] : memref<10000x128xf32, #tpu.memory_space<hbm>> -> memref<10000x128xf32, #tpu.memory_space<hbm>>
        tpu.wait_indirect_dma semaphore(%arg14 : memref<!tpu.dma_semaphore, #tpu.memory_space<semaphore_mem>>) src(%dma_wait3A_61 : memref<10000x128xf32, #tpu.memory_space<hbm>>) dst(%arg10 : memref<128x128xf32, #tpu.memory_space<vmem>>)
        %dma_start3A_62 = arith.constant 0 : i32
        %dma_start3A_63 = tpu.memref_slice %arg7[%mul3A_36, %dma_start3A_62] : memref<80x128xi32, #tpu.memory_space<vmem>> -> memref<1x128xi32, #tpu.memory_space<vmem>>
        %dma_start3A_64 = tpu.memref_squeeze %dma_start3A_63 : memref<1x128xi32, #tpu.memory_space<vmem>> -> memref<128xi32, #tpu.memory_space<vmem>>
        %dma_start3A_65 = arith.constant 0 : i32
        %dma_start3A_66 = arith.constant 0 : i32
        %dma_start3A_67 = tpu.memref_slice %arg18[%dma_start3A_65, %dma_start3A_66] : memref<10112x128xf32, #tpu.memory_space<vmem_shared>> -> memref<10112x128xf32, #tpu.memory_space<vmem_shared>>
        tpu.enqueue_indirect_dma source(%arg10 : memref<128x128xf32, #tpu.memory_space<vmem>>) target(%dma_start3A_67 : memref<10112x128xf32, #tpu.memory_space<vmem_shared>>) offsets(%dma_start3A_64 : memref<128xi32, #tpu.memory_space<vmem>>) semaphore(%arg16 : memref<!tpu.dma_semaphore, #tpu.memory_space<semaphore_mem>>) {add = true}
        %dma_wait3A_68 = arith.constant 0 : i32
        %dma_wait3A_69 = arith.constant 0 : i32
        %dma_wait3A_70 = tpu.memref_slice %arg7[%dma_wait3A_68, %dma_wait3A_69] : memref<80x128xi32, #tpu.memory_space<vmem>> -> memref<1x128xi32, #tpu.memory_space<vmem>>
        %dma_wait3A_71 = tpu.memref_squeeze %dma_wait3A_70 : memref<1x128xi32, #tpu.memory_space<vmem>> -> memref<128xi32, #tpu.memory_space<vmem>>
        %dma_wait3A_72 = arith.constant 0 : i32
        %dma_wait3A_73 = arith.constant 0 : i32
        %dma_wait3A_74 = tpu.memref_slice %arg18[%dma_wait3A_72, %dma_wait3A_73] : memref<10112x128xf32, #tpu.memory_space<vmem_shared>> -> memref<10112x128xf32, #tpu.memory_space<vmem_shared>>
        tpu.wait_indirect_dma semaphore(%arg17 : memref<!tpu.dma_semaphore, #tpu.memory_space<semaphore_mem>>) src(%arg11 : memref<128x128xf32, #tpu.memory_space<vmem>>) dst(%dma_wait3A_74 : memref<10112x128xf32, #tpu.memory_space<vmem_shared>>)
        %dma_wait3A_75 = arith.constant 0 : i32
        %dma_wait3A_76 = tpu.memref_slice %arg3[%dma_wait3A_75] : memref<327680xi32, #tpu.memory_space<hbm>> -> memref<128xi32, #tpu.memory_space<hbm>>
        %dma_wait3A_77 = arith.constant 0 : i32
        %dma_wait3A_78 = tpu.memref_slice %arg3[%dma_wait3A_77] : memref<327680xi32, #tpu.memory_space<hbm>> -> memref<128xi32, #tpu.memory_space<hbm>>
        tpu.wait_dma2 semaphore(%arg13 : memref<!tpu.dma_semaphore, #tpu.memory_space<semaphore_mem>>) src(%dma_wait3A_78 : memref<128xi32, #tpu.memory_space<hbm>>) dst(%arg9 : memref<128xi32, #tpu.memory_space<vmem>>)
        %dma_start3A_79 = arith.constant 0 : i32
        %dma_start3A_80 = arith.constant 0 : i32
        %dma_start3A_81 = tpu.memref_slice %arg2[%dma_start3A_79, %dma_start3A_80] : memref<10000x128xf32, #tpu.memory_space<hbm>> -> memref<10000x128xf32, #tpu.memory_space<hbm>>
        tpu.enqueue_indirect_dma source(%dma_start3A_81 : memref<10000x128xf32, #tpu.memory_space<hbm>>) target(%arg11 : memref<128x128xf32, #tpu.memory_space<vmem>>) offsets(%arg9 : memref<128xi32, #tpu.memory_space<vmem>>) semaphore(%arg15 : memref<!tpu.dma_semaphore, #tpu.memory_space<semaphore_mem>>)
      } else {
      }
      %lt3A_49 = arith.constant 39 : i32
      %lt3A_50 = arith.cmpi slt, %scan3A_34, %lt3A_49 : i32
      %convert_element_type3A_51 = arith.extui %lt3A_50 : i1 to i32
      %cond3A_52 = arith.constant 0 : i32
      %cond3A_53 = arith.cmpi ne, %convert_element_type3A_51, %cond3A_52 : i32
      scf.if %cond3A_53 {
        %add3A_59 = arith.constant 1 : i32
        %add3A_60 = arith.addi %mul3A_36, %add3A_59 : i32
        %dma_wait3A_61 = arith.constant 0 : i32
        %dma_wait3A_62 = arith.constant 0 : i32
        %dma_wait3A_63 = tpu.memref_slice %arg2[%dma_wait3A_61, %dma_wait3A_62] : memref<10000x128xf32, #tpu.memory_space<hbm>> -> memref<10000x128xf32, #tpu.memory_space<hbm>>
        tpu.wait_indirect_dma semaphore(%arg15 : memref<!tpu.dma_semaphore, #tpu.memory_space<semaphore_mem>>) src(%dma_wait3A_63 : memref<10000x128xf32, #tpu.memory_space<hbm>>) dst(%arg11 : memref<128x128xf32, #tpu.memory_space<vmem>>)
        %dma_start3A_64 = arith.constant 0 : i32
        %dma_start3A_65 = tpu.memref_slice %arg7[%add3A_60, %dma_start3A_64] : memref<80x128xi32, #tpu.memory_space<vmem>> -> memref<1x128xi32, #tpu.memory_space<vmem>>
        %dma_start3A_66 = tpu.memref_squeeze %dma_start3A_65 : memref<1x128xi32, #tpu.memory_space<vmem>> -> memref<128xi32, #tpu.memory_space<vmem>>
        %dma_start3A_67 = arith.constant 0 : i32
        %dma_start3A_68 = arith.constant 0 : i32
        %dma_start3A_69 = tpu.memref_slice %arg18[%dma_start3A_67, %dma_start3A_68] : memref<10112x128xf32, #tpu.memory_space<vmem_shared>> -> memref<10112x128xf32, #tpu.memory_space<vmem_shared>>
        tpu.enqueue_indirect_dma source(%arg11 : memref<128x128xf32, #tpu.memory_space<vmem>>) target(%dma_start3A_69 : memref<10112x128xf32, #tpu.memory_space<vmem_shared>>) offsets(%dma_start3A_66 : memref<128xi32, #tpu.memory_space<vmem>>) semaphore(%arg17 : memref<!tpu.dma_semaphore, #tpu.memory_space<semaphore_mem>>) {add = true}
        %add3A_70 = arith.constant 2 : i32
        %add3A_71 = arith.addi %add3A_60, %add3A_70 : i32
        %mul3A_72 = arith.constant 128 : i32
        %mul3A_73 = arith.muli %add3A_71, %mul3A_72 : i32
        %add3A_74 = arith.addi %mul3A_2, %mul3A_73 : i32
        %dma_start3A_75 = tpu.memref_slice %arg3[%add3A_74] : memref<327680xi32, #tpu.memory_space<hbm>> -> memref<128xi32, #tpu.memory_space<hbm>>
        %dma_start3A_76 = tpu.memref_slice %arg3[%add3A_74] : memref<327680xi32, #tpu.memory_space<hbm>> -> memref<128xi32, #tpu.memory_space<hbm>>
        tpu.enqueue_dma source(%dma_start3A_76 : memref<128xi32, #tpu.memory_space<hbm>>) target(%arg9 : memref<128xi32, #tpu.memory_space<vmem>>) target_semaphore(%arg13 : memref<!tpu.dma_semaphore, #tpu.memory_space<semaphore_mem>>)
        %dma_wait3A_77 = arith.constant 0 : i32
        %dma_wait3A_78 = arith.constant 0 : i32
        %dma_wait3A_79 = tpu.memref_slice %arg7[%dma_wait3A_77, %dma_wait3A_78] : memref<80x128xi32, #tpu.memory_space<vmem>> -> memref<1x128xi32, #tpu.memory_space<vmem>>
        %dma_wait3A_80 = tpu.memref_squeeze %dma_wait3A_79 : memref<1x128xi32, #tpu.memory_space<vmem>> -> memref<128xi32, #tpu.memory_space<vmem>>
        %dma_wait3A_81 = arith.constant 0 : i32
        %dma_wait3A_82 = arith.constant 0 : i32
        %dma_wait3A_83 = tpu.memref_slice %arg18[%dma_wait3A_81, %dma_wait3A_82] : memref<10112x128xf32, #tpu.memory_space<vmem_shared>> -> memref<10112x128xf32, #tpu.memory_space<vmem_shared>>
        tpu.wait_indirect_dma semaphore(%arg16 : memref<!tpu.dma_semaphore, #tpu.memory_space<semaphore_mem>>) src(%arg10 : memref<128x128xf32, #tpu.memory_space<vmem>>) dst(%dma_wait3A_83 : memref<10112x128xf32, #tpu.memory_space<vmem_shared>>)
        %dma_wait3A_84 = arith.constant 0 : i32
        %dma_wait3A_85 = tpu.memref_slice %arg3[%dma_wait3A_84] : memref<327680xi32, #tpu.memory_space<hbm>> -> memref<128xi32, #tpu.memory_space<hbm>>
        %dma_wait3A_86 = arith.constant 0 : i32
        %dma_wait3A_87 = tpu.memref_slice %arg3[%dma_wait3A_86] : memref<327680xi32, #tpu.memory_space<hbm>> -> memref<128xi32, #tpu.memory_space<hbm>>
        tpu.wait_dma2 semaphore(%arg12 : memref<!tpu.dma_semaphore, #tpu.memory_space<semaphore_mem>>) src(%dma_wait3A_87 : memref<128xi32, #tpu.memory_space<hbm>>) dst(%arg8 : memref<128xi32, #tpu.memory_space<vmem>>)
        %dma_start3A_88 = arith.constant 0 : i32
        %dma_start3A_89 = arith.constant 0 : i32
        %dma_start3A_90 = tpu.memref_slice %arg2[%dma_start3A_88, %dma_start3A_89] : memref<10000x128xf32, #tpu.memory_space<hbm>> -> memref<10000x128xf32, #tpu.memory_space<hbm>>
        tpu.enqueue_indirect_dma source(%dma_start3A_90 : memref<10000x128xf32, #tpu.memory_space<hbm>>) target(%arg10 : memref<128x128xf32, #tpu.memory_space<vmem>>) offsets(%arg8 : memref<128xi32, #tpu.memory_space<vmem>>) semaphore(%arg14 : memref<!tpu.dma_semaphore, #tpu.memory_space<semaphore_mem>>)
      } else {
      }
      %eq3A_54 = arith.constant 39 : i32
      %eq3A_55 = arith.cmpi eq, %scan3A_34, %eq3A_54 : i32
      %convert_element_type3A_56 = arith.extui %eq3A_55 : i1 to i32
      %cond3A_57 = arith.constant 0 : i32
      %cond3A_58 = arith.cmpi ne, %convert_element_type3A_56, %cond3A_57 : i32
      scf.if %cond3A_58 {
        %add3A_59 = arith.constant 1 : i32
        %add3A_60 = arith.addi %mul3A_36, %add3A_59 : i32
        %dma_wait3A_61 = arith.constant 0 : i32
        %dma_wait3A_62 = arith.constant 0 : i32
        %dma_wait3A_63 = tpu.memref_slice %arg2[%dma_wait3A_61, %dma_wait3A_62] : memref<10000x128xf32, #tpu.memory_space<hbm>> -> memref<10000x128xf32, #tpu.memory_space<hbm>>
        tpu.wait_indirect_dma semaphore(%arg15 : memref<!tpu.dma_semaphore, #tpu.memory_space<semaphore_mem>>) src(%dma_wait3A_63 : memref<10000x128xf32, #tpu.memory_space<hbm>>) dst(%arg11 : memref<128x128xf32, #tpu.memory_space<vmem>>)
        %dma_start3A_64 = arith.constant 0 : i32
        %dma_start3A_65 = tpu.memref_slice %arg7[%add3A_60, %dma_start3A_64] : memref<80x128xi32, #tpu.memory_space<vmem>> -> memref<1x128xi32, #tpu.memory_space<vmem>>
        %dma_start3A_66 = tpu.memref_squeeze %dma_start3A_65 : memref<1x128xi32, #tpu.memory_space<vmem>> -> memref<128xi32, #tpu.memory_space<vmem>>
        %dma_start3A_67 = arith.constant 0 : i32
        %dma_start3A_68 = arith.constant 0 : i32
        %dma_start3A_69 = tpu.memref_slice %arg18[%dma_start3A_67, %dma_start3A_68] : memref<10112x128xf32, #tpu.memory_space<vmem_shared>> -> memref<10112x128xf32, #tpu.memory_space<vmem_shared>>
        tpu.enqueue_indirect_dma source(%arg11 : memref<128x128xf32, #tpu.memory_space<vmem>>) target(%dma_start3A_69 : memref<10112x128xf32, #tpu.memory_space<vmem_shared>>) offsets(%dma_start3A_66 : memref<128xi32, #tpu.memory_space<vmem>>) semaphore(%arg17 : memref<!tpu.dma_semaphore, #tpu.memory_space<semaphore_mem>>) {add = true}
        %dma_wait3A_70 = arith.constant 0 : i32
        %dma_wait3A_71 = arith.constant 0 : i32
        %dma_wait3A_72 = tpu.memref_slice %arg7[%dma_wait3A_70, %dma_wait3A_71] : memref<80x128xi32, #tpu.memory_space<vmem>> -> memref<1x128xi32, #tpu.memory_space<vmem>>
        %dma_wait3A_73 = tpu.memref_squeeze %dma_wait3A_72 : memref<1x128xi32, #tpu.memory_space<vmem>> -> memref<128xi32, #tpu.memory_space<vmem>>
        %dma_wait3A_74 = arith.constant 0 : i32
        %dma_wait3A_75 = arith.constant 0 : i32
        %dma_wait3A_76 = tpu.memref_slice %arg18[%dma_wait3A_74, %dma_wait3A_75] : memref<10112x128xf32, #tpu.memory_space<vmem_shared>> -> memref<10112x128xf32, #tpu.memory_space<vmem_shared>>
        tpu.wait_indirect_dma semaphore(%arg16 : memref<!tpu.dma_semaphore, #tpu.memory_space<semaphore_mem>>) src(%arg10 : memref<128x128xf32, #tpu.memory_space<vmem>>) dst(%dma_wait3A_76 : memref<10112x128xf32, #tpu.memory_space<vmem_shared>>)
      } else {
      }
    }
    %scan3A_21 = arith.constant 40 : i32
    %dma_wait3A_22 = arith.constant 0 : i32
    %dma_wait3A_23 = arith.constant 0 : i32
    %dma_wait3A_24 = tpu.memref_slice %arg7[%dma_wait3A_22, %dma_wait3A_23] : memref<80x128xi32, #tpu.memory_space<vmem>> -> memref<1x128xi32, #tpu.memory_space<vmem>>
    %dma_wait3A_25 = tpu.memref_squeeze %dma_wait3A_24 : memref<1x128xi32, #tpu.memory_space<vmem>> -> memref<128xi32, #tpu.memory_space<vmem>>
    %dma_wait3A_26 = arith.constant 0 : i32
    %dma_wait3A_27 = arith.constant 0 : i32
    %dma_wait3A_28 = tpu.memref_slice %arg18[%dma_wait3A_26, %dma_wait3A_27] : memref<10112x128xf32, #tpu.memory_space<vmem_shared>> -> memref<10112x128xf32, #tpu.memory_space<vmem_shared>>
    tpu.wait_indirect_dma semaphore(%arg17 : memref<!tpu.dma_semaphore, #tpu.memory_space<semaphore_mem>>) src(%arg11 : memref<128x128xf32, #tpu.memory_space<vmem>>) dst(%dma_wait3A_28 : memref<10112x128xf32, #tpu.memory_space<vmem_shared>>)
    %barrier3A_29 = arith.constant 0 : index
    tpu.barrier barrier_id(%barrier3A_29)
    %mul3A_30 = arith.constant 632 : i32
    %mul3A_31 = arith.muli %arg1, %mul3A_30 : i32
    %mul3A_32 = arith.constant 632 : i32
    %mul3A_33 = arith.muli %arg1, %mul3A_32 : i32
    "tpu.region"() ({
      %run_scoped3A = tpu.sem_alloc : memref<!tpu.dma_semaphore, #tpu.memory_space<semaphore_mem>>
      %dma_start3A_34 = arith.constant 0 : i32
      %dma_start3A_35 = tpu.memref_slice %arg6[%arg0, %mul3A_33, %dma_start3A_34] : memref<2x10112x128xf32, #tpu.memory_space<hbm>> -> memref<1x632x128xf32, #tpu.memory_space<hbm>>
      %dma_start3A_36 = tpu.memref_squeeze %dma_start3A_35 : memref<1x632x128xf32, #tpu.memory_space<hbm>> -> memref<632x128xf32, #tpu.memory_space<hbm>>
      %dma_start3A_37 = arith.constant 0 : i32
      %dma_start3A_38 = tpu.memref_slice %arg18[%mul3A_31, %dma_start3A_37] : memref<10112x128xf32, #tpu.memory_space<vmem_shared>> -> memref<632x128xf32, #tpu.memory_space<vmem_shared>>
      tpu.enqueue_dma source(%dma_start3A_38 : memref<632x128xf32, #tpu.memory_space<vmem_shared>>) target(%dma_start3A_36 : memref<632x128xf32, #tpu.memory_space<hbm>>) target_semaphore(%run_scoped3A : memref<!tpu.dma_semaphore, #tpu.memory_space<semaphore_mem>>)
      %dma_wait3A_39 = arith.constant 0 : i32
      %dma_wait3A_40 = tpu.memref_slice %arg6[%arg0, %mul3A_33, %dma_wait3A_39] : memref<2x10112x128xf32, #tpu.memory_space<hbm>> -> memref<1x632x128xf32, #tpu.memory_space<hbm>>
      %dma_wait3A_41 = tpu.memref_squeeze %dma_wait3A_40 : memref<1x632x128xf32, #tpu.memory_space<hbm>> -> memref<632x128xf32, #tpu.memory_space<hbm>>
      %dma_wait3A_42 = arith.constant 0 : i32
      %dma_wait3A_43 = tpu.memref_slice %arg18[%mul3A_31, %dma_wait3A_42] : memref<10112x128xf32, #tpu.memory_space<vmem_shared>> -> memref<632x128xf32, #tpu.memory_space<vmem_shared>>
      tpu.wait_dma2 semaphore(%run_scoped3A : memref<!tpu.dma_semaphore, #tpu.memory_space<semaphore_mem>>) src(%dma_wait3A_43 : memref<632x128xf32, #tpu.memory_space<vmem_shared>>) dst(%dma_wait3A_41 : memref<632x128xf32, #tpu.memory_space<hbm>>)
      tpu.yield
    }) : () -> ()
    return
  }
}

module attributes {stable_mosaic.version = 14 : i64} {
  func.func @_x0_body(%arg0: i32, %arg1: memref<1000x1xi32, #tpu.memory_space<vmem>>, %arg2: memref<1000x1xf32, #tpu.memory_space<vmem>>, %arg3: memref<16x128xf32, #tpu.memory_space<vmem>>, %arg4: memref<1x128xf32, #tpu.memory_space<vmem>>, %arg5: memref<1000x128xf32, #tpu.memory_space<vmem>>) attributes {dimension_semantics = [#tpu.dimension_semantics<arbitrary>], iteration_bounds = array<i64: 10>, scalar_prefetch = 0 : i64, scratch_operands = 0 : i64, tpu.core_type = #tpu.core_type<tc>, window_params = [{transform_indices = @transform_0, window_bounds = array<i64: 1000, 1>}, {transform_indices = @transform_1, window_bounds = array<i64: 1000, 1>}, {pipeline_mode = #tpu.pipeline_mode<synchronous>, transform_indices = @transform_2, window_bounds = array<i64: 16, 128>}, {pipeline_mode = #tpu.pipeline_mode<synchronous>, transform_indices = @transform_3, window_bounds = array<i64: 1, 128>}, {transform_indices = @transform_4, window_bounds = array<i64: 1000, 128>}]} {
    %get3A = arith.constant 0 : index
    %get3A_0 = arith.constant 0 : index
    %get3A_1 = vector.load %arg1[%get3A, %get3A_0] : memref<1000x1xi32, #tpu.memory_space<vmem>>, vector<1000x1xi32>
    %get3A_2 = arith.constant 0 : index
    %get3A_3 = arith.constant 0 : index
    %get3A_4 = vector.load %arg2[%get3A_2, %get3A_3] : memref<1000x1xf32, #tpu.memory_space<vmem>>, vector<1000x1xf32>
    %get3A_5 = arith.constant 0 : index
    %get3A_6 = arith.constant 0 : index
    %get3A_7 = vector.load %arg4[%get3A_5, %get3A_6] : memref<1x128xf32, #tpu.memory_space<vmem>>, vector<1x128xf32>
    %mul3A = vector.broadcast %get3A_4 : vector<1000x1xf32> to vector<1000x128xf32>
    %mul3A_8 = vector.broadcast %get3A_7 : vector<1x128xf32> to vector<1000x128xf32>
    %mul3A_9 = arith.mulf %mul3A, %mul3A_8 : vector<1000x128xf32>
    %eq3A = arith.constant 0 : i32
    %eq3A_10 = vector.broadcast %eq3A : i32 to vector<1000x1xi32>
    %eq3A_11 = arith.cmpi eq, %get3A_1, %eq3A_10 : vector<1000x1xi32>
    %convert_element_type3A = arith.extui %eq3A_11 : vector<1000x1xi1> to vector<1000x1xi32>
    %convert_element_type3A_12 = arith.sitofp %convert_element_type3A : vector<1000x1xi32> to vector<1000x1xf32>
    %get3A_13 = arith.constant 0 : index
    %get3A_14 = arith.constant 0 : index
    %get3A_15 = vector.load %arg3[%get3A_13, %get3A_14] : memref<16x128xf32, #tpu.memory_space<vmem>>, vector<1x128xf32>
    %mul3A_16 = vector.broadcast %convert_element_type3A_12 : vector<1000x1xf32> to vector<1000x128xf32>
    %mul3A_17 = vector.broadcast %get3A_15 : vector<1x128xf32> to vector<1000x128xf32>
    %mul3A_18 = arith.mulf %mul3A_16, %mul3A_17 : vector<1000x128xf32>
    %add3A = arith.addf %mul3A_9, %mul3A_18 : vector<1000x128xf32>
    %eq3A_19 = arith.constant 1 : i32
    %eq3A_20 = vector.broadcast %eq3A_19 : i32 to vector<1000x1xi32>
    %eq3A_21 = arith.cmpi eq, %get3A_1, %eq3A_20 : vector<1000x1xi32>
    %convert_element_type3A_22 = arith.extui %eq3A_21 : vector<1000x1xi1> to vector<1000x1xi32>
    %convert_element_type3A_23 = arith.sitofp %convert_element_type3A_22 : vector<1000x1xi32> to vector<1000x1xf32>
    %get3A_24 = arith.constant 1 : index
    %get3A_25 = arith.constant 0 : index
    %get3A_26 = vector.load %arg3[%get3A_24, %get3A_25] : memref<16x128xf32, #tpu.memory_space<vmem>>, vector<1x128xf32>
    %mul3A_27 = vector.broadcast %convert_element_type3A_23 : vector<1000x1xf32> to vector<1000x128xf32>
    %mul3A_28 = vector.broadcast %get3A_26 : vector<1x128xf32> to vector<1000x128xf32>
    %mul3A_29 = arith.mulf %mul3A_27, %mul3A_28 : vector<1000x128xf32>
    %add3A_30 = arith.addf %add3A, %mul3A_29 : vector<1000x128xf32>
    %eq3A_31 = arith.constant 2 : i32
    %eq3A_32 = vector.broadcast %eq3A_31 : i32 to vector<1000x1xi32>
    %eq3A_33 = arith.cmpi eq, %get3A_1, %eq3A_32 : vector<1000x1xi32>
    %convert_element_type3A_34 = arith.extui %eq3A_33 : vector<1000x1xi1> to vector<1000x1xi32>
    %convert_element_type3A_35 = arith.sitofp %convert_element_type3A_34 : vector<1000x1xi32> to vector<1000x1xf32>
    %get3A_36 = arith.constant 2 : index
    %get3A_37 = arith.constant 0 : index
    %get3A_38 = vector.load %arg3[%get3A_36, %get3A_37] : memref<16x128xf32, #tpu.memory_space<vmem>>, vector<1x128xf32>
    %mul3A_39 = vector.broadcast %convert_element_type3A_35 : vector<1000x1xf32> to vector<1000x128xf32>
    %mul3A_40 = vector.broadcast %get3A_38 : vector<1x128xf32> to vector<1000x128xf32>
    %mul3A_41 = arith.mulf %mul3A_39, %mul3A_40 : vector<1000x128xf32>
    %add3A_42 = arith.addf %add3A_30, %mul3A_41 : vector<1000x128xf32>
    %eq3A_43 = arith.constant 3 : i32
    %eq3A_44 = vector.broadcast %eq3A_43 : i32 to vector<1000x1xi32>
    %eq3A_45 = arith.cmpi eq, %get3A_1, %eq3A_44 : vector<1000x1xi32>
    %convert_element_type3A_46 = arith.extui %eq3A_45 : vector<1000x1xi1> to vector<1000x1xi32>
    %convert_element_type3A_47 = arith.sitofp %convert_element_type3A_46 : vector<1000x1xi32> to vector<1000x1xf32>
    %get3A_48 = arith.constant 3 : index
    %get3A_49 = arith.constant 0 : index
    %get3A_50 = vector.load %arg3[%get3A_48, %get3A_49] : memref<16x128xf32, #tpu.memory_space<vmem>>, vector<1x128xf32>
    %mul3A_51 = vector.broadcast %convert_element_type3A_47 : vector<1000x1xf32> to vector<1000x128xf32>
    %mul3A_52 = vector.broadcast %get3A_50 : vector<1x128xf32> to vector<1000x128xf32>
    %mul3A_53 = arith.mulf %mul3A_51, %mul3A_52 : vector<1000x128xf32>
    %add3A_54 = arith.addf %add3A_42, %mul3A_53 : vector<1000x128xf32>
    %eq3A_55 = arith.constant 4 : i32
    %eq3A_56 = vector.broadcast %eq3A_55 : i32 to vector<1000x1xi32>
    %eq3A_57 = arith.cmpi eq, %get3A_1, %eq3A_56 : vector<1000x1xi32>
    %convert_element_type3A_58 = arith.extui %eq3A_57 : vector<1000x1xi1> to vector<1000x1xi32>
    %convert_element_type3A_59 = arith.sitofp %convert_element_type3A_58 : vector<1000x1xi32> to vector<1000x1xf32>
    %get3A_60 = arith.constant 4 : index
    %get3A_61 = arith.constant 0 : index
    %get3A_62 = vector.load %arg3[%get3A_60, %get3A_61] : memref<16x128xf32, #tpu.memory_space<vmem>>, vector<1x128xf32>
    %mul3A_63 = vector.broadcast %convert_element_type3A_59 : vector<1000x1xf32> to vector<1000x128xf32>
    %mul3A_64 = vector.broadcast %get3A_62 : vector<1x128xf32> to vector<1000x128xf32>
    %mul3A_65 = arith.mulf %mul3A_63, %mul3A_64 : vector<1000x128xf32>
    %add3A_66 = arith.addf %add3A_54, %mul3A_65 : vector<1000x128xf32>
    %eq3A_67 = arith.constant 5 : i32
    %eq3A_68 = vector.broadcast %eq3A_67 : i32 to vector<1000x1xi32>
    %eq3A_69 = arith.cmpi eq, %get3A_1, %eq3A_68 : vector<1000x1xi32>
    %convert_element_type3A_70 = arith.extui %eq3A_69 : vector<1000x1xi1> to vector<1000x1xi32>
    %convert_element_type3A_71 = arith.sitofp %convert_element_type3A_70 : vector<1000x1xi32> to vector<1000x1xf32>
    %get3A_72 = arith.constant 5 : index
    %get3A_73 = arith.constant 0 : index
    %get3A_74 = vector.load %arg3[%get3A_72, %get3A_73] : memref<16x128xf32, #tpu.memory_space<vmem>>, vector<1x128xf32>
    %mul3A_75 = vector.broadcast %convert_element_type3A_71 : vector<1000x1xf32> to vector<1000x128xf32>
    %mul3A_76 = vector.broadcast %get3A_74 : vector<1x128xf32> to vector<1000x128xf32>
    %mul3A_77 = arith.mulf %mul3A_75, %mul3A_76 : vector<1000x128xf32>
    %add3A_78 = arith.addf %add3A_66, %mul3A_77 : vector<1000x128xf32>
    %eq3A_79 = arith.constant 6 : i32
    %eq3A_80 = vector.broadcast %eq3A_79 : i32 to vector<1000x1xi32>
    %eq3A_81 = arith.cmpi eq, %get3A_1, %eq3A_80 : vector<1000x1xi32>
    %convert_element_type3A_82 = arith.extui %eq3A_81 : vector<1000x1xi1> to vector<1000x1xi32>
    %convert_element_type3A_83 = arith.sitofp %convert_element_type3A_82 : vector<1000x1xi32> to vector<1000x1xf32>
    %get3A_84 = arith.constant 6 : index
    %get3A_85 = arith.constant 0 : index
    %get3A_86 = vector.load %arg3[%get3A_84, %get3A_85] : memref<16x128xf32, #tpu.memory_space<vmem>>, vector<1x128xf32>
    %mul3A_87 = vector.broadcast %convert_element_type3A_83 : vector<1000x1xf32> to vector<1000x128xf32>
    %mul3A_88 = vector.broadcast %get3A_86 : vector<1x128xf32> to vector<1000x128xf32>
    %mul3A_89 = arith.mulf %mul3A_87, %mul3A_88 : vector<1000x128xf32>
    %add3A_90 = arith.addf %add3A_78, %mul3A_89 : vector<1000x128xf32>
    %eq3A_91 = arith.constant 7 : i32
    %eq3A_92 = vector.broadcast %eq3A_91 : i32 to vector<1000x1xi32>
    %eq3A_93 = arith.cmpi eq, %get3A_1, %eq3A_92 : vector<1000x1xi32>
    %convert_element_type3A_94 = arith.extui %eq3A_93 : vector<1000x1xi1> to vector<1000x1xi32>
    %convert_element_type3A_95 = arith.sitofp %convert_element_type3A_94 : vector<1000x1xi32> to vector<1000x1xf32>
    %get3A_96 = arith.constant 7 : index
    %get3A_97 = arith.constant 0 : index
    %get3A_98 = vector.load %arg3[%get3A_96, %get3A_97] : memref<16x128xf32, #tpu.memory_space<vmem>>, vector<1x128xf32>
    %mul3A_99 = vector.broadcast %convert_element_type3A_95 : vector<1000x1xf32> to vector<1000x128xf32>
    %mul3A_100 = vector.broadcast %get3A_98 : vector<1x128xf32> to vector<1000x128xf32>
    %mul3A_101 = arith.mulf %mul3A_99, %mul3A_100 : vector<1000x128xf32>
    %add3A_102 = arith.addf %add3A_90, %mul3A_101 : vector<1000x128xf32>
    %eq3A_103 = arith.constant 8 : i32
    %eq3A_104 = vector.broadcast %eq3A_103 : i32 to vector<1000x1xi32>
    %eq3A_105 = arith.cmpi eq, %get3A_1, %eq3A_104 : vector<1000x1xi32>
    %convert_element_type3A_106 = arith.extui %eq3A_105 : vector<1000x1xi1> to vector<1000x1xi32>
    %convert_element_type3A_107 = arith.sitofp %convert_element_type3A_106 : vector<1000x1xi32> to vector<1000x1xf32>
    %get3A_108 = arith.constant 8 : index
    %get3A_109 = arith.constant 0 : index
    %get3A_110 = vector.load %arg3[%get3A_108, %get3A_109] : memref<16x128xf32, #tpu.memory_space<vmem>>, vector<1x128xf32>
    %mul3A_111 = vector.broadcast %convert_element_type3A_107 : vector<1000x1xf32> to vector<1000x128xf32>
    %mul3A_112 = vector.broadcast %get3A_110 : vector<1x128xf32> to vector<1000x128xf32>
    %mul3A_113 = arith.mulf %mul3A_111, %mul3A_112 : vector<1000x128xf32>
    %add3A_114 = arith.addf %add3A_102, %mul3A_113 : vector<1000x128xf32>
    %eq3A_115 = arith.constant 9 : i32
    %eq3A_116 = vector.broadcast %eq3A_115 : i32 to vector<1000x1xi32>
    %eq3A_117 = arith.cmpi eq, %get3A_1, %eq3A_116 : vector<1000x1xi32>
    %convert_element_type3A_118 = arith.extui %eq3A_117 : vector<1000x1xi1> to vector<1000x1xi32>
    %convert_element_type3A_119 = arith.sitofp %convert_element_type3A_118 : vector<1000x1xi32> to vector<1000x1xf32>
    %get3A_120 = arith.constant 9 : index
    %get3A_121 = arith.constant 0 : index
    %get3A_122 = vector.load %arg3[%get3A_120, %get3A_121] : memref<16x128xf32, #tpu.memory_space<vmem>>, vector<1x128xf32>
    %mul3A_123 = vector.broadcast %convert_element_type3A_119 : vector<1000x1xf32> to vector<1000x128xf32>
    %mul3A_124 = vector.broadcast %get3A_122 : vector<1x128xf32> to vector<1000x128xf32>
    %mul3A_125 = arith.mulf %mul3A_123, %mul3A_124 : vector<1000x128xf32>
    %add3A_126 = arith.addf %add3A_114, %mul3A_125 : vector<1000x128xf32>
    %eq3A_127 = arith.constant 10 : i32
    %eq3A_128 = vector.broadcast %eq3A_127 : i32 to vector<1000x1xi32>
    %eq3A_129 = arith.cmpi eq, %get3A_1, %eq3A_128 : vector<1000x1xi32>
    %convert_element_type3A_130 = arith.extui %eq3A_129 : vector<1000x1xi1> to vector<1000x1xi32>
    %convert_element_type3A_131 = arith.sitofp %convert_element_type3A_130 : vector<1000x1xi32> to vector<1000x1xf32>
    %get3A_132 = arith.constant 10 : index
    %get3A_133 = arith.constant 0 : index
    %get3A_134 = vector.load %arg3[%get3A_132, %get3A_133] : memref<16x128xf32, #tpu.memory_space<vmem>>, vector<1x128xf32>
    %mul3A_135 = vector.broadcast %convert_element_type3A_131 : vector<1000x1xf32> to vector<1000x128xf32>
    %mul3A_136 = vector.broadcast %get3A_134 : vector<1x128xf32> to vector<1000x128xf32>
    %mul3A_137 = arith.mulf %mul3A_135, %mul3A_136 : vector<1000x128xf32>
    %add3A_138 = arith.addf %add3A_126, %mul3A_137 : vector<1000x128xf32>
    %eq3A_139 = arith.constant 11 : i32
    %eq3A_140 = vector.broadcast %eq3A_139 : i32 to vector<1000x1xi32>
    %eq3A_141 = arith.cmpi eq, %get3A_1, %eq3A_140 : vector<1000x1xi32>
    %convert_element_type3A_142 = arith.extui %eq3A_141 : vector<1000x1xi1> to vector<1000x1xi32>
    %convert_element_type3A_143 = arith.sitofp %convert_element_type3A_142 : vector<1000x1xi32> to vector<1000x1xf32>
    %get3A_144 = arith.constant 11 : index
    %get3A_145 = arith.constant 0 : index
    %get3A_146 = vector.load %arg3[%get3A_144, %get3A_145] : memref<16x128xf32, #tpu.memory_space<vmem>>, vector<1x128xf32>
    %mul3A_147 = vector.broadcast %convert_element_type3A_143 : vector<1000x1xf32> to vector<1000x128xf32>
    %mul3A_148 = vector.broadcast %get3A_146 : vector<1x128xf32> to vector<1000x128xf32>
    %mul3A_149 = arith.mulf %mul3A_147, %mul3A_148 : vector<1000x128xf32>
    %add3A_150 = arith.addf %add3A_138, %mul3A_149 : vector<1000x128xf32>
    %eq3A_151 = arith.constant 12 : i32
    %eq3A_152 = vector.broadcast %eq3A_151 : i32 to vector<1000x1xi32>
    %eq3A_153 = arith.cmpi eq, %get3A_1, %eq3A_152 : vector<1000x1xi32>
    %convert_element_type3A_154 = arith.extui %eq3A_153 : vector<1000x1xi1> to vector<1000x1xi32>
    %convert_element_type3A_155 = arith.sitofp %convert_element_type3A_154 : vector<1000x1xi32> to vector<1000x1xf32>
    %get3A_156 = arith.constant 12 : index
    %get3A_157 = arith.constant 0 : index
    %get3A_158 = vector.load %arg3[%get3A_156, %get3A_157] : memref<16x128xf32, #tpu.memory_space<vmem>>, vector<1x128xf32>
    %mul3A_159 = vector.broadcast %convert_element_type3A_155 : vector<1000x1xf32> to vector<1000x128xf32>
    %mul3A_160 = vector.broadcast %get3A_158 : vector<1x128xf32> to vector<1000x128xf32>
    %mul3A_161 = arith.mulf %mul3A_159, %mul3A_160 : vector<1000x128xf32>
    %add3A_162 = arith.addf %add3A_150, %mul3A_161 : vector<1000x128xf32>
    %eq3A_163 = arith.constant 13 : i32
    %eq3A_164 = vector.broadcast %eq3A_163 : i32 to vector<1000x1xi32>
    %eq3A_165 = arith.cmpi eq, %get3A_1, %eq3A_164 : vector<1000x1xi32>
    %convert_element_type3A_166 = arith.extui %eq3A_165 : vector<1000x1xi1> to vector<1000x1xi32>
    %convert_element_type3A_167 = arith.sitofp %convert_element_type3A_166 : vector<1000x1xi32> to vector<1000x1xf32>
    %get3A_168 = arith.constant 13 : index
    %get3A_169 = arith.constant 0 : index
    %get3A_170 = vector.load %arg3[%get3A_168, %get3A_169] : memref<16x128xf32, #tpu.memory_space<vmem>>, vector<1x128xf32>
    %mul3A_171 = vector.broadcast %convert_element_type3A_167 : vector<1000x1xf32> to vector<1000x128xf32>
    %mul3A_172 = vector.broadcast %get3A_170 : vector<1x128xf32> to vector<1000x128xf32>
    %mul3A_173 = arith.mulf %mul3A_171, %mul3A_172 : vector<1000x128xf32>
    %add3A_174 = arith.addf %add3A_162, %mul3A_173 : vector<1000x128xf32>
    %eq3A_175 = arith.constant 14 : i32
    %eq3A_176 = vector.broadcast %eq3A_175 : i32 to vector<1000x1xi32>
    %eq3A_177 = arith.cmpi eq, %get3A_1, %eq3A_176 : vector<1000x1xi32>
    %convert_element_type3A_178 = arith.extui %eq3A_177 : vector<1000x1xi1> to vector<1000x1xi32>
    %convert_element_type3A_179 = arith.sitofp %convert_element_type3A_178 : vector<1000x1xi32> to vector<1000x1xf32>
    %get3A_180 = arith.constant 14 : index
    %get3A_181 = arith.constant 0 : index
    %get3A_182 = vector.load %arg3[%get3A_180, %get3A_181] : memref<16x128xf32, #tpu.memory_space<vmem>>, vector<1x128xf32>
    %mul3A_183 = vector.broadcast %convert_element_type3A_179 : vector<1000x1xf32> to vector<1000x128xf32>
    %mul3A_184 = vector.broadcast %get3A_182 : vector<1x128xf32> to vector<1000x128xf32>
    %mul3A_185 = arith.mulf %mul3A_183, %mul3A_184 : vector<1000x128xf32>
    %add3A_186 = arith.addf %add3A_174, %mul3A_185 : vector<1000x128xf32>
    %eq3A_187 = arith.constant 15 : i32
    %eq3A_188 = vector.broadcast %eq3A_187 : i32 to vector<1000x1xi32>
    %eq3A_189 = arith.cmpi eq, %get3A_1, %eq3A_188 : vector<1000x1xi32>
    %convert_element_type3A_190 = arith.extui %eq3A_189 : vector<1000x1xi1> to vector<1000x1xi32>
    %convert_element_type3A_191 = arith.sitofp %convert_element_type3A_190 : vector<1000x1xi32> to vector<1000x1xf32>
    %get3A_192 = arith.constant 15 : index
    %get3A_193 = arith.constant 0 : index
    %get3A_194 = vector.load %arg3[%get3A_192, %get3A_193] : memref<16x128xf32, #tpu.memory_space<vmem>>, vector<1x128xf32>
    %mul3A_195 = vector.broadcast %convert_element_type3A_191 : vector<1000x1xf32> to vector<1000x128xf32>
    %mul3A_196 = vector.broadcast %get3A_194 : vector<1x128xf32> to vector<1000x128xf32>
    %mul3A_197 = arith.mulf %mul3A_195, %mul3A_196 : vector<1000x128xf32>
    %add3A_198 = arith.addf %add3A_186, %mul3A_197 : vector<1000x128xf32>
    %swap3A = arith.constant 0 : index
    %swap3A_199 = arith.constant 0 : index
    %swap3A_200 = vector.load %arg5[%swap3A, %swap3A_199] : memref<1000x128xf32, #tpu.memory_space<vmem>>, vector<1000x128xf32>
    tpu.vector_store %arg5[%swap3A, %swap3A_199], %add3A_198 {strides = array<i32>} : memref<1000x128xf32, #tpu.memory_space<vmem>>, vector<1000x128xf32>,
    return
  }
  func.func @transform_0(%arg0: i32) -> (i32, i32) {
    %c0_i32 = arith.constant 0 : i32
    %c0_i32_0 = arith.constant 0 : i32
    return %arg0, %c0_i32 : i32, i32
  }
  func.func @transform_1(%arg0: i32) -> (i32, i32) {
    %c0_i32 = arith.constant 0 : i32
    %c0_i32_0 = arith.constant 0 : i32
    return %arg0, %c0_i32 : i32, i32
  }
  func.func @transform_2(%arg0: i32) -> (i32, i32) {
    %c0_i32 = arith.constant 0 : i32
    %c0_i32_0 = arith.constant 0 : i32
    %c0_i32_1 = arith.constant 0 : i32
    return %c0_i32, %c0_i32_0 : i32, i32
  }
  func.func @transform_3(%arg0: i32) -> (i32, i32) {
    %c0_i32 = arith.constant 0 : i32
    %c0_i32_0 = arith.constant 0 : i32
    %c0_i32_1 = arith.constant 0 : i32
    return %c0_i32, %c0_i32_0 : i32, i32
  }
  func.func @transform_4(%arg0: i32) -> (i32, i32) {
    %c0_i32 = arith.constant 0 : i32
    %c0_i32_0 = arith.constant 0 : i32
    return %arg0, %c0_i32 : i32, i32
  }
}

module attributes {stable_mosaic.version = 14 : i64} {
  func.func @_xw_body(%arg0: i32, %arg1: memref<1000x128xf32, #tpu.memory_space<vmem>>, %arg2: memref<128x128xf32, #tpu.memory_space<vmem>>, %arg3: memref<1000x128xf32, #tpu.memory_space<vmem>>) attributes {dimension_semantics = [#tpu.dimension_semantics<arbitrary>], iteration_bounds = array<i64: 10>, scalar_prefetch = 0 : i64, scratch_operands = 0 : i64, tpu.core_type = #tpu.core_type<tc>, window_params = [{transform_indices = @transform_0, window_bounds = array<i64: 1000, 128>}, {pipeline_mode = #tpu.pipeline_mode<synchronous>, transform_indices = @transform_1, window_bounds = array<i64: 128, 128>}, {transform_indices = @transform_2, window_bounds = array<i64: 1000, 128>}]} {
    %get3A = arith.constant 0 : index
    %get3A_0 = arith.constant 0 : index
    %get3A_1 = vector.load %arg1[%get3A, %get3A_0] : memref<1000x128xf32, #tpu.memory_space<vmem>>, vector<1000x128xf32>
    %get3A_2 = arith.constant 0 : index
    %get3A_3 = arith.constant 0 : index
    %get3A_4 = vector.load %arg2[%get3A_2, %get3A_3] : memref<128x128xf32, #tpu.memory_space<vmem>>, vector<128x128xf32>
    %dot_general3A = arith.constant dense<0.000000e+00> : vector<1000x128xf32>
    %dot_general3A_5 = tpu.matmul %get3A_1, %get3A_4, %dot_general3A {dimension_numbers = #tpu.dot_dimension_numbers<[1], [0], [0], [1], [0, 0, 1, 1], [], []>, transpose_lhs_hint = false} : vector<1000x128xf32>, vector<128x128xf32>, vector<1000x128xf32> -> vector<1000x128xf32>
    %swap3A = arith.constant 0 : index
    %swap3A_6 = arith.constant 0 : index
    %swap3A_7 = vector.load %arg3[%swap3A, %swap3A_6] : memref<1000x128xf32, #tpu.memory_space<vmem>>, vector<1000x128xf32>
    tpu.vector_store %arg3[%swap3A, %swap3A_6], %dot_general3A_5 {strides = array<i32>} : memref<1000x128xf32, #tpu.memory_space<vmem>>, vector<1000x128xf32>,
    return
  }
  func.func @transform_0(%arg0: i32) -> (i32, i32) {
    %c0_i32 = arith.constant 0 : i32
    %c0_i32_0 = arith.constant 0 : i32
    return %arg0, %c0_i32 : i32, i32
  }
  func.func @transform_1(%arg0: i32) -> (i32, i32) {
    %c0_i32 = arith.constant 0 : i32
    %c0_i32_0 = arith.constant 0 : i32
    %c0_i32_1 = arith.constant 0 : i32
    return %c0_i32, %c0_i32_0 : i32, i32
  }
  func.func @transform_2(%arg0: i32) -> (i32, i32) {
    %c0_i32 = arith.constant 0 : i32
    %c0_i32_0 = arith.constant 0 : i32
    return %arg0, %c0_i32 : i32, i32
  }
}

module attributes {stable_mosaic.version = 14 : i64} {
  func.func @_layer_body(%arg0: i32, %arg1: memref<1000x128xf32, #tpu.memory_space<vmem>>, %arg2: memref<2x1000x128xf32, #tpu.memory_space<vmem>>, %arg3: memref<2x1000x128xf32, #tpu.memory_space<vmem>>, %arg4: memref<128x128xf32, #tpu.memory_space<vmem>>, %arg5: memref<1x128xf32, #tpu.memory_space<vmem>>, %arg6: memref<128x128xf32, #tpu.memory_space<vmem>>, %arg7: memref<128x128xf32, #tpu.memory_space<vmem>>, %arg8: memref<1000x128xf32, #tpu.memory_space<vmem>>) attributes {dimension_semantics = [#tpu.dimension_semantics<arbitrary>], iteration_bounds = array<i64: 10>, scalar_prefetch = 0 : i64, scratch_operands = 0 : i64, tpu.core_type = #tpu.core_type<tc>, window_params = [{transform_indices = @transform_0, window_bounds = array<i64: 1000, 128>}, {transform_indices = @transform_1, window_bounds = array<i64: 2, 1000, 128>}, {transform_indices = @transform_2, window_bounds = array<i64: 2, 1000, 128>}, {pipeline_mode = #tpu.pipeline_mode<synchronous>, transform_indices = @transform_3, window_bounds = array<i64: 128, 128>}, {pipeline_mode = #tpu.pipeline_mode<synchronous>, transform_indices = @transform_4, window_bounds = array<i64: 1, 128>}, {pipeline_mode = #tpu.pipeline_mode<synchronous>, transform_indices = @transform_5, window_bounds = array<i64: 128, 128>}, {pipeline_mode = #tpu.pipeline_mode<synchronous>, transform_indices = @transform_6, window_bounds = array<i64: 128, 128>}, {transform_indices = @transform_7, window_bounds = array<i64: 1000, 128>}]} {
    %get3A = arith.constant 0 : index
    %get3A_0 = arith.constant 0 : index
    %get3A_1 = arith.constant 0 : index
    %get3A_2 = vector.load %arg3[%get3A, %get3A_0, %get3A_1] : memref<2x1000x128xf32, #tpu.memory_space<vmem>>, vector<1x1000x128xf32>
    %get3A_3 = vector.shape_cast %get3A_2 : vector<1x1000x128xf32> to vector<1000x128xf32>
    %get3A_4 = arith.constant 1 : index
    %get3A_5 = arith.constant 0 : index
    %get3A_6 = arith.constant 0 : index
    %get3A_7 = vector.load %arg3[%get3A_4, %get3A_5, %get3A_6] : memref<2x1000x128xf32, #tpu.memory_space<vmem>>, vector<1x1000x128xf32>
    %get3A_8 = vector.shape_cast %get3A_7 : vector<1x1000x128xf32> to vector<1000x128xf32>
    %add3A = arith.addf %get3A_3, %get3A_8 : vector<1000x128xf32>
    %reduce_sum3A = arith.constant dense<0.000000e+00> : vector<1000xf32>
    %reduce_sum3A_9 = vector.multi_reduction <add>, %add3A, %reduce_sum3A [1] : vector<1000x128xf32> to vector<1000xf32>
    %broadcast_in_dim3A = vector.shape_cast %reduce_sum3A_9 : vector<1000xf32> to vector<1000x1xf32>
    %max3A = arith.constant 1.000000e+00 : f32
    %max3A_10 = vector.broadcast %max3A : f32 to vector<1000x1xf32>
    %max3A_11 = arith.maximumf %broadcast_in_dim3A, %max3A_10 : vector<1000x1xf32>
    %get3A_12 = arith.constant 0 : index
    %get3A_13 = arith.constant 0 : index
    %get3A_14 = arith.constant 0 : index
    %get3A_15 = vector.load %arg2[%get3A_12, %get3A_13, %get3A_14] : memref<2x1000x128xf32, #tpu.memory_space<vmem>>, vector<1x1000x128xf32>
    %get3A_16 = vector.shape_cast %get3A_15 : vector<1x1000x128xf32> to vector<1000x128xf32>
    %get3A_17 = arith.constant 1 : index
    %get3A_18 = arith.constant 0 : index
    %get3A_19 = arith.constant 0 : index
    %get3A_20 = vector.load %arg2[%get3A_17, %get3A_18, %get3A_19] : memref<2x1000x128xf32, #tpu.memory_space<vmem>>, vector<1x1000x128xf32>
    %get3A_21 = vector.shape_cast %get3A_20 : vector<1x1000x128xf32> to vector<1000x128xf32>
    %add3A_22 = arith.addf %get3A_16, %get3A_21 : vector<1000x128xf32>
    %get3A_23 = arith.constant 0 : index
    %get3A_24 = arith.constant 0 : index
    %get3A_25 = vector.load %arg6[%get3A_23, %get3A_24] : memref<128x128xf32, #tpu.memory_space<vmem>>, vector<128x128xf32>
    %get3A_26 = arith.constant 0 : index
    %get3A_27 = arith.constant 0 : index
    %get3A_28 = vector.load %arg7[%get3A_26, %get3A_27] : memref<128x128xf32, #tpu.memory_space<vmem>>, vector<128x128xf32>
    %dot_general3A = arith.constant dense<0.000000e+00> : vector<128x128xf32>
    %dot_general3A_29 = tpu.matmul %get3A_25, %get3A_28, %dot_general3A {dimension_numbers = #tpu.dot_dimension_numbers<[1], [0], [0], [1], [0, 0, 1, 1], [], []>, transpose_lhs_hint = false} : vector<128x128xf32>, vector<128x128xf32>, vector<128x128xf32> -> vector<128x128xf32>
    %slice3A = vector.extract_strided_slice %add3A {offsets = [0, 0], sizes = [1000, 1], strides = [1, 1]} : vector<1000x128xf32> to vector<1000x1xf32>
    %slice3A_30 = vector.extract_strided_slice %dot_general3A_29 {offsets = [0, 0], sizes = [1, 128], strides = [1, 1]} : vector<128x128xf32> to vector<1x128xf32>
    %mul3A = vector.broadcast %slice3A : vector<1000x1xf32> to vector<1000x128xf32>
    %mul3A_31 = vector.broadcast %slice3A_30 : vector<1x128xf32> to vector<1000x128xf32>
    %mul3A_32 = arith.mulf %mul3A, %mul3A_31 : vector<1000x128xf32>
    %slice3A_33 = vector.extract_strided_slice %add3A {offsets = [0, 1], sizes = [1000, 1], strides = [1, 1]} : vector<1000x128xf32> to vector<1000x1xf32>
    %slice3A_34 = vector.extract_strided_slice %dot_general3A_29 {offsets = [1, 0], sizes = [1, 128], strides = [1, 1]} : vector<128x128xf32> to vector<1x128xf32>
    %mul3A_35 = vector.broadcast %slice3A_33 : vector<1000x1xf32> to vector<1000x128xf32>
    %mul3A_36 = vector.broadcast %slice3A_34 : vector<1x128xf32> to vector<1000x128xf32>
    %mul3A_37 = arith.mulf %mul3A_35, %mul3A_36 : vector<1000x128xf32>
    %add3A_38 = arith.addf %mul3A_32, %mul3A_37 : vector<1000x128xf32>
    %slice3A_39 = vector.extract_strided_slice %add3A {offsets = [0, 2], sizes = [1000, 1], strides = [1, 1]} : vector<1000x128xf32> to vector<1000x1xf32>
    %slice3A_40 = vector.extract_strided_slice %dot_general3A_29 {offsets = [2, 0], sizes = [1, 128], strides = [1, 1]} : vector<128x128xf32> to vector<1x128xf32>
    %mul3A_41 = vector.broadcast %slice3A_39 : vector<1000x1xf32> to vector<1000x128xf32>
    %mul3A_42 = vector.broadcast %slice3A_40 : vector<1x128xf32> to vector<1000x128xf32>
    %mul3A_43 = arith.mulf %mul3A_41, %mul3A_42 : vector<1000x128xf32>
    %add3A_44 = arith.addf %add3A_38, %mul3A_43 : vector<1000x128xf32>
    %slice3A_45 = vector.extract_strided_slice %add3A {offsets = [0, 3], sizes = [1000, 1], strides = [1, 1]} : vector<1000x128xf32> to vector<1000x1xf32>
    %slice3A_46 = vector.extract_strided_slice %dot_general3A_29 {offsets = [3, 0], sizes = [1, 128], strides = [1, 1]} : vector<128x128xf32> to vector<1x128xf32>
    %mul3A_47 = vector.broadcast %slice3A_45 : vector<1000x1xf32> to vector<1000x128xf32>
    %mul3A_48 = vector.broadcast %slice3A_46 : vector<1x128xf32> to vector<1000x128xf32>
    %mul3A_49 = arith.mulf %mul3A_47, %mul3A_48 : vector<1000x128xf32>
    %add3A_50 = arith.addf %add3A_44, %mul3A_49 : vector<1000x128xf32>
    %slice3A_51 = vector.extract_strided_slice %add3A {offsets = [0, 4], sizes = [1000, 1], strides = [1, 1]} : vector<1000x128xf32> to vector<1000x1xf32>
    %slice3A_52 = vector.extract_strided_slice %dot_general3A_29 {offsets = [4, 0], sizes = [1, 128], strides = [1, 1]} : vector<128x128xf32> to vector<1x128xf32>
    %mul3A_53 = vector.broadcast %slice3A_51 : vector<1000x1xf32> to vector<1000x128xf32>
    %mul3A_54 = vector.broadcast %slice3A_52 : vector<1x128xf32> to vector<1000x128xf32>
    %mul3A_55 = arith.mulf %mul3A_53, %mul3A_54 : vector<1000x128xf32>
    %add3A_56 = arith.addf %add3A_50, %mul3A_55 : vector<1000x128xf32>
    %slice3A_57 = vector.extract_strided_slice %add3A {offsets = [0, 5], sizes = [1000, 1], strides = [1, 1]} : vector<1000x128xf32> to vector<1000x1xf32>
    %slice3A_58 = vector.extract_strided_slice %dot_general3A_29 {offsets = [5, 0], sizes = [1, 128], strides = [1, 1]} : vector<128x128xf32> to vector<1x128xf32>
    %mul3A_59 = vector.broadcast %slice3A_57 : vector<1000x1xf32> to vector<1000x128xf32>
    %mul3A_60 = vector.broadcast %slice3A_58 : vector<1x128xf32> to vector<1000x128xf32>
    %mul3A_61 = arith.mulf %mul3A_59, %mul3A_60 : vector<1000x128xf32>
    %add3A_62 = arith.addf %add3A_56, %mul3A_61 : vector<1000x128xf32>
    %slice3A_63 = vector.extract_strided_slice %add3A {offsets = [0, 6], sizes = [1000, 1], strides = [1, 1]} : vector<1000x128xf32> to vector<1000x1xf32>
    %slice3A_64 = vector.extract_strided_slice %dot_general3A_29 {offsets = [6, 0], sizes = [1, 128], strides = [1, 1]} : vector<128x128xf32> to vector<1x128xf32>
    %mul3A_65 = vector.broadcast %slice3A_63 : vector<1000x1xf32> to vector<1000x128xf32>
    %mul3A_66 = vector.broadcast %slice3A_64 : vector<1x128xf32> to vector<1000x128xf32>
    %mul3A_67 = arith.mulf %mul3A_65, %mul3A_66 : vector<1000x128xf32>
    %add3A_68 = arith.addf %add3A_62, %mul3A_67 : vector<1000x128xf32>
    %slice3A_69 = vector.extract_strided_slice %add3A {offsets = [0, 7], sizes = [1000, 1], strides = [1, 1]} : vector<1000x128xf32> to vector<1000x1xf32>
    %slice3A_70 = vector.extract_strided_slice %dot_general3A_29 {offsets = [7, 0], sizes = [1, 128], strides = [1, 1]} : vector<128x128xf32> to vector<1x128xf32>
    %mul3A_71 = vector.broadcast %slice3A_69 : vector<1000x1xf32> to vector<1000x128xf32>
    %mul3A_72 = vector.broadcast %slice3A_70 : vector<1x128xf32> to vector<1000x128xf32>
    %mul3A_73 = arith.mulf %mul3A_71, %mul3A_72 : vector<1000x128xf32>
    %add3A_74 = arith.addf %add3A_68, %mul3A_73 : vector<1000x128xf32>
    %add3A_75 = arith.addf %add3A_22, %add3A_74 : vector<1000x128xf32>
    %div3A = vector.broadcast %max3A_11 : vector<1000x1xf32> to vector<1000x128xf32>
    %div3A_76 = arith.divf %add3A_75, %div3A : vector<1000x128xf32>
    %get3A_77 = arith.constant 0 : index
    %get3A_78 = arith.constant 0 : index
    %get3A_79 = vector.load %arg1[%get3A_77, %get3A_78] : memref<1000x128xf32, #tpu.memory_space<vmem>>, vector<1000x128xf32>
    %get3A_80 = arith.constant 0 : index
    %get3A_81 = arith.constant 0 : index
    %get3A_82 = vector.load %arg4[%get3A_80, %get3A_81] : memref<128x128xf32, #tpu.memory_space<vmem>>, vector<128x128xf32>
    %dot_general3A_83 = arith.constant dense<0.000000e+00> : vector<1000x128xf32>
    %dot_general3A_84 = tpu.matmul %get3A_79, %get3A_82, %dot_general3A_83 {dimension_numbers = #tpu.dot_dimension_numbers<[1], [0], [0], [1], [0, 0, 1, 1], [], []>, transpose_lhs_hint = false} : vector<1000x128xf32>, vector<128x128xf32>, vector<1000x128xf32> -> vector<1000x128xf32>
    %get3A_85 = arith.constant 0 : index
    %get3A_86 = arith.constant 0 : index
    %get3A_87 = vector.load %arg5[%get3A_85, %get3A_86] : memref<1x128xf32, #tpu.memory_space<vmem>>, vector<1x128xf32>
    %add3A_88 = vector.broadcast %get3A_87 : vector<1x128xf32> to vector<1000x128xf32>
    %add3A_89 = arith.addf %dot_general3A_84, %add3A_88 : vector<1000x128xf32>
    %add3A_90 = arith.addf %add3A_89, %div3A_76 : vector<1000x128xf32>
    %max3A_91 = arith.constant 0.000000e+00 : f32
    %max3A_92 = vector.broadcast %max3A_91 : f32 to vector<1000x128xf32>
    %max3A_93 = arith.maximumf %add3A_90, %max3A_92 : vector<1000x128xf32>
    %swap3A = arith.constant 0 : index
    %swap3A_94 = arith.constant 0 : index
    %swap3A_95 = vector.load %arg8[%swap3A, %swap3A_94] : memref<1000x128xf32, #tpu.memory_space<vmem>>, vector<1000x128xf32>
    tpu.vector_store %arg8[%swap3A, %swap3A_94], %max3A_93 {strides = array<i32>} : memref<1000x128xf32, #tpu.memory_space<vmem>>, vector<1000x128xf32>,
    return
  }
  func.func @transform_0(%arg0: i32) -> (i32, i32) {
    %c0_i32 = arith.constant 0 : i32
    %c0_i32_0 = arith.constant 0 : i32
    return %arg0, %c0_i32 : i32, i32
  }
  func.func @transform_1(%arg0: i32) -> (i32, i32, i32) {
    %c0_i32 = arith.constant 0 : i32
    %c0_i32_0 = arith.constant 0 : i32
    %c0_i32_1 = arith.constant 0 : i32
    return %c0_i32, %arg0, %c0_i32_0 : i32, i32, i32
  }
  func.func @transform_2(%arg0: i32) -> (i32, i32, i32) {
    %c0_i32 = arith.constant 0 : i32
    %c0_i32_0 = arith.constant 0 : i32
    %c0_i32_1 = arith.constant 0 : i32
    return %c0_i32, %arg0, %c0_i32_0 : i32, i32, i32
  }
  func.func @transform_3(%arg0: i32) -> (i32, i32) {
    %c0_i32 = arith.constant 0 : i32
    %c0_i32_0 = arith.constant 0 : i32
    %c0_i32_1 = arith.constant 0 : i32
    return %c0_i32, %c0_i32_0 : i32, i32
  }
  func.func @transform_4(%arg0: i32) -> (i32, i32) {
    %c0_i32 = arith.constant 0 : i32
    %c0_i32_0 = arith.constant 0 : i32
    %c0_i32_1 = arith.constant 0 : i32
    return %c0_i32, %c0_i32_0 : i32, i32
  }
  func.func @transform_5(%arg0: i32) -> (i32, i32) {
    %c0_i32 = arith.constant 0 : i32
    %c0_i32_0 = arith.constant 0 : i32
    %c0_i32_1 = arith.constant 0 : i32
    return %c0_i32, %c0_i32_0 : i32, i32
  }
  func.func @transform_6(%arg0: i32) -> (i32, i32) {
    %c0_i32 = arith.constant 0 : i32
    %c0_i32_0 = arith.constant 0 : i32
    %c0_i32_1 = arith.constant 0 : i32
    return %c0_i32, %c0_i32_0 : i32, i32
  }
  func.func @transform_7(%arg0: i32) -> (i32, i32) {
    %c0_i32 = arith.constant 0 : i32
    %c0_i32_0 = arith.constant 0 : i32
    return %arg0, %c0_i32 : i32, i32
  }
}

module attributes {stable_mosaic.version = 14 : i64} {
  func.func @_head_body(%arg0: i32, %arg1: memref<1000x128xf32, #tpu.memory_space<vmem>>, %arg2: memref<128x128xf32, #tpu.memory_space<vmem>>, %arg3: memref<1x128xf32, #tpu.memory_space<vmem>>, %arg4: memref<128x1xf32, #tpu.memory_space<vmem>>, %arg5: memref<1x1xf32, #tpu.memory_space<vmem>>, %arg6: memref<1000x1xf32, #tpu.memory_space<vmem>>) attributes {dimension_semantics = [#tpu.dimension_semantics<arbitrary>], iteration_bounds = array<i64: 10>, scalar_prefetch = 0 : i64, scratch_operands = 0 : i64, tpu.core_type = #tpu.core_type<tc>, window_params = [{transform_indices = @transform_0, window_bounds = array<i64: 1000, 128>}, {pipeline_mode = #tpu.pipeline_mode<synchronous>, transform_indices = @transform_1, window_bounds = array<i64: 128, 128>}, {pipeline_mode = #tpu.pipeline_mode<synchronous>, transform_indices = @transform_2, window_bounds = array<i64: 1, 128>}, {pipeline_mode = #tpu.pipeline_mode<synchronous>, transform_indices = @transform_3, window_bounds = array<i64: 128, 1>}, {pipeline_mode = #tpu.pipeline_mode<synchronous>, transform_indices = @transform_4, window_bounds = array<i64: 1, 1>}, {transform_indices = @transform_5, window_bounds = array<i64: 1000, 1>}]} {
    %get3A = arith.constant 0 : index
    %get3A_0 = arith.constant 0 : index
    %get3A_1 = vector.load %arg1[%get3A, %get3A_0] : memref<1000x128xf32, #tpu.memory_space<vmem>>, vector<1000x128xf32>
    %get3A_2 = arith.constant 0 : index
    %get3A_3 = arith.constant 0 : index
    %get3A_4 = vector.load %arg2[%get3A_2, %get3A_3] : memref<128x128xf32, #tpu.memory_space<vmem>>, vector<128x128xf32>
    %dot_general3A = arith.constant dense<0.000000e+00> : vector<1000x128xf32>
    %dot_general3A_5 = tpu.matmul %get3A_1, %get3A_4, %dot_general3A {dimension_numbers = #tpu.dot_dimension_numbers<[1], [0], [0], [1], [0, 0, 1, 1], [], []>, transpose_lhs_hint = false} : vector<1000x128xf32>, vector<128x128xf32>, vector<1000x128xf32> -> vector<1000x128xf32>
    %get3A_6 = arith.constant 0 : index
    %get3A_7 = arith.constant 0 : index
    %get3A_8 = vector.load %arg3[%get3A_6, %get3A_7] : memref<1x128xf32, #tpu.memory_space<vmem>>, vector<1x128xf32>
    %add3A = vector.broadcast %get3A_8 : vector<1x128xf32> to vector<1000x128xf32>
    %add3A_9 = arith.addf %dot_general3A_5, %add3A : vector<1000x128xf32>
    %max3A = arith.constant 0.000000e+00 : f32
    %max3A_10 = vector.broadcast %max3A : f32 to vector<1000x128xf32>
    %max3A_11 = arith.maximumf %add3A_9, %max3A_10 : vector<1000x128xf32>
    %get3A_12 = arith.constant 0 : index
    %get3A_13 = arith.constant 0 : index
    %get3A_14 = vector.load %arg4[%get3A_12, %get3A_13] : memref<128x1xf32, #tpu.memory_space<vmem>>, vector<128x1xf32>
    %dot_general3A_15 = arith.constant dense<0.000000e+00> : vector<1000x1xf32>
    %dot_general3A_16 = tpu.matmul %max3A_11, %get3A_14, %dot_general3A_15 {dimension_numbers = #tpu.dot_dimension_numbers<[1], [0], [0], [1], [0, 0, 1, 1], [], []>, transpose_lhs_hint = false} : vector<1000x128xf32>, vector<128x1xf32>, vector<1000x1xf32> -> vector<1000x1xf32>
    %get3A_17 = arith.constant 0 : index
    %get3A_18 = arith.constant 0 : index
    %get3A_19 = vector.load %arg5[%get3A_17, %get3A_18] : memref<1x1xf32, #tpu.memory_space<vmem>>, vector<1x1xf32>
    %add3A_20 = vector.broadcast %get3A_19 : vector<1x1xf32> to vector<1000x1xf32>
    %add3A_21 = arith.addf %dot_general3A_16, %add3A_20 : vector<1000x1xf32>
    %swap3A = arith.constant 0 : index
    %swap3A_22 = arith.constant 0 : index
    %swap3A_23 = vector.load %arg6[%swap3A, %swap3A_22] : memref<1000x1xf32, #tpu.memory_space<vmem>>, vector<1000x1xf32>
    tpu.vector_store %arg6[%swap3A, %swap3A_22], %add3A_21 {strides = array<i32>} : memref<1000x1xf32, #tpu.memory_space<vmem>>, vector<1000x1xf32>,
    return
  }
  func.func @transform_0(%arg0: i32) -> (i32, i32) {
    %c0_i32 = arith.constant 0 : i32
    %c0_i32_0 = arith.constant 0 : i32
    return %arg0, %c0_i32 : i32, i32
  }
  func.func @transform_1(%arg0: i32) -> (i32, i32) {
    %c0_i32 = arith.constant 0 : i32
    %c0_i32_0 = arith.constant 0 : i32
    %c0_i32_1 = arith.constant 0 : i32
    return %c0_i32, %c0_i32_0 : i32, i32
  }
  func.func @transform_2(%arg0: i32) -> (i32, i32) {
    %c0_i32 = arith.constant 0 : i32
    %c0_i32_0 = arith.constant 0 : i32
    %c0_i32_1 = arith.constant 0 : i32
    return %c0_i32, %c0_i32_0 : i32, i32
  }
  func.func @transform_3(%arg0: i32) -> (i32, i32) {
    %c0_i32 = arith.constant 0 : i32
    %c0_i32_0 = arith.constant 0 : i32
    %c0_i32_1 = arith.constant 0 : i32
    return %c0_i32, %c0_i32_0 : i32, i32
  }
  func.func @transform_4(%arg0: i32) -> (i32, i32) {
    %c0_i32 = arith.constant 0 : i32
    %c0_i32_0 = arith.constant 0 : i32
    %c0_i32_1 = arith.constant 0 : i32
    return %c0_i32, %c0_i32_0 : i32, i32
  }
  func.func @transform_5(%arg0: i32) -> (i32, i32) {
    %c0_i32 = arith.constant 0 : i32
    %c0_i32_0 = arith.constant 0 : i32
    return %arg0, %c0_i32 : i32, i32
  }
}

</mosaic_0001>

<sc_bundles>
// kernel: _run.14.cloned.1.call-start
scs
__scs_entry_jumppad:
0x0: {  	(pc) =	sbr.rel $0x88, $3  }
0x1: {  	(tag) =	ssettag $0x0;
	lr =	simm.s32 $0x1  }
0x2: {  	[smem:$0x3F92] =	sst lr;
	_ =	strace $0xD0000000  }
0x3: {  	_ = 	snop  }
0x4: {  	_ = 	snop  }
0x5: {  	_ = 	snop  }
0x6: {  	_ = 	snop  }
0x7: {  	_ = 	snop  }
__scs_overlays_trampoline_lowered:
0x8: {  	[smem:$0x3FA1] =	sst s0  }
0x9: {  	[smem:$0x3FA2] =	sst s1  }
0xa: {  	[smem:$0x3FA3] =	sst s2  }
0xb: {  	[smem:$0x3FA4] =	sst s3  }
0xc: {  	[smem:$0x3FA5] =	sst s4  }
0xd: {  	[smem:$0x3FA6] =	sst s5  }
0xe: {  	[smem:$0x3FA7] =	sst s6  }
0xf: {  	[smem:$0x3FA8] =	sst s7  }
0x10: {  	[smem:$0x3FA9] =	sst s8  }
0x11: {  	[smem:$0x3FAA] =	sst s9;
	s0 =	simm.s32 @!p0 $0x0  }
0x12: {  	s1 =	sld [smem:$0x3F90];
	s0 =	simm.s32 @p0 $0x1  }
0x13: {  	[smem:$0x3FAB] =	sst s0;
	s0 =	simm.s32 @!p1 $0x0  }
0x14: {  	s2 =	sld [smem:$0x3F8F];
	s0 =	simm.s32 @p1 $0x1  }
0x15: {  	[smem:$0x3FAC] =	sst s0;
	s0 =	simm.s32 @!p2 $0x0  }
0x16: {  	s3 =	sld [smem:$0x3FDB];
	s0 =	simm.s32 @p2 $0x1  }
0x17: {  	s4 =	simm.s32 $0x1BF5;
	[smem:$0x3FAE] =	sst s0  }
0x18: {  	s0 =	sld [smem:$0x3F91];
	_ =	swait.ge [sflag:s4], $0x0  }
0x19: {  	s7 =	sld [smem:$0x3F92]  }
0x1a: {  	s8 =	sadd.s32 $0xFFFFE003, lr  }
0x1b: {  	s9 =	sadd.s32 $0xFFFFFEF7, lr;
	s5 =	simm.s32 $0xFFFFFFFF;
	p2 =	slt.u32 s8, $0xFFFFF086  }
0x1c: {  	p1 =	slt.u32 s9, $0xF7A;
	s5 =	simm.s32 @!p2 $0x0  }
0x1d: {  	s5 =	simm.s32 @p1 $0x1;
	p0 =	seq.s32 s7, s2  }
0x1e: {  	s7 =	smul.u32 @!p0 $0xF7A, s2;
	p2 =	seq.s32 @!p0 s5, $0x0  }
0x1f: {  	s9 =	smul.u32 $0xF7A, s1;
	s8 =	simm.s32 @!p0 $0x1BF5;
	p2 =	por !p2, p0  }
0x20: {  	[sflag:s8] =	ssyncset.s32 @!p0 $0xFFFFF086;
	s6 =	sadd.s32 @!p0 s3, s7;
	s7 =	simm.s32 @!p0 $0x108  }
0x21: {  	s3 =	sadd.s32 s3, s9;
	s6 =	sadd.s32 @!p0 $0x88, s6;
	s7 =	simm.s32 @p2 $0x1082  }
0x22: {  	[simem:s7], [sflag:s8] =	dma.local @!p0 [hbm:s6], $0xF7A  }
0x23: {  	s9 =	sor.u32 $0xD0000000, s2;
	s6 =	simm.s32 $0x108;
	_ =	swait.ge @!p0 [sflag:s8], $0x0  }
0x24: {  	s3 =	sadd.s32 $0x88, s3;
	s6 =	simm.s32 @!p1 $0x1082;
	[sflag:s4] =	ssyncset.s32 $0xFFFFF086  }
0x25: {  	[simem:s6], [sflag:s4] =	dma.local [hbm:s3], $0xF7A  }
0x26: {  	[smem:$0x3F92] =	sst s1;
	(tag) =	ssettag s2;
	_ =	strace s9  }
0x27: {  	s1 =	sld [smem:$0x3FA2]  }
0x28: {  	s2 =	sld [smem:$0x3FA3]  }
0x29: {  	s4 =	sld [smem:$0x3FA5]  }
0x2a: {  	p0 =	seq.s32 s5, $0x0;
	s5 =	sld [smem:$0x3FA6]  }
0x2b: {  	s6 =	sld [smem:$0x3FA7]  }
0x2c: {  	s7 =	sld [smem:$0x3FA8]  }
0x2d: {  	s3 =	simm.s32 $0x108;
	s8 =	sld [smem:$0x3FA9]  }
0x2e: {  	s3 =	simm.s32 @!p0 $0x1082;
	s9 =	sld [smem:$0x3FAA]  }
0x2f: {  	lr =	sadd.s32 s0, s3;
	s0 =	sld [smem:$0x3FA1]  }
0x30: {  	s3 =	sld [smem:$0x3FA4]  }
0x31: {  	[smem:$0x3FAD] =	sst s10  }
0x32: {  	s10 =	sld [smem:$0x3FAB];
	_ =	sdelay $0x3  }
0x33: {  	p0 =	seq.s32 s10, $0x1;
	s10 =	sld [smem:$0x3FAD];
	_ =	sdelay $0x3  }
0x34: {  	[smem:$0x3FAD] =	sst s10  }
0x35: {  	s10 =	sld [smem:$0x3FAC];
	_ =	sdelay $0x3  }
0x36: {  	p1 =	seq.s32 s10, $0x1;
	s10 =	sld [smem:$0x3FAD];
	_ =	sdelay $0x3  }
0x37: {  	[smem:$0x3FAD] =	sst s10  }
0x38: {  	s10 =	sld [smem:$0x3FAE]  }
0x39: {  	_ = 	snop;
	(pc) =	sbr.ind lr, $3  }
0x3a: {  	_ = 	snop  }
0x3b: {  	_ = 	snop  }
0x3c: {  	p2 =	seq.s32 s10, $0x1;
	s10 =	sld [smem:$0x3FAD]  }
0x3d: {  	_ =	shalt  }
0x3e: {  	_ =	shalt  }
0x3f: {  	_ =	shalt  }
0x40: {  	_ =	shalt  }
0x41: {  	_ =	shalt  }
0x42: {  	_ =	shalt  }
0x43: {  	_ =	shalt  }
0x44: {  	_ =	shalt  }
0x45: {  	_ =	shalt  }
0x46: {  	_ =	shalt  }
0x47: {  	_ =	shalt  }
0x48: {  	_ =	shalt  }
0x49: {  	_ =	shalt  }
0x4a: {  	_ =	shalt  }
0x4b: {  	_ =	shalt  }
0x4c: {  	_ =	shalt  }
0x4d: {  	_ =	shalt  }
0x4e: {  	_ =	shalt  }
0x4f: {  	_ =	shalt  }
0x50: {  	_ =	shalt  }
0x51: {  	_ =	shalt  }
0x52: {  	_ =	shalt  }
0x53: {  	_ =	shalt  }
0x54: {  	_ =	shalt  }
0x55: {  	_ =	shalt  }
0x56: {  	_ =	shalt  }
0x57: {  	_ =	shalt  }
0x58: {  	_ =	shalt  }
0x59: {  	_ =	shalt  }
0x5a: {  	_ =	shalt  }
0x5b: {  	_ =	shalt  }
0x5c: {  	_ =	shalt  }
0x5d: {  	_ =	shalt  }
0x5e: {  	_ =	shalt  }
0x5f: {  	_ =	shalt  }
0x60: {  	_ =	shalt  }
0x61: {  	_ =	shalt  }
0x62: {  	_ =	shalt  }
0x63: {  	_ =	shalt  }
0x64: {  	_ =	shalt  }
0x65: {  	_ =	shalt  }
0x66: {  	_ =	shalt  }
0x67: {  	_ =	shalt  }
0x68: {  	_ =	shalt  }
0x69: {  	_ =	shalt  }
0x6a: {  	_ =	shalt  }
0x6b: {  	_ =	shalt  }
0x6c: {  	_ =	shalt  }
0x6d: {  	_ =	shalt  }
0x6e: {  	_ =	shalt  }
0x6f: {  	_ =	shalt  }
0x70: {  	_ =	shalt  }
0x71: {  	_ =	shalt  }
0x72: {  	_ =	shalt  }
0x73: {  	_ =	shalt  }
0x74: {  	_ =	shalt  }
0x75: {  	_ =	shalt  }
0x76: {  	_ =	shalt  }
0x77: {  	_ =	shalt  }
0x78: {  	_ =	shalt  }
0x79: {  	_ =	shalt  }
0x7a: {  	_ =	shalt  }
0x7b: {  	_ =	shalt  }
0x7c: {  	_ =	shalt  }
0x7d: {  	_ =	shalt  }
0x7e: {  	_ =	shalt  }
0x7f: {  	_ =	shalt  }
0x80: {  	_ =	shalt  }
0x81: {  	_ =	shalt  }
0x82: {  	_ =	shalt  }
0x83: {  	_ =	shalt  }
0x84: {  	_ =	shalt  }
0x85: {  	_ =	shalt  }
0x86: {  	_ =	shalt  }
0x87: {  	_ =	shalt  }
.Lfunc_end0:
.L_simem_size_0:
called_computation.3_lowered:
.L_overlay_start_0:
0x88: {  	s2 =	sld [smem:$0x3FD9]  }
0x89: {  	s3 =	sld [smem:$0x3FFE];
	_ =	sdelay $0x1  }
0x8a: {  	s1 =	srdreg.scid  }
0x8b: {  	s0 =	sand.u32 $0x1, s1  }
0x8c: {  	s17 =	sshll.u32 s0, $0xA;
	s2 =	sadd.s32 s3, s2  }
0x8d: {  	s2 =	sadd.s32 s2, s17  }
0x8e: {  	[smem:$0x3FB9] =	sst s2  }
0x8f: {  	_ = 	snop  }
0x90: {  	(tm) =	ssettm $0x1  }
0x91: {  	s18 =	sld [smem:$0x3FFB];
	_ =	sdelay $0x3  }
0x92: {  	_ =	strace s18  }
0x93: {  	s2 =	sld [smem:$0x3FFC];
	_ =	sdelay $0x3  }
0x94: {  	_ =	strace s2  }
0x95: {  	s2 =	sld [smem:$0x3FFD];
	_ =	sdelay $0x3  }
0x96: {  	_ =	strace s2  }
0x97: {  	_ =	strace $0x8FFFFFFF  }
0x98: {  	s19 =	sld [smem:$0x3FDB];
	_ =	sdelay $0x1  }
0x99: {  	s20 =	simm.s32 $_scs_section_size  }
0x9a: {  	s4 =	simm.s32 $_size__tile_overlayer_lowered;
	s5 =	simm.s32 $_tile_overlayer_lowered  }
0x9b: {  	s6 =	simm.s32 $0x1BFF;
	s21 =	sshll.u32 s5, $0x1;
	s3 =	sadd.s32 s20, s19  }
0x9c: {  	s22 =	simm.s32 $0x0;
	s4 =	sshll.u32 s4, $0x1;
	s5 =	sadd.s32 s21, s3  }
0x9d: {  	[timem:s22], [sflag:s6] =	dma.local [hbm:s5], s4  }
0x9e: {  	_ =	swait.ge [sflag:s6], s4  }
0x9f: {  	s4 =	ssub.s32 $0x0, s4;
	[sflag:s6] =	ssyncset.done $0x0  }
0xa0: {  	[sflag:s6] =	ssyncadd.s32 s4;
	_ =	sdelay $0x1  }
0xa1: {  	s23 =	simm.s32 $0x1B8B  }
0xa2: {  	_ =	swait.ge [sflag:s23], $0x1  }
0xa3: {  	[sflag:s23] =	ssyncset.done $0x0  }
0xa4: {  	[sflag:s23] =	ssyncadd.s32 $0xFFFFFFFF  }
0xa5: {  	s4 =	sld [smem:$0x0]  }
0xa6: {  	s5 =	sand.u32 $0xFFFFFFFE, s1  }
0xa7: {  	p0 =	sne.s32 s1, s5  }
0xa8: {  	s5 =	sshll.u32 @p0 s5, $0xE  }
0xa9: {  	s5 =	sadd.s32 @p0 $0x11B8D, s5;
	s6 =	sshll.u32 @p0 s4, $0x11  }
0xaa: {  	s5 =	sor.u32 @p0 s6, s5  }
0xab: {  	[sflag:s5] =	ssyncadd.remote.s32 @p0 $0x1;
	_ =	sdelay $0x1  }
0xac: {  	s5 =	simm.s32 @p0 $0x1B8D  }
0xad: {  	_ =	swait.eq @p0 [sflag:s5], $0x1  }
0xae: {  	[sflag:s5] =	ssyncadd.s32 @p0 $0xFFFFFFFF  }
0xaf: {  	s6 =	sshll.u32 @!p0 s1, $0xE  }
0xb0: {  	s6 =	sor.u32 @!p0 $0x4000, s6;
	s5 =	simm.s32 @!p0 $0x1B8D  }
0xb1: {  	s4 =	sshll.u32 @!p0 s4, $0x11;
	s6 =	sadd.s32 @!p0 $0x11B8D, s6;
	_ =	swait.eq @!p0 [sflag:s5], $0x1  }
0xb2: {  	s4 =	sor.u32 @!p0 s4, s6;
	[sflag:s5] =	ssyncadd.s32 @!p0 $0xFFFFFFFF  }
0xb3: {  	s25 =	simm.s32 $0x1B8E;
	s24 =	sld [smem:$0x3FFE];
	[sflag:s4] =	ssyncadd.remote.s32 @!p0 $0x1  }
0xb4: {  	s26 =	simm.s32 $execute0_lowered;
	[smem:$0x3FD2] =	sst s25  }
0xb5: {  	s5 =	sshll.u32 s26, $0x1;
	_ =	strace $0x80000052;
	[dreg:$0x1] =	wrdreg $0xFFFFFFFF  }
0xb6: {  	s28 =	simm.s32 $_size_execute0_lowered;
	s3 =	sadd.s32 s3, s5;
	[dreg:$0x0] =	wrdreg $0x0  }
0xb7: {  	s5 =	sshll.u32 s28, $0x1;
	[dreg:$0x2] =	wrdreg s3  }
0xb8: {  	[dreg:$0x3] =	wrdreg s5  }
0xb9: {  	[dreg:$0x4] =	wrdreg $0xC0  }
0xba: {  	_ =	task [dreg:s22], $0x5FFFF  }
0xbb: {  	[dreg:$0x1] =	wrdreg $0xFFFFFFFF  }
0xbc: {  	[dreg:$0x0] =	wrdreg $0x60  }
0xbd: {  	[dreg:$0x2] =	wrdreg s24  }
0xbe: {  	[dreg:$0x3] =	wrdreg $0xA9000  }
0xbf: {  	[dreg:$0x4] =	wrdreg $0xA  }
0xc0: {  	_ =	task.clear_ibuf [dreg:s22], $0x5FFFF;
	_ =	strace $0x90000052  }
0xc1: {  	s29 =	simm.s32 $0xA;
	_ =	strace $0x80000054  }
0xc2: {  	_ =	swait.ge [sflag:s29], $0x1  }
0xc3: {  	[sflag:s29] =	ssyncadd.s32 $0xFFFFFFFF  }
0xc4: {  	_ =	strace $0x90000054  }
0xc5: {  	_ =	sfence  }
0xc6: {  	s30 =	sld [smem:$0x0];
	_ =	sdelay $0x2  }
0xc7: {  	s31 =	sshll.u32 s1, $0xD;
	s1 =	sshrl.u32 s1, $0x2  }
0xc8: {  	s4 =	sand.u32 $0x4000, s31;
	s1 =	sadd.s32 s1, s30  }
0xc9: {  	s0 =	sor.u32 s4, s0;
	s1 =	sshll.u32 s1, $0x11  }
0xca: {  	s0 =	sor.u32 s1, s0  }
0xcb: {  	s0 =	sadd.s32 $0x8F2B, s0  }
0xcc: {  	[sflag:s0] =	ssyncadd.remote.s32 $0x1  }
0xcd: {  	_ =	sfence.sel $0xFFFF  }
0xce: {  	[dreg:$0x0] =	wrdreg $0xFFFFFFFF;
	(pc) =	sbr.abs _section_cstart, $3  }
0xcf: {  	[dreg:$0x1] =	wrdreg $0xFFFFFFFF  }
0xd0: {  	_ =	task.clear_ibuf [dreg:s22], $0x2FFFF;
	_ =	strace $0x9FFFFFFF  }
0xd1: {  	(tm) =	ssettm $0x7FFFFFFF  }
tec
execute0_lowered:
.L_overlay_start_1:
0x0: {  	(tag) =	ssettag $0x1  }
0x1: {  	s0 =	srdreg.scid  }
0x2: {  	s1 =	rddreg [dreg:$0x0];
	s13 =	stileid.u32  }
0x3: {  	s2 =	rddreg [dreg:$0x1];
	s17 =	simm.s32 $0x7;
	s18 =	simm.s32 $0x2800  }
0x4: {  	s19 =	simm.s32 $0x2880;
	s20 =	simm.s32 $0x1;
	s21 =	simm.s32 $0x80  }
0x5: {  	s22 =	simm.s32 $0x2900;
	s23 =	simm.s32 $0x3;
	s28 =	simm.s32 $0x5  }
0x6: {  	s30 =	simm.s32 $0x6;
	s0 =	sand.u32 $0x1, s0;
	s8 =	smul.u32 $0x13C00, s13  }
0x7: {  	s5 =	sadd.s32 $0x10800, s1;
	s11 =	sadd.s32 $0xE000, s1;
	s25 =	smul.u32 $0x4F000, s13  }
0x8: {  	s12 =	sshll.u32 s13, $0x6;
	s3 =	sshll.u32 s0, $0x4;
	s7 =	smul.u32 $0x13C000, s0  }
0x9: {  	s24 =	ssub.s32 $0x2, s0;
	s0 =	smul.u32 $0x28000, s0;
	s4 =	sor.u32 s13, s3  }
0xa: {  	s3 =	simm.s32 $0x0;
	s26 =	sshrl.u32 s24, $0x1;
	s13 =	smul.u32 $0x2800, s13  }
0xb: {  	s6 =	smul.u32 $0x2800, s4;
	[smem:$0x7FF] =	sst s3;
	s4 =	sadd.s32 $0xD4400, s1  }
0xc: {  	s7 =	sadd.s32 s8, s7;
	s8 =	ssub.s32 s24, s26;
	s24 =	simm.s32 $0x2  }
0xd: {  	s26 =	simm.s32 $0x4;
	_ =	strace $0x80000053;
	[dreg:$0x3] =	wrdreg s11  }
0xe: {  	s7 =	sshrl.u32 s7, $0x3;
	s11 =	sshrl.u32 s25, $0x2;
	s0 =	sadd.s32 s13, s0  }
0xf: {  	s14 =	smax.u32 s8, $0x1;
	s25 =	simm.s32 $0x6900;
	s9 =	sshrl.u32 s6, $0x3  }
0x10: {  	s15 =	sadd.s32 s11, s2;
	s0 =	sor.u32 $0x100, s0;
	s10 =	sadd.s32 s9, s1  }
.Ltmp0:
0x11: {  	s1 =	sadd.s32 s7, s1;
	s7 =	sor.u32 $0x1C07, s12;
	(pc) =	sbr.rel .LBB2_1-.Ltmp0, $4  }
0x12: {  	s9 =	sadd.s32 s5, s9;
	s12 =	sor.u32 $0x180, s6;
	s0 =	sshrl.u32 s0, $0x3  }
0x13: {  	s16 =	sshrl.u32 s15, $0x3;
	s10 =	sadd.s32 $0x4000, s10;
	s31 =	sadd.s32 $0x10, s9  }
0x14: {  	s11 =	sadd.s32 $0x20, s9;
	s13 =	sadd.s32 $0xDC400, s1;
	[dreg:$0x4] =	wrdreg s10  }
0x15: {  	s29 =	sadd.s32 s0, s5;
	s1 =	simm.s32 $0x0;
	[dreg:$0x5] =	wrdreg s31  }
.LBB2_6:
0x16: {  	s0 =	simm.s32 $0x2700  }
0x17: {  	[spmem:s2] =	stream.indirect.scatter.add.f32 [tilespmem:s22], [sflag:$0x5], $0x80, s0, s21, $0xb8;
	[tilespmem:$0x1E500] =	vst v63  }
0x18: {  	_ =	swait.ge [sflag:s30], $0x4000  }
0x19: {  	[sflag:s30] =	ssyncset.done $0x0  }
0x1a: {  	[sflag:s30] =	ssyncadd.s32 $0xFFFFC000  }
0x1b: {  	_ =	swait.ge [sflag:s24], $0x80  }
0x1c: {  	[sflag:s24] =	ssyncset.done $0x0  }
0x1d: {  	[sflag:s24] =	ssyncadd.s32 $0xFFFFFF80  }
0x1e: {  	[tilespmem:s25], [sflag:$0x4] =	stream.indirect.gather [hbm4b:s4+s21], $0x80, s19, s21, $0xb8;
	[tilespmem:$0x1E500] =	vst v63  }
0x1f: {  	_ =	swait.ge [sflag:s26], $0x4000  }
0x20: {  	[sflag:s26] =	ssyncset.done $0x0  }
0x21: {  	s31 =	simm.s32 $0x2780;
	[sflag:s26] =	ssyncadd.s32 $0xFFFFC000  }
0x22: {  	[spmem:s2] =	stream.indirect.scatter.add.f32 [tilespmem:s25], [sflag:$0x6], $0x80, s31, s21, $0xb8;
	[tilespmem:$0x1E500] =	vst v63  }
0x23: {  	_ =	swait.ge [sflag:s28], $0x4000  }
0x24: {  	[sflag:s28] =	ssyncset.done $0x0  }
0x25: {  	[sflag:s28] =	ssyncadd.s32 $0xFFFFC000  }
0x26: {  	_ =	swait.ge [sflag:s30], $0x4000  }
0x27: {  	s1 =	sadd.s32 $0x1, s1;
	[sflag:s30] =	ssyncset.done $0x0  }
0x28: {  	p0 =	sne.s32 s1, s14;
	[sflag:s30] =	ssyncadd.s32 $0xFFFFC000  }
.Ltmp1:
0x29: {  	[bflag:$0x0] =	sbarrier.arrive $0xFFFF;
	(pc) =	sbr.rel @!p0 .LBB2_7-.Ltmp1, $4  }
0x2a: {  	[hbm:s13], [sflag:s7] =	dma.local [spmem:s16], $0x2780  }
0x2b: {  	_ =	swait.ge [sflag:s17], $0x2780  }
0x2c: {  	[sflag:s17] =	ssyncset.done $0x0  }
0x2d: {  	[sflag:s17] =	ssyncadd.s32 $0xFFFFD880  }
.LBB2_1:
0x2e: {  	s0 =	rddreg [dreg:$0x3]  }
0x2f: {  	[spmem:s16], [sflag:s7] =	dma.local [hbm:s0], $0x2780  }
0x30: {  	_ =	swait.ge [sflag:s17], $0x2780  }
0x31: {  	[sflag:s17] =	ssyncset.done $0x0  }
0x32: {  	s15 =	rddreg [dreg:$0x4];
	[sflag:s17] =	ssyncadd.s32 $0xFFFFD880  }
0x33: {  	[tilespmem:s3], [sflag:$0x7] =	stream.linear.gather [hbm4b:s15+s3], $0x2800, $0x38;
	[tilespmem:$0x1E500] =	vst v63  }
0x34: {  	_ =	swait.ge [sflag:s17], $0x2800  }
0x35: {  	[sflag:s17] =	ssyncset.done $0x0  }
0x36: {  	[sflag:s17] =	ssyncadd.s32 $0xFFFFD800  }
0x37: {  	[bflag:$0x0] =	sbarrier.arrive $0xFFFF  }
0x38: {  	[tilespmem:s18], [sflag:$0x1] =	stream.linear.gather [hbm4b:s9+s3], $0x80, $0x38;
	[tilespmem:$0x1E500] =	vst v63  }
0x39: {  	s31 =	rddreg [dreg:$0x5]  }
0x3a: {  	[tilespmem:s19], [sflag:$0x2] =	stream.linear.gather [hbm4b:s31+s3], $0x80, $0x38;
	[tilespmem:$0x1E500] =	vst v63  }
.Ltmp2:
0x3b: {  	_ = 	snop;
	(pc) =	sbr.rel .LBB2_2-.Ltmp2, $4  }
0x3c: {  	_ =	swait.ge [sflag:s20], $0x80  }
0x3d: {  	s10 =	simm.s32 $0x0;
	s8 =	simm.s32 $0x0;
	[sflag:s20] =	ssyncset.done $0x0  }
0x3e: {  	s6 =	simm.s32 $0x0;
	s15 =	smov.u32 s29;
	[sflag:s20] =	ssyncadd.s32 $0xFFFFFF80  }
0x3f: {  	[tilespmem:s22], [sflag:$0x3] =	stream.indirect.gather [hbm4b:s4+s21], $0x80, s18, s21, $0xb8;
	[tilespmem:$0x1E500] =	vst v63  }
.LBB2_8:
0x40: {  	s31 =	simm.s32 $0x0  }
0x41: {  	[spmem:s2] =	stream.indirect.scatter.add.f32 [tilespmem:s22], [sflag:$0x5], $0x80, s31, s21, $0xb8;
	[tilespmem:$0x1E500] =	vst v63  }
0x42: {  	s0 =	simm.s32 $0x0  }
0x43: {  	[tilespmem:s18], [sflag:$0x1] =	stream.linear.gather [hbm4b:s11+s31], $0x80, $0x38;
	[tilespmem:$0x1E500] =	vst v63  }
.LBB2_5:
0x44: {  	_ =	swait.ge [sflag:s24], $0x80  }
0x45: {  	[sflag:s24] =	ssyncset.done $0x0  }
0x46: {  	[sflag:s24] =	ssyncadd.s32 $0xFFFFFF80  }
0x47: {  	[tilespmem:s25], [sflag:$0x4] =	stream.indirect.gather [hbm4b:s4+s21], $0x80, s19, s21, $0xb8;
	[tilespmem:$0x1E500] =	vst v63  }
0x48: {  	_ =	swait.ge [sflag:s26], $0x4000  }
0x49: {  	s0 =	sshra.s32 s0, $0x2;
	[sflag:s26] =	ssyncset.done $0x0  }
0x4a: {  	s31 =	sadd.s32 s31, s12;
	s0 =	sadd.s32 $0x80, s0;
	[sflag:s26] =	ssyncadd.s32 $0xFFFFC000  }
0x4b: {  	[spmem:s2] =	stream.indirect.scatter.add.f32 [tilespmem:s25], [sflag:$0x6], $0x80, s0, s21, $0xb8;
	[tilespmem:$0x1E500] =	vst v63  }
0x4c: {  	s0 =	sshrl.u32 s31, $0x3  }
0x4d: {  	s0 =	sadd.s32 s5, s0  }
0x4e: {  	[tilespmem:s19], [sflag:$0x2] =	stream.linear.gather [hbm4b:s0+s3], $0x80, $0x38;
	[tilespmem:$0x1E500] =	vst v63  }
0x4f: {  	_ =	swait.ge [sflag:s28], $0x4000  }
0x50: {  	[sflag:s28] =	ssyncset.done $0x0  }
0x51: {  	[sflag:s28] =	ssyncadd.s32 $0xFFFFC000  }
0x52: {  	_ =	swait.ge [sflag:s20], $0x80  }
0x53: {  	s6 =	sadd.s32 $0x1, s6;
	s8 =	sadd.s32 $0x100, s8;
	[sflag:s20] =	ssyncset.done $0x0  }
0x54: {  	s15 =	sadd.s32 $0x20, s15;
	s10 =	sadd.s32 $0x400, s10;
	[sflag:s20] =	ssyncadd.s32 $0xFFFFFF80  }
0x55: {  	[tilespmem:s22], [sflag:$0x3] =	stream.indirect.gather [hbm4b:s4+s21], $0x80, s18, s21, $0xb8;
	[tilespmem:$0x1E500] =	vst v63  }
.LBB2_2:
0x56: {  	p0 =	seq.s32 s6, $0x0  }
.Ltmp3:
0x57: {  	_ = 	snop;
	(pc) =	sbr.rel @p0 .LBB2_8-.Ltmp3, $4  }
0x58: {  	_ = 	snop  }
0x59: {  	_ =	swait.ge [sflag:s23], $0x4000  }
0x5a: {  	[sflag:s23] =	ssyncset.done $0x0  }
0x5b: {  	[sflag:s23] =	ssyncadd.s32 $0xFFFFC000  }
0x5c: {  	p0 =	seq.s32 s6, $0x27  }
.Ltmp4:
0x5d: {  	_ = 	snop;
	(pc) =	sbr.rel @p0 .LBB2_6-.Ltmp4, $1  }
0x5e: {  	_ =	sdelay $0x3  }
0x5f: {  	s0 =	sshra.s32 s10, $0x2  }
0x60: {  	[spmem:s2] =	stream.indirect.scatter.add.f32 [tilespmem:s22], [sflag:$0x5], $0x80, s0, s21, $0xb8;
	[tilespmem:$0x1E500] =	vst v63  }
.Ltmp5:
0x61: {  	_ = 	snop;
	(pc) =	sbr.rel .LBB2_5-.Ltmp5, $4  }
0x62: {  	[tilespmem:s18], [sflag:$0x1] =	stream.linear.gather [hbm4b:s15+s3], $0x80, $0x38;
	[tilespmem:$0x1E500] =	vst v63  }
0x63: {  	_ =	swait.ge [sflag:s30], $0x4000  }
0x64: {  	[sflag:s30] =	ssyncset.done $0x0  }
0x65: {  	s31 =	smov.u32 s8;
	s0 =	smov.u32 s10;
	[sflag:s30] =	ssyncadd.s32 $0xFFFFC000  }
.LBB2_7:
0x66: {  	_ =	sfence.sel $0x180000  }
0x67: {  	[bflag:$0x0] =	sbarrier.arrive $0xFFFF  }
0x68: {  	_ =	strace $0x90000053  }
0x69: {  	s0 =	stileid.u32;
	[bflag:$0x2] =	sbarrier.arrive $0xFFFF  }
0x6a: {  	p0 =	sne.s32 s0, $0x0;
	s0 =	rddreg [dreg:$0x2]  }
0x6b: {  	s0 =	sadd.s32 @!p0 $0x100000, s0  }
0x6c: {  	[sflag:s0] =	ssyncadd.tile.s32 @!p0 $0x1;
	_ =	shalt  }
.Lfunc_end2:
_tile_overlayer_lowered:
.L_overlay_start_2:
0x6d: {  	(tag) =	ssettag $0x2  }
0x6e: {  	s0 =	rddreg [dreg:$0x0];
	s2 =	stileid.u32  }
0x6f: {  	s1 =	rddreg [dreg:$0x1];
	p0 =	sne.s32 s2, $0x0  }
0x70: {  	s3 =	rddreg [dreg:$0x2];
	[bflag:$0x3] =	sbarrier.arrive $0xFFFF;
	s2 =	simm.s32 @!p0 $0x1C07  }
0x71: {  	[timem:s3], [sflag:s2] =	dma.local @!p0 [hbm:s0], s1  }
0x72: {  	s0 =	simm.s32 @!p0 $0x7  }
0x73: {  	_ =	swait.ge @!p0 [sflag:s0], s1  }
0x74: {  	s1 =	ssub.s32 @!p0 $0x0, s1;
	[sflag:s0] =	ssyncset.done @!p0 $0x0  }
0x75: {  	[sflag:s0] =	ssyncadd.s32 @!p0 s1  }
0x76: {  	[bflag:$0x3] =	sbarrier.arrive $0xFFFF  }
0x77: {  	_ =	shalt  }

// kernel: _run.17.cloned.1.call-start
scs
__scs_entry_jumppad:
0x0: {  	(pc) =	sbr.rel $0x88, $3  }
0x1: {  	(tag) =	ssettag $0x0;
	lr =	simm.s32 $0x1  }
0x2: {  	[smem:$0x3F92] =	sst lr;
	_ =	strace $0xD0000000  }
0x3: {  	_ = 	snop  }
0x4: {  	_ = 	snop  }
0x5: {  	_ = 	snop  }
0x6: {  	_ = 	snop  }
0x7: {  	_ = 	snop  }
__scs_overlays_trampoline_lowered:
0x8: {  	[smem:$0x3FA1] =	sst s0  }
0x9: {  	[smem:$0x3FA2] =	sst s1  }
0xa: {  	[smem:$0x3FA3] =	sst s2  }
0xb: {  	[smem:$0x3FA4] =	sst s3  }
0xc: {  	[smem:$0x3FA5] =	sst s4  }
0xd: {  	[smem:$0x3FA6] =	sst s5  }
0xe: {  	[smem:$0x3FA7] =	sst s6  }
0xf: {  	[smem:$0x3FA8] =	sst s7  }
0x10: {  	[smem:$0x3FA9] =	sst s8  }
0x11: {  	[smem:$0x3FAA] =	sst s9;
	s0 =	simm.s32 @!p0 $0x0  }
0x12: {  	s1 =	sld [smem:$0x3F90];
	s0 =	simm.s32 @p0 $0x1  }
0x13: {  	[smem:$0x3FAB] =	sst s0;
	s0 =	simm.s32 @!p1 $0x0  }
0x14: {  	s2 =	sld [smem:$0x3F8F];
	s0 =	simm.s32 @p1 $0x1  }
0x15: {  	[smem:$0x3FAC] =	sst s0;
	s0 =	simm.s32 @!p2 $0x0  }
0x16: {  	s3 =	sld [smem:$0x3FDB];
	s0 =	simm.s32 @p2 $0x1  }
0x17: {  	s4 =	simm.s32 $0x1BF5;
	[smem:$0x3FAE] =	sst s0  }
0x18: {  	s0 =	sld [smem:$0x3F91];
	_ =	swait.ge [sflag:s4], $0x0  }
0x19: {  	s7 =	sld [smem:$0x3F92]  }
0x1a: {  	s8 =	sadd.s32 $0xFFFFE003, lr  }
0x1b: {  	s9 =	sadd.s32 $0xFFFFFEF7, lr;
	s5 =	simm.s32 $0xFFFFFFFF;
	p2 =	slt.u32 s8, $0xFFFFF086  }
0x1c: {  	p1 =	slt.u32 s9, $0xF7A;
	s5 =	simm.s32 @!p2 $0x0  }
0x1d: {  	s5 =	simm.s32 @p1 $0x1;
	p0 =	seq.s32 s7, s2  }
0x1e: {  	s7 =	smul.u32 @!p0 $0xF7A, s2;
	p2 =	seq.s32 @!p0 s5, $0x0  }
0x1f: {  	s9 =	smul.u32 $0xF7A, s1;
	s8 =	simm.s32 @!p0 $0x1BF5;
	p2 =	por !p2, p0  }
0x20: {  	[sflag:s8] =	ssyncset.s32 @!p0 $0xFFFFF086;
	s6 =	sadd.s32 @!p0 s3, s7;
	s7 =	simm.s32 @!p0 $0x108  }
0x21: {  	s3 =	sadd.s32 s3, s9;
	s6 =	sadd.s32 @!p0 $0x88, s6;
	s7 =	simm.s32 @p2 $0x1082  }
0x22: {  	[simem:s7], [sflag:s8] =	dma.local @!p0 [hbm:s6], $0xF7A  }
0x23: {  	s9 =	sor.u32 $0xD0000000, s2;
	s6 =	simm.s32 $0x108;
	_ =	swait.ge @!p0 [sflag:s8], $0x0  }
0x24: {  	s3 =	sadd.s32 $0x88, s3;
	s6 =	simm.s32 @!p1 $0x1082;
	[sflag:s4] =	ssyncset.s32 $0xFFFFF086  }
0x25: {  	[simem:s6], [sflag:s4] =	dma.local [hbm:s3], $0xF7A  }
0x26: {  	[smem:$0x3F92] =	sst s1;
	(tag) =	ssettag s2;
	_ =	strace s9  }
0x27: {  	s1 =	sld [smem:$0x3FA2]  }
0x28: {  	s2 =	sld [smem:$0x3FA3]  }
0x29: {  	s4 =	sld [smem:$0x3FA5]  }
0x2a: {  	p0 =	seq.s32 s5, $0x0;
	s5 =	sld [smem:$0x3FA6]  }
0x2b: {  	s6 =	sld [smem:$0x3FA7]  }
0x2c: {  	s7 =	sld [smem:$0x3FA8]  }
0x2d: {  	s3 =	simm.s32 $0x108;
	s8 =	sld [smem:$0x3FA9]  }
0x2e: {  	s3 =	simm.s32 @!p0 $0x1082;
	s9 =	sld [smem:$0x3FAA]  }
0x2f: {  	lr =	sadd.s32 s0, s3;
	s0 =	sld [smem:$0x3FA1]  }
0x30: {  	s3 =	sld [smem:$0x3FA4]  }
0x31: {  	[smem:$0x3FAD] =	sst s10  }
0x32: {  	s10 =	sld [smem:$0x3FAB];
	_ =	sdelay $0x3  }
0x33: {  	p0 =	seq.s32 s10, $0x1;
	s10 =	sld [smem:$0x3FAD];
	_ =	sdelay $0x3  }
0x34: {  	[smem:$0x3FAD] =	sst s10  }
0x35: {  	s10 =	sld [smem:$0x3FAC];
	_ =	sdelay $0x3  }
0x36: {  	p1 =	seq.s32 s10, $0x1;
	s10 =	sld [smem:$0x3FAD];
	_ =	sdelay $0x3  }
0x37: {  	[smem:$0x3FAD] =	sst s10  }
0x38: {  	s10 =	sld [smem:$0x3FAE]  }
0x39: {  	_ = 	snop;
	(pc) =	sbr.ind lr, $3  }
0x3a: {  	_ = 	snop  }
0x3b: {  	_ = 	snop  }
0x3c: {  	p2 =	seq.s32 s10, $0x1;
	s10 =	sld [smem:$0x3FAD]  }
0x3d: {  	_ =	shalt  }
0x3e: {  	_ =	shalt  }
0x3f: {  	_ =	shalt  }
0x40: {  	_ =	shalt  }
0x41: {  	_ =	shalt  }
0x42: {  	_ =	shalt  }
0x43: {  	_ =	shalt  }
0x44: {  	_ =	shalt  }
0x45: {  	_ =	shalt  }
0x46: {  	_ =	shalt  }
0x47: {  	_ =	shalt  }
0x48: {  	_ =	shalt  }
0x49: {  	_ =	shalt  }
0x4a: {  	_ =	shalt  }
0x4b: {  	_ =	shalt  }
0x4c: {  	_ =	shalt  }
0x4d: {  	_ =	shalt  }
0x4e: {  	_ =	shalt  }
0x4f: {  	_ =	shalt  }
0x50: {  	_ =	shalt  }
0x51: {  	_ =	shalt  }
0x52: {  	_ =	shalt  }
0x53: {  	_ =	shalt  }
0x54: {  	_ =	shalt  }
0x55: {  	_ =	shalt  }
0x56: {  	_ =	shalt  }
0x57: {  	_ =	shalt  }
0x58: {  	_ =	shalt  }
0x59: {  	_ =	shalt  }
0x5a: {  	_ =	shalt  }
0x5b: {  	_ =	shalt  }
0x5c: {  	_ =	shalt  }
0x5d: {  	_ =	shalt  }
0x5e: {  	_ =	shalt  }
0x5f: {  	_ =	shalt  }
0x60: {  	_ =	shalt  }
0x61: {  	_ =	shalt  }
0x62: {  	_ =	shalt  }
0x63: {  	_ =	shalt  }
0x64: {  	_ =	shalt  }
0x65: {  	_ =	shalt  }
0x66: {  	_ =	shalt  }
0x67: {  	_ =	shalt  }
0x68: {  	_ =	shalt  }
0x69: {  	_ =	shalt  }
0x6a: {  	_ =	shalt  }
0x6b: {  	_ =	shalt  }
0x6c: {  	_ =	shalt  }
0x6d: {  	_ =	shalt  }
0x6e: {  	_ =	shalt  }
0x6f: {  	_ =	shalt  }
0x70: {  	_ =	shalt  }
0x71: {  	_ =	shalt  }
0x72: {  	_ =	shalt  }
0x73: {  	_ =	shalt  }
0x74: {  	_ =	shalt  }
0x75: {  	_ =	shalt  }
0x76: {  	_ =	shalt  }
0x77: {  	_ =	shalt  }
0x78: {  	_ =	shalt  }
0x79: {  	_ =	shalt  }
0x7a: {  	_ =	shalt  }
0x7b: {  	_ =	shalt  }
0x7c: {  	_ =	shalt  }
0x7d: {  	_ =	shalt  }
0x7e: {  	_ =	shalt  }
0x7f: {  	_ =	shalt  }
0x80: {  	_ =	shalt  }
0x81: {  	_ =	shalt  }
0x82: {  	_ =	shalt  }
0x83: {  	_ =	shalt  }
0x84: {  	_ =	shalt  }
0x85: {  	_ =	shalt  }
0x86: {  	_ =	shalt  }
0x87: {  	_ =	shalt  }
.Lfunc_end0:
.L_simem_size_0:
called_computation.4_lowered:
.L_overlay_start_0:
0x88: {  	s2 =	sld [smem:$0x3FD9]  }
0x89: {  	s3 =	sld [smem:$0x3FFE];
	_ =	sdelay $0x1  }
0x8a: {  	s1 =	srdreg.scid  }
0x8b: {  	s0 =	sand.u32 $0x1, s1  }
0x8c: {  	s17 =	sshll.u32 s0, $0xA;
	s2 =	sadd.s32 s3, s2  }
0x8d: {  	s2 =	sadd.s32 s2, s17  }
0x8e: {  	[smem:$0x3FB9] =	sst s2  }
0x8f: {  	_ = 	snop  }
0x90: {  	(tm) =	ssettm $0x1  }
0x91: {  	s18 =	sld [smem:$0x3FFB];
	_ =	sdelay $0x3  }
0x92: {  	_ =	strace s18  }
0x93: {  	s2 =	sld [smem:$0x3FFC];
	_ =	sdelay $0x3  }
0x94: {  	_ =	strace s2  }
0x95: {  	s2 =	sld [smem:$0x3FFD];
	_ =	sdelay $0x3  }
0x96: {  	_ =	strace s2  }
0x97: {  	_ =	strace $0x8FFFFFFF  }
0x98: {  	s19 =	sld [smem:$0x3FDB];
	_ =	sdelay $0x1  }
0x99: {  	s20 =	simm.s32 $_scs_section_size  }
0x9a: {  	s4 =	simm.s32 $_size__tile_overlayer_lowered;
	s5 =	simm.s32 $_tile_overlayer_lowered  }
0x9b: {  	s6 =	simm.s32 $0x1BFF;
	s21 =	sshll.u32 s5, $0x1;
	s3 =	sadd.s32 s20, s19  }
0x9c: {  	s22 =	simm.s32 $0x0;
	s4 =	sshll.u32 s4, $0x1;
	s5 =	sadd.s32 s21, s3  }
0x9d: {  	[timem:s22], [sflag:s6] =	dma.local [hbm:s5], s4  }
0x9e: {  	_ =	swait.ge [sflag:s6], s4  }
0x9f: {  	s4 =	ssub.s32 $0x0, s4;
	[sflag:s6] =	ssyncset.done $0x0  }
0xa0: {  	[sflag:s6] =	ssyncadd.s32 s4;
	_ =	sdelay $0x1  }
0xa1: {  	s23 =	simm.s32 $0x1B8B  }
0xa2: {  	_ =	swait.ge [sflag:s23], $0x1  }
0xa3: {  	[sflag:s23] =	ssyncset.done $0x0  }
0xa4: {  	[sflag:s23] =	ssyncadd.s32 $0xFFFFFFFF  }
0xa5: {  	s4 =	sld [smem:$0x0]  }
0xa6: {  	s5 =	sand.u32 $0xFFFFFFFE, s1  }
0xa7: {  	p0 =	sne.s32 s1, s5  }
0xa8: {  	s5 =	sshll.u32 @p0 s5, $0xE  }
0xa9: {  	s5 =	sadd.s32 @p0 $0x11B8D, s5;
	s6 =	sshll.u32 @p0 s4, $0x11  }
0xaa: {  	s5 =	sor.u32 @p0 s6, s5  }
0xab: {  	[sflag:s5] =	ssyncadd.remote.s32 @p0 $0x1;
	_ =	sdelay $0x1  }
0xac: {  	s5 =	simm.s32 @p0 $0x1B8D  }
0xad: {  	_ =	swait.eq @p0 [sflag:s5], $0x1  }
0xae: {  	[sflag:s5] =	ssyncadd.s32 @p0 $0xFFFFFFFF  }
0xaf: {  	s6 =	sshll.u32 @!p0 s1, $0xE  }
0xb0: {  	s6 =	sor.u32 @!p0 $0x4000, s6;
	s5 =	simm.s32 @!p0 $0x1B8D  }
0xb1: {  	s4 =	sshll.u32 @!p0 s4, $0x11;
	s6 =	sadd.s32 @!p0 $0x11B8D, s6;
	_ =	swait.eq @!p0 [sflag:s5], $0x1  }
0xb2: {  	s4 =	sor.u32 @!p0 s4, s6;
	[sflag:s5] =	ssyncadd.s32 @!p0 $0xFFFFFFFF  }
0xb3: {  	s25 =	simm.s32 $0x1B8E;
	s24 =	sld [smem:$0x3FFE];
	[sflag:s4] =	ssyncadd.remote.s32 @!p0 $0x1  }
0xb4: {  	s26 =	simm.s32 $execute0_lowered;
	[smem:$0x3FD2] =	sst s25  }
0xb5: {  	s5 =	sshll.u32 s26, $0x1;
	_ =	strace $0x8000004F;
	[dreg:$0x1] =	wrdreg $0xFFFFFFFF  }
0xb6: {  	s28 =	simm.s32 $_size_execute0_lowered;
	s3 =	sadd.s32 s3, s5;
	[dreg:$0x0] =	wrdreg $0x0  }
0xb7: {  	s5 =	sshll.u32 s28, $0x1;
	[dreg:$0x2] =	wrdreg s3  }
0xb8: {  	[dreg:$0x3] =	wrdreg s5  }
0xb9: {  	[dreg:$0x4] =	wrdreg $0xC0  }
0xba: {  	_ =	task [dreg:s22], $0x5FFFF  }
0xbb: {  	[dreg:$0x1] =	wrdreg $0xFFFFFFFF  }
0xbc: {  	[dreg:$0x0] =	wrdreg $0x60  }
0xbd: {  	[dreg:$0x2] =	wrdreg s24  }
0xbe: {  	[dreg:$0x3] =	wrdreg $0xA9000  }
0xbf: {  	[dreg:$0x4] =	wrdreg $0x9  }
0xc0: {  	_ =	task.clear_ibuf [dreg:s22], $0x5FFFF;
	_ =	strace $0x9000004F  }
0xc1: {  	s29 =	simm.s32 $0x9;
	_ =	strace $0x80000051  }
0xc2: {  	_ =	swait.ge [sflag:s29], $0x1  }
0xc3: {  	[sflag:s29] =	ssyncadd.s32 $0xFFFFFFFF  }
0xc4: {  	_ =	strace $0x90000051  }
0xc5: {  	_ =	sfence  }
0xc6: {  	s30 =	sld [smem:$0x0];
	_ =	sdelay $0x2  }
0xc7: {  	s31 =	sshll.u32 s1, $0xD;
	s1 =	sshrl.u32 s1, $0x2  }
0xc8: {  	s4 =	sand.u32 $0x4000, s31;
	s1 =	sadd.s32 s1, s30  }
0xc9: {  	s0 =	sor.u32 s4, s0;
	s1 =	sshll.u32 s1, $0x11  }
0xca: {  	s0 =	sor.u32 s1, s0  }
0xcb: {  	s0 =	sadd.s32 $0x8F2B, s0  }
0xcc: {  	[sflag:s0] =	ssyncadd.remote.s32 $0x1  }
0xcd: {  	_ =	sfence.sel $0xFFFF  }
0xce: {  	[dreg:$0x0] =	wrdreg $0xFFFFFFFF;
	(pc) =	sbr.abs _section_cstart, $3  }
0xcf: {  	[dreg:$0x1] =	wrdreg $0xFFFFFFFF  }
0xd0: {  	_ =	task.clear_ibuf [dreg:s22], $0x2FFFF;
	_ =	strace $0x9FFFFFFF  }
0xd1: {  	(tm) =	ssettm $0x7FFFFFFF  }
tec
execute0_lowered:
.L_overlay_start_1:
0x0: {  	(tag) =	ssettag $0x1  }
0x1: {  	s0 =	srdreg.scid  }
0x2: {  	s1 =	rddreg [dreg:$0x0];
	s13 =	stileid.u32  }
0x3: {  	s2 =	rddreg [dreg:$0x1];
	s17 =	simm.s32 $0x7;
	s18 =	simm.s32 $0x2800  }
0x4: {  	s19 =	simm.s32 $0x2880;
	s20 =	simm.s32 $0x1;
	s21 =	simm.s32 $0x80  }
0x5: {  	s22 =	simm.s32 $0x2900;
	s23 =	simm.s32 $0x3;
	s28 =	simm.s32 $0x5  }
0x6: {  	s30 =	simm.s32 $0x6;
	s0 =	sand.u32 $0x1, s0;
	s8 =	smul.u32 $0x13C00, s13  }
0x7: {  	s5 =	sadd.s32 $0x7B400, s1;
	s11 =	sadd.s32 $0xE000, s1;
	s25 =	smul.u32 $0x4F000, s13  }
0x8: {  	s12 =	sshll.u32 s13, $0x6;
	s3 =	sshll.u32 s0, $0x4;
	s7 =	smul.u32 $0x13C000, s0  }
0x9: {  	s24 =	ssub.s32 $0x2, s0;
	s0 =	smul.u32 $0x28000, s0;
	s4 =	sor.u32 s13, s3  }
0xa: {  	s3 =	simm.s32 $0x0;
	s26 =	sshrl.u32 s24, $0x1;
	s13 =	smul.u32 $0x2800, s13  }
0xb: {  	s6 =	smul.u32 $0x2800, s4;
	[smem:$0x7FF] =	sst s3;
	s4 =	sadd.s32 $0x54200, s1  }
0xc: {  	s7 =	sadd.s32 s8, s7;
	s8 =	ssub.s32 s24, s26;
	s24 =	simm.s32 $0x2  }
0xd: {  	s26 =	simm.s32 $0x4;
	_ =	strace $0x80000050;
	[dreg:$0x3] =	wrdreg s11  }
0xe: {  	s7 =	sshrl.u32 s7, $0x3;
	s11 =	sshrl.u32 s25, $0x2;
	s0 =	sadd.s32 s13, s0  }
0xf: {  	s14 =	smax.u32 s8, $0x1;
	s25 =	simm.s32 $0x6900;
	s9 =	sshrl.u32 s6, $0x3  }
0x10: {  	s15 =	sadd.s32 s11, s2;
	s0 =	sor.u32 $0x100, s0;
	s10 =	sadd.s32 s9, s1  }
.Ltmp0:
0x11: {  	s1 =	sadd.s32 s7, s1;
	s7 =	sor.u32 $0x1C07, s12;
	(pc) =	sbr.rel .LBB2_1-.Ltmp0, $4  }
0x12: {  	s9 =	sadd.s32 s5, s9;
	s12 =	sor.u32 $0x180, s6;
	s0 =	sshrl.u32 s0, $0x3  }
0x13: {  	s16 =	sshrl.u32 s15, $0x3;
	s10 =	sadd.s32 $0x4000, s10;
	s31 =	sadd.s32 $0x10, s9  }
0x14: {  	s11 =	sadd.s32 $0x20, s9;
	s13 =	sadd.s32 $0x85400, s1;
	[dreg:$0x4] =	wrdreg s10  }
0x15: {  	s29 =	sadd.s32 s0, s5;
	s1 =	simm.s32 $0x0;
	[dreg:$0x5] =	wrdreg s31  }
.LBB2_6:
0x16: {  	s0 =	simm.s32 $0x2700  }
0x17: {  	[spmem:s2] =	stream.indirect.scatter.add.f32 [tilespmem:s22], [sflag:$0x5], $0x80, s0, s21, $0xb8;
	[tilespmem:$0x1E500] =	vst v63  }
0x18: {  	_ =	swait.ge [sflag:s30], $0x4000  }
0x19: {  	[sflag:s30] =	ssyncset.done $0x0  }
0x1a: {  	[sflag:s30] =	ssyncadd.s32 $0xFFFFC000  }
0x1b: {  	_ =	swait.ge [sflag:s24], $0x80  }
0x1c: {  	[sflag:s24] =	ssyncset.done $0x0  }
0x1d: {  	[sflag:s24] =	ssyncadd.s32 $0xFFFFFF80  }
0x1e: {  	[tilespmem:s25], [sflag:$0x4] =	stream.indirect.gather [hbm4b:s4+s21], $0x80, s19, s21, $0xb8;
	[tilespmem:$0x1E500] =	vst v63  }
0x1f: {  	_ =	swait.ge [sflag:s26], $0x4000  }
0x20: {  	[sflag:s26] =	ssyncset.done $0x0  }
0x21: {  	s31 =	simm.s32 $0x2780;
	[sflag:s26] =	ssyncadd.s32 $0xFFFFC000  }
0x22: {  	[spmem:s2] =	stream.indirect.scatter.add.f32 [tilespmem:s25], [sflag:$0x6], $0x80, s31, s21, $0xb8;
	[tilespmem:$0x1E500] =	vst v63  }
0x23: {  	_ =	swait.ge [sflag:s28], $0x4000  }
0x24: {  	[sflag:s28] =	ssyncset.done $0x0  }
0x25: {  	[sflag:s28] =	ssyncadd.s32 $0xFFFFC000  }
0x26: {  	_ =	swait.ge [sflag:s30], $0x4000  }
0x27: {  	s1 =	sadd.s32 $0x1, s1;
	[sflag:s30] =	ssyncset.done $0x0  }
0x28: {  	p0 =	sne.s32 s1, s14;
	[sflag:s30] =	ssyncadd.s32 $0xFFFFC000  }
.Ltmp1:
0x29: {  	[bflag:$0x0] =	sbarrier.arrive $0xFFFF;
	(pc) =	sbr.rel @!p0 .LBB2_7-.Ltmp1, $4  }
0x2a: {  	[hbm:s13], [sflag:s7] =	dma.local [spmem:s16], $0x2780  }
0x2b: {  	_ =	swait.ge [sflag:s17], $0x2780  }
0x2c: {  	[sflag:s17] =	ssyncset.done $0x0  }
0x2d: {  	[sflag:s17] =	ssyncadd.s32 $0xFFFFD880  }
.LBB2_1:
0x2e: {  	s0 =	rddreg [dreg:$0x3]  }
0x2f: {  	[spmem:s16], [sflag:s7] =	dma.local [hbm:s0], $0x2780  }
0x30: {  	_ =	swait.ge [sflag:s17], $0x2780  }
0x31: {  	[sflag:s17] =	ssyncset.done $0x0  }
0x32: {  	s15 =	rddreg [dreg:$0x4];
	[sflag:s17] =	ssyncadd.s32 $0xFFFFD880  }
0x33: {  	[tilespmem:s3], [sflag:$0x7] =	stream.linear.gather [hbm4b:s15+s3], $0x2800, $0x38;
	[tilespmem:$0x1E500] =	vst v63  }
0x34: {  	_ =	swait.ge [sflag:s17], $0x2800  }
0x35: {  	[sflag:s17] =	ssyncset.done $0x0  }
0x36: {  	[sflag:s17] =	ssyncadd.s32 $0xFFFFD800  }
0x37: {  	[bflag:$0x0] =	sbarrier.arrive $0xFFFF  }
0x38: {  	[tilespmem:s18], [sflag:$0x1] =	stream.linear.gather [hbm4b:s9+s3], $0x80, $0x38;
	[tilespmem:$0x1E500] =	vst v63  }
0x39: {  	s31 =	rddreg [dreg:$0x5]  }
0x3a: {  	[tilespmem:s19], [sflag:$0x2] =	stream.linear.gather [hbm4b:s31+s3], $0x80, $0x38;
	[tilespmem:$0x1E500] =	vst v63  }
.Ltmp2:
0x3b: {  	_ = 	snop;
	(pc) =	sbr.rel .LBB2_2-.Ltmp2, $4  }
0x3c: {  	_ =	swait.ge [sflag:s20], $0x80  }
0x3d: {  	s10 =	simm.s32 $0x0;
	s8 =	simm.s32 $0x0;
	[sflag:s20] =	ssyncset.done $0x0  }
0x3e: {  	s6 =	simm.s32 $0x0;
	s15 =	smov.u32 s29;
	[sflag:s20] =	ssyncadd.s32 $0xFFFFFF80  }
0x3f: {  	[tilespmem:s22], [sflag:$0x3] =	stream.indirect.gather [hbm4b:s4+s21], $0x80, s18, s21, $0xb8;
	[tilespmem:$0x1E500] =	vst v63  }
.LBB2_8:
0x40: {  	s31 =	simm.s32 $0x0  }
0x41: {  	[spmem:s2] =	stream.indirect.scatter.add.f32 [tilespmem:s22], [sflag:$0x5], $0x80, s31, s21, $0xb8;
	[tilespmem:$0x1E500] =	vst v63  }
0x42: {  	s0 =	simm.s32 $0x0  }
0x43: {  	[tilespmem:s18], [sflag:$0x1] =	stream.linear.gather [hbm4b:s11+s31], $0x80, $0x38;
	[tilespmem:$0x1E500] =	vst v63  }
.LBB2_5:
0x44: {  	_ =	swait.ge [sflag:s24], $0x80  }
0x45: {  	[sflag:s24] =	ssyncset.done $0x0  }
0x46: {  	[sflag:s24] =	ssyncadd.s32 $0xFFFFFF80  }
0x47: {  	[tilespmem:s25], [sflag:$0x4] =	stream.indirect.gather [hbm4b:s4+s21], $0x80, s19, s21, $0xb8;
	[tilespmem:$0x1E500] =	vst v63  }
0x48: {  	_ =	swait.ge [sflag:s26], $0x4000  }
0x49: {  	s0 =	sshra.s32 s0, $0x2;
	[sflag:s26] =	ssyncset.done $0x0  }
0x4a: {  	s31 =	sadd.s32 s31, s12;
	s0 =	sadd.s32 $0x80, s0;
	[sflag:s26] =	ssyncadd.s32 $0xFFFFC000  }
0x4b: {  	[spmem:s2] =	stream.indirect.scatter.add.f32 [tilespmem:s25], [sflag:$0x6], $0x80, s0, s21, $0xb8;
	[tilespmem:$0x1E500] =	vst v63  }
0x4c: {  	s0 =	sshrl.u32 s31, $0x3  }
0x4d: {  	s0 =	sadd.s32 s5, s0  }
0x4e: {  	[tilespmem:s19], [sflag:$0x2] =	stream.linear.gather [hbm4b:s0+s3], $0x80, $0x38;
	[tilespmem:$0x1E500] =	vst v63  }
0x4f: {  	_ =	swait.ge [sflag:s28], $0x4000  }
0x50: {  	[sflag:s28] =	ssyncset.done $0x0  }
0x51: {  	[sflag:s28] =	ssyncadd.s32 $0xFFFFC000  }
0x52: {  	_ =	swait.ge [sflag:s20], $0x80  }
0x53: {  	s6 =	sadd.s32 $0x1, s6;
	s8 =	sadd.s32 $0x100, s8;
	[sflag:s20] =	ssyncset.done $0x0  }
0x54: {  	s15 =	sadd.s32 $0x20, s15;
	s10 =	sadd.s32 $0x400, s10;
	[sflag:s20] =	ssyncadd.s32 $0xFFFFFF80  }
0x55: {  	[tilespmem:s22], [sflag:$0x3] =	stream.indirect.gather [hbm4b:s4+s21], $0x80, s18, s21, $0xb8;
	[tilespmem:$0x1E500] =	vst v63  }
.LBB2_2:
0x56: {  	p0 =	seq.s32 s6, $0x0  }
.Ltmp3:
0x57: {  	_ = 	snop;
	(pc) =	sbr.rel @p0 .LBB2_8-.Ltmp3, $4  }
0x58: {  	_ = 	snop  }
0x59: {  	_ =	swait.ge [sflag:s23], $0x4000  }
0x5a: {  	[sflag:s23] =	ssyncset.done $0x0  }
0x5b: {  	[sflag:s23] =	ssyncadd.s32 $0xFFFFC000  }
0x5c: {  	p0 =	seq.s32 s6, $0x27  }
.Ltmp4:
0x5d: {  	_ = 	snop;
	(pc) =	sbr.rel @p0 .LBB2_6-.Ltmp4, $1  }
0x5e: {  	_ =	sdelay $0x3  }
0x5f: {  	s0 =	sshra.s32 s10, $0x2  }
0x60: {  	[spmem:s2] =	stream.indirect.scatter.add.f32 [tilespmem:s22], [sflag:$0x5], $0x80, s0, s21, $0xb8;
	[tilespmem:$0x1E500] =	vst v63  }
.Ltmp5:
0x61: {  	_ = 	snop;
	(pc) =	sbr.rel .LBB2_5-.Ltmp5, $4  }
0x62: {  	[tilespmem:s18], [sflag:$0x1] =	stream.linear.gather [hbm4b:s15+s3], $0x80, $0x38;
	[tilespmem:$0x1E500] =	vst v63  }
0x63: {  	_ =	swait.ge [sflag:s30], $0x4000  }
0x64: {  	[sflag:s30] =	ssyncset.done $0x0  }
0x65: {  	s31 =	smov.u32 s8;
	s0 =	smov.u32 s10;
	[sflag:s30] =	ssyncadd.s32 $0xFFFFC000  }
.LBB2_7:
0x66: {  	_ =	sfence.sel $0x180000  }
0x67: {  	[bflag:$0x0] =	sbarrier.arrive $0xFFFF  }
0x68: {  	_ =	strace $0x90000050  }
0x69: {  	s0 =	stileid.u32;
	[bflag:$0x2] =	sbarrier.arrive $0xFFFF  }
0x6a: {  	p0 =	sne.s32 s0, $0x0;
	s0 =	rddreg [dreg:$0x2]  }
0x6b: {  	s0 =	sadd.s32 @!p0 $0x100000, s0  }
0x6c: {  	[sflag:s0] =	ssyncadd.tile.s32 @!p0 $0x1;
	_ =	shalt  }
.Lfunc_end2:
_tile_overlayer_lowered:
.L_overlay_start_2:
0x6d: {  	(tag) =	ssettag $0x2  }
0x6e: {  	s0 =	rddreg [dreg:$0x0];
	s2 =	stileid.u32  }
0x6f: {  	s1 =	rddreg [dreg:$0x1];
	p0 =	sne.s32 s2, $0x0  }
0x70: {  	s3 =	rddreg [dreg:$0x2];
	[bflag:$0x3] =	sbarrier.arrive $0xFFFF;
	s2 =	simm.s32 @!p0 $0x1C07  }
0x71: {  	[timem:s3], [sflag:s2] =	dma.local @!p0 [hbm:s0], s1  }
0x72: {  	s0 =	simm.s32 @!p0 $0x7  }
0x73: {  	_ =	swait.ge @!p0 [sflag:s0], s1  }
0x74: {  	s1 =	ssub.s32 @!p0 $0x0, s1;
	[sflag:s0] =	ssyncset.done @!p0 $0x0  }
0x75: {  	[sflag:s0] =	ssyncadd.s32 @!p0 s1  }
0x76: {  	[bflag:$0x3] =	sbarrier.arrive $0xFFFF  }
0x77: {  	_ =	shalt  }

// kernel: _run.20.cloned.1.call-start
scs
__scs_entry_jumppad:
0x0: {  	(pc) =	sbr.rel $0x88, $3  }
0x1: {  	(tag) =	ssettag $0x0;
	lr =	simm.s32 $0x1  }
0x2: {  	[smem:$0x3F92] =	sst lr;
	_ =	strace $0xD0000000  }
0x3: {  	_ = 	snop  }
0x4: {  	_ = 	snop  }
0x5: {  	_ = 	snop  }
0x6: {  	_ = 	snop  }
0x7: {  	_ = 	snop  }
__scs_overlays_trampoline_lowered:
0x8: {  	[smem:$0x3FA1] =	sst s0  }
0x9: {  	[smem:$0x3FA2] =	sst s1  }
0xa: {  	[smem:$0x3FA3] =	sst s2  }
0xb: {  	[smem:$0x3FA4] =	sst s3  }
0xc: {  	[smem:$0x3FA5] =	sst s4  }
0xd: {  	[smem:$0x3FA6] =	sst s5  }
0xe: {  	[smem:$0x3FA7] =	sst s6  }
0xf: {  	[smem:$0x3FA8] =	sst s7  }
0x10: {  	[smem:$0x3FA9] =	sst s8  }
0x11: {  	[smem:$0x3FAA] =	sst s9;
	s0 =	simm.s32 @!p0 $0x0  }
0x12: {  	s1 =	sld [smem:$0x3F90];
	s0 =	simm.s32 @p0 $0x1  }
0x13: {  	[smem:$0x3FAB] =	sst s0;
	s0 =	simm.s32 @!p1 $0x0  }
0x14: {  	s2 =	sld [smem:$0x3F8F];
	s0 =	simm.s32 @p1 $0x1  }
0x15: {  	[smem:$0x3FAC] =	sst s0;
	s0 =	simm.s32 @!p2 $0x0  }
0x16: {  	s3 =	sld [smem:$0x3FDB];
	s0 =	simm.s32 @p2 $0x1  }
0x17: {  	s4 =	simm.s32 $0x1BF5;
	[smem:$0x3FAE] =	sst s0  }
0x18: {  	s0 =	sld [smem:$0x3F91];
	_ =	swait.ge [sflag:s4], $0x0  }
0x19: {  	s7 =	sld [smem:$0x3F92]  }
0x1a: {  	s8 =	sadd.s32 $0xFFFFE003, lr  }
0x1b: {  	s9 =	sadd.s32 $0xFFFFFEF7, lr;
	s5 =	simm.s32 $0xFFFFFFFF;
	p2 =	slt.u32 s8, $0xFFFFF086  }
0x1c: {  	p1 =	slt.u32 s9, $0xF7A;
	s5 =	simm.s32 @!p2 $0x0  }
0x1d: {  	s5 =	simm.s32 @p1 $0x1;
	p0 =	seq.s32 s7, s2  }
0x1e: {  	s7 =	smul.u32 @!p0 $0xF7A, s2;
	p2 =	seq.s32 @!p0 s5, $0x0  }
0x1f: {  	s9 =	smul.u32 $0xF7A, s1;
	s8 =	simm.s32 @!p0 $0x1BF5;
	p2 =	por !p2, p0  }
0x20: {  	[sflag:s8] =	ssyncset.s32 @!p0 $0xFFFFF086;
	s6 =	sadd.s32 @!p0 s3, s7;
	s7 =	simm.s32 @!p0 $0x108  }
0x21: {  	s3 =	sadd.s32 s3, s9;
	s6 =	sadd.s32 @!p0 $0x88, s6;
	s7 =	simm.s32 @p2 $0x1082  }
0x22: {  	[simem:s7], [sflag:s8] =	dma.local @!p0 [hbm:s6], $0xF7A  }
0x23: {  	s9 =	sor.u32 $0xD0000000, s2;
	s6 =	simm.s32 $0x108;
	_ =	swait.ge @!p0 [sflag:s8], $0x0  }
0x24: {  	s3 =	sadd.s32 $0x88, s3;
	s6 =	simm.s32 @!p1 $0x1082;
	[sflag:s4] =	ssyncset.s32 $0xFFFFF086  }
0x25: {  	[simem:s6], [sflag:s4] =	dma.local [hbm:s3], $0xF7A  }
0x26: {  	[smem:$0x3F92] =	sst s1;
	(tag) =	ssettag s2;
	_ =	strace s9  }
0x27: {  	s1 =	sld [smem:$0x3FA2]  }
0x28: {  	s2 =	sld [smem:$0x3FA3]  }
0x29: {  	s4 =	sld [smem:$0x3FA5]  }
0x2a: {  	p0 =	seq.s32 s5, $0x0;
	s5 =	sld [smem:$0x3FA6]  }
0x2b: {  	s6 =	sld [smem:$0x3FA7]  }
0x2c: {  	s7 =	sld [smem:$0x3FA8]  }
0x2d: {  	s3 =	simm.s32 $0x108;
	s8 =	sld [smem:$0x3FA9]  }
0x2e: {  	s3 =	simm.s32 @!p0 $0x1082;
	s9 =	sld [smem:$0x3FAA]  }
0x2f: {  	lr =	sadd.s32 s0, s3;
	s0 =	sld [smem:$0x3FA1]  }
0x30: {  	s3 =	sld [smem:$0x3FA4]  }
0x31: {  	[smem:$0x3FAD] =	sst s10  }
0x32: {  	s10 =	sld [smem:$0x3FAB];
	_ =	sdelay $0x3  }
0x33: {  	p0 =	seq.s32 s10, $0x1;
	s10 =	sld [smem:$0x3FAD];
	_ =	sdelay $0x3  }
0x34: {  	[smem:$0x3FAD] =	sst s10  }
0x35: {  	s10 =	sld [smem:$0x3FAC];
	_ =	sdelay $0x3  }
0x36: {  	p1 =	seq.s32 s10, $0x1;
	s10 =	sld [smem:$0x3FAD];
	_ =	sdelay $0x3  }
0x37: {  	[smem:$0x3FAD] =	sst s10  }
0x38: {  	s10 =	sld [smem:$0x3FAE]  }
0x39: {  	_ = 	snop;
	(pc) =	sbr.ind lr, $3  }
0x3a: {  	_ = 	snop  }
0x3b: {  	_ = 	snop  }
0x3c: {  	p2 =	seq.s32 s10, $0x1;
	s10 =	sld [smem:$0x3FAD]  }
0x3d: {  	_ =	shalt  }
0x3e: {  	_ =	shalt  }
0x3f: {  	_ =	shalt  }
0x40: {  	_ =	shalt  }
0x41: {  	_ =	shalt  }
0x42: {  	_ =	shalt  }
0x43: {  	_ =	shalt  }
0x44: {  	_ =	shalt  }
0x45: {  	_ =	shalt  }
0x46: {  	_ =	shalt  }
0x47: {  	_ =	shalt  }
0x48: {  	_ =	shalt  }
0x49: {  	_ =	shalt  }
0x4a: {  	_ =	shalt  }
0x4b: {  	_ =	shalt  }
0x4c: {  	_ =	shalt  }
0x4d: {  	_ =	shalt  }
0x4e: {  	_ =	shalt  }
0x4f: {  	_ =	shalt  }
0x50: {  	_ =	shalt  }
0x51: {  	_ =	shalt  }
0x52: {  	_ =	shalt  }
0x53: {  	_ =	shalt  }
0x54: {  	_ =	shalt  }
0x55: {  	_ =	shalt  }
0x56: {  	_ =	shalt  }
0x57: {  	_ =	shalt  }
0x58: {  	_ =	shalt  }
0x59: {  	_ =	shalt  }
0x5a: {  	_ =	shalt  }
0x5b: {  	_ =	shalt  }
0x5c: {  	_ =	shalt  }
0x5d: {  	_ =	shalt  }
0x5e: {  	_ =	shalt  }
0x5f: {  	_ =	shalt  }
0x60: {  	_ =	shalt  }
0x61: {  	_ =	shalt  }
0x62: {  	_ =	shalt  }
0x63: {  	_ =	shalt  }
0x64: {  	_ =	shalt  }
0x65: {  	_ =	shalt  }
0x66: {  	_ =	shalt  }
0x67: {  	_ =	shalt  }
0x68: {  	_ =	shalt  }
0x69: {  	_ =	shalt  }
0x6a: {  	_ =	shalt  }
0x6b: {  	_ =	shalt  }
0x6c: {  	_ =	shalt  }
0x6d: {  	_ =	shalt  }
0x6e: {  	_ =	shalt  }
0x6f: {  	_ =	shalt  }
0x70: {  	_ =	shalt  }
0x71: {  	_ =	shalt  }
0x72: {  	_ =	shalt  }
0x73: {  	_ =	shalt  }
0x74: {  	_ =	shalt  }
0x75: {  	_ =	shalt  }
0x76: {  	_ =	shalt  }
0x77: {  	_ =	shalt  }
0x78: {  	_ =	shalt  }
0x79: {  	_ =	shalt  }
0x7a: {  	_ =	shalt  }
0x7b: {  	_ =	shalt  }
0x7c: {  	_ =	shalt  }
0x7d: {  	_ =	shalt  }
0x7e: {  	_ =	shalt  }
0x7f: {  	_ =	shalt  }
0x80: {  	_ =	shalt  }
0x81: {  	_ =	shalt  }
0x82: {  	_ =	shalt  }
0x83: {  	_ =	shalt  }
0x84: {  	_ =	shalt  }
0x85: {  	_ =	shalt  }
0x86: {  	_ =	shalt  }
0x87: {  	_ =	shalt  }
.Lfunc_end0:
.L_simem_size_0:
called_computation.5_lowered:
.L_overlay_start_0:
0x88: {  	s2 =	sld [smem:$0x3FD9]  }
0x89: {  	s3 =	sld [smem:$0x3FFE];
	_ =	sdelay $0x1  }
0x8a: {  	s1 =	srdreg.scid  }
0x8b: {  	s0 =	sand.u32 $0x1, s1  }
0x8c: {  	s16 =	sshll.u32 s0, $0xA;
	s2 =	sadd.s32 s3, s2  }
0x8d: {  	s2 =	sadd.s32 s2, s16  }
0x8e: {  	[smem:$0x3FB9] =	sst s2  }
0x8f: {  	_ = 	snop  }
0x90: {  	(tm) =	ssettm $0x1  }
0x91: {  	s17 =	sld [smem:$0x3FFB];
	_ =	sdelay $0x3  }
0x92: {  	_ =	strace s17  }
0x93: {  	s2 =	sld [smem:$0x3FFC];
	_ =	sdelay $0x3  }
0x94: {  	_ =	strace s2  }
0x95: {  	s2 =	sld [smem:$0x3FFD];
	_ =	sdelay $0x3  }
0x96: {  	_ =	strace s2  }
0x97: {  	_ =	strace $0x8FFFFFFF  }
0x98: {  	s18 =	sld [smem:$0x3FDB];
	_ =	sdelay $0x1  }
0x99: {  	s19 =	simm.s32 $_scs_section_size  }
0x9a: {  	s4 =	simm.s32 $_size__tile_overlayer_lowered;
	s5 =	simm.s32 $_tile_overlayer_lowered  }
0x9b: {  	s22 =	simm.s32 $0x1BFF;
	s21 =	sshll.u32 s5, $0x1;
	s2 =	sadd.s32 s19, s18  }
0x9c: {  	s6 =	simm.s32 $0x0;
	s20 =	sshll.u32 s4, $0x1;
	s4 =	sadd.s32 s21, s2  }
0x9d: {  	[timem:s6], [sflag:s22] =	dma.local [hbm:s4], s20  }
0x9e: {  	_ =	swait.ge [sflag:s22], s20  }
0x9f: {  	s3 =	ssub.s32 $0x0, s20;
	[sflag:s22] =	ssyncset.done $0x0  }
0xa0: {  	[sflag:s22] =	ssyncadd.s32 s3;
	_ =	sdelay $0x1  }
0xa1: {  	s23 =	simm.s32 $0x1B8B  }
0xa2: {  	_ =	swait.ge [sflag:s23], $0x1  }
0xa3: {  	[sflag:s23] =	ssyncset.done $0x0  }
0xa4: {  	s25 =	simm.s32 $0x1B8E;
	s24 =	sld [smem:$0x3FFE];
	[sflag:s23] =	ssyncadd.s32 $0xFFFFFFFF  }
0xa5: {  	s26 =	simm.s32 $execute0_lowered;
	[smem:$0x3FD2] =	sst s25  }
0xa6: {  	s4 =	sshll.u32 s26, $0x1;
	_ =	strace $0x80000055;
	[dreg:$0x1] =	wrdreg $0xFFFFFFFF  }
0xa7: {  	s28 =	simm.s32 $_size_execute0_lowered;
	s2 =	sadd.s32 s2, s4;
	[dreg:$0x0] =	wrdreg $0x0  }
0xa8: {  	s4 =	sshll.u32 s28, $0x1;
	[dreg:$0x2] =	wrdreg s2  }
0xa9: {  	[dreg:$0x3] =	wrdreg s4  }
0xaa: {  	[dreg:$0x4] =	wrdreg $0xC0  }
0xab: {  	_ =	task [dreg:s6], $0x5FFFF  }
0xac: {  	[dreg:$0x1] =	wrdreg $0xFFFFFFFF  }
0xad: {  	[dreg:$0x0] =	wrdreg $0x60  }
0xae: {  	[dreg:$0x2] =	wrdreg s24  }
0xaf: {  	[dreg:$0x3] =	wrdreg $0xA9000  }
0xb0: {  	[dreg:$0x4] =	wrdreg $0x9  }
0xb1: {  	_ =	task.clear_ibuf [dreg:s6], $0x5FFFF;
	_ =	strace $0x90000055  }
0xb2: {  	s29 =	simm.s32 $0x9;
	_ =	strace $0x80000057  }
0xb3: {  	_ =	swait.ge [sflag:s29], $0x1  }
0xb4: {  	[sflag:s29] =	ssyncadd.s32 $0xFFFFFFFF  }
0xb5: {  	_ =	strace $0x90000057  }
0xb6: {  	_ =	sfence  }
0xb7: {  	s30 =	sld [smem:$0x0];
	_ =	sdelay $0x2  }
0xb8: {  	s31 =	sshll.u32 s1, $0xD;
	s1 =	sshrl.u32 s1, $0x2  }
0xb9: {  	s3 =	sand.u32 $0x4000, s31;
	s1 =	sadd.s32 s1, s30  }
0xba: {  	s0 =	sor.u32 s3, s0;
	s1 =	sshll.u32 s1, $0x11  }
0xbb: {  	s0 =	sor.u32 s1, s0  }
0xbc: {  	s0 =	sadd.s32 $0x8F2B, s0  }
0xbd: {  	[sflag:s0] =	ssyncadd.remote.s32 $0x1  }
0xbe: {  	_ =	sfence.sel $0xFFFF  }
0xbf: {  	[dreg:$0x0] =	wrdreg $0xFFFFFFFF;
	(pc) =	sbr.abs _section_cstart, $3  }
0xc0: {  	[dreg:$0x1] =	wrdreg $0xFFFFFFFF  }
0xc1: {  	_ =	task.clear_ibuf [dreg:s6], $0x2FFFF;
	_ =	strace $0x9FFFFFFF  }
0xc2: {  	(tm) =	ssettm $0x7FFFFFFF  }
0xc3: {  	_ =	shalt  }
tec
execute0_lowered:
.L_overlay_start_1:
0x0: {  	(tag) =	ssettag $0x1  }
0x1: {  	s0 =	srdreg.scid  }
0x2: {  	s1 =	rddreg [dreg:$0x0];
	s13 =	stileid.u32  }
0x3: {  	s2 =	rddreg [dreg:$0x1];
	s17 =	simm.s32 $0x7;
	s18 =	simm.s32 $0x2800  }
0x4: {  	s19 =	simm.s32 $0x2880;
	s20 =	simm.s32 $0x1;
	s21 =	simm.s32 $0x80  }
0x5: {  	s22 =	simm.s32 $0x2900;
	s23 =	simm.s32 $0x3;
	s28 =	simm.s32 $0x5  }
0x6: {  	s30 =	simm.s32 $0x6;
	s0 =	sand.u32 $0x1, s0;
	s8 =	smul.u32 $0x13C00, s13  }
0x7: {  	s5 =	sadd.s32 $0x7B400, s1;
	s11 =	sadd.s32 $0xE000, s1;
	s25 =	smul.u32 $0x4F000, s13  }
0x8: {  	s12 =	sshll.u32 s13, $0x6;
	s3 =	sshll.u32 s0, $0x4;
	s7 =	smul.u32 $0x13C000, s0  }
0x9: {  	s24 =	ssub.s32 $0x2, s0;
	s0 =	smul.u32 $0x28000, s0;
	s4 =	sor.u32 s13, s3  }
0xa: {  	s3 =	simm.s32 $0x0;
	s26 =	sshrl.u32 s24, $0x1;
	s13 =	smul.u32 $0x2800, s13  }
0xb: {  	s6 =	smul.u32 $0x2800, s4;
	[smem:$0x7FF] =	sst s3;
	s4 =	sadd.s32 $0x85400, s1  }
0xc: {  	s7 =	sadd.s32 s8, s7;
	s8 =	ssub.s32 s24, s26;
	s24 =	simm.s32 $0x2  }
0xd: {  	s26 =	simm.s32 $0x4;
	_ =	strace $0x80000056;
	[dreg:$0x3] =	wrdreg s11  }
0xe: {  	s7 =	sshrl.u32 s7, $0x3;
	s11 =	sshrl.u32 s25, $0x2;
	s0 =	sadd.s32 s13, s0  }
0xf: {  	s14 =	smax.u32 s8, $0x1;
	s25 =	simm.s32 $0x6900;
	s9 =	sshrl.u32 s6, $0x3  }
0x10: {  	s15 =	sadd.s32 s11, s2;
	s0 =	sor.u32 $0x100, s0;
	s10 =	sadd.s32 s9, s1  }
.Ltmp0:
0x11: {  	s1 =	sadd.s32 s7, s1;
	s7 =	sor.u32 $0x1C07, s12;
	(pc) =	sbr.rel .LBB2_1-.Ltmp0, $4  }
0x12: {  	s9 =	sadd.s32 s5, s9;
	s12 =	sor.u32 $0x180, s6;
	s0 =	sshrl.u32 s0, $0x3  }
0x13: {  	s16 =	sshrl.u32 s15, $0x3;
	s10 =	sadd.s32 $0x4000, s10;
	s31 =	sadd.s32 $0x10, s9  }
0x14: {  	s11 =	sadd.s32 $0x20, s9;
	s13 =	sadd.s32 $0x22A00, s1;
	[dreg:$0x4] =	wrdreg s10  }
0x15: {  	s29 =	sadd.s32 s0, s5;
	s1 =	simm.s32 $0x0;
	[dreg:$0x5] =	wrdreg s31  }
.LBB2_6:
0x16: {  	s0 =	simm.s32 $0x2700  }
0x17: {  	[spmem:s2] =	stream.indirect.scatter.add.f32 [tilespmem:s22], [sflag:$0x5], $0x80, s0, s21, $0xb8;
	[tilespmem:$0x1E500] =	vst v63  }
0x18: {  	_ =	swait.ge [sflag:s30], $0x4000  }
0x19: {  	[sflag:s30] =	ssyncset.done $0x0  }
0x1a: {  	[sflag:s30] =	ssyncadd.s32 $0xFFFFC000  }
0x1b: {  	_ =	swait.ge [sflag:s24], $0x80  }
0x1c: {  	[sflag:s24] =	ssyncset.done $0x0  }
0x1d: {  	[sflag:s24] =	ssyncadd.s32 $0xFFFFFF80  }
0x1e: {  	[tilespmem:s25], [sflag:$0x4] =	stream.indirect.gather [hbm4b:s4+s21], $0x80, s19, s21, $0xb8;
	[tilespmem:$0x1E500] =	vst v63  }
0x1f: {  	_ =	swait.ge [sflag:s26], $0x4000  }
0x20: {  	[sflag:s26] =	ssyncset.done $0x0  }
0x21: {  	s31 =	simm.s32 $0x2780;
	[sflag:s26] =	ssyncadd.s32 $0xFFFFC000  }
0x22: {  	[spmem:s2] =	stream.indirect.scatter.add.f32 [tilespmem:s25], [sflag:$0x6], $0x80, s31, s21, $0xb8;
	[tilespmem:$0x1E500] =	vst v63  }
0x23: {  	_ =	swait.ge [sflag:s28], $0x4000  }
0x24: {  	[sflag:s28] =	ssyncset.done $0x0  }
0x25: {  	[sflag:s28] =	ssyncadd.s32 $0xFFFFC000  }
0x26: {  	_ =	swait.ge [sflag:s30], $0x4000  }
0x27: {  	s1 =	sadd.s32 $0x1, s1;
	[sflag:s30] =	ssyncset.done $0x0  }
0x28: {  	p0 =	sne.s32 s1, s14;
	[sflag:s30] =	ssyncadd.s32 $0xFFFFC000  }
.Ltmp1:
0x29: {  	[bflag:$0x0] =	sbarrier.arrive $0xFFFF;
	(pc) =	sbr.rel @!p0 .LBB2_7-.Ltmp1, $4  }
0x2a: {  	[hbm:s13], [sflag:s7] =	dma.local [spmem:s16], $0x2780  }
0x2b: {  	_ =	swait.ge [sflag:s17], $0x2780  }
0x2c: {  	[sflag:s17] =	ssyncset.done $0x0  }
0x2d: {  	[sflag:s17] =	ssyncadd.s32 $0xFFFFD880  }
.LBB2_1:
0x2e: {  	s0 =	rddreg [dreg:$0x3]  }
0x2f: {  	[spmem:s16], [sflag:s7] =	dma.local [hbm:s0], $0x2780  }
0x30: {  	_ =	swait.ge [sflag:s17], $0x2780  }
0x31: {  	[sflag:s17] =	ssyncset.done $0x0  }
0x32: {  	s15 =	rddreg [dreg:$0x4];
	[sflag:s17] =	ssyncadd.s32 $0xFFFFD880  }
0x33: {  	[tilespmem:s3], [sflag:$0x7] =	stream.linear.gather [hbm4b:s15+s3], $0x2800, $0x38;
	[tilespmem:$0x1E500] =	vst v63  }
0x34: {  	_ =	swait.ge [sflag:s17], $0x2800  }
0x35: {  	[sflag:s17] =	ssyncset.done $0x0  }
0x36: {  	[sflag:s17] =	ssyncadd.s32 $0xFFFFD800  }
0x37: {  	[bflag:$0x0] =	sbarrier.arrive $0xFFFF  }
0x38: {  	[tilespmem:s18], [sflag:$0x1] =	stream.linear.gather [hbm4b:s9+s3], $0x80, $0x38;
	[tilespmem:$0x1E500] =	vst v63  }
0x39: {  	s31 =	rddreg [dreg:$0x5]  }
0x3a: {  	[tilespmem:s19], [sflag:$0x2] =	stream.linear.gather [hbm4b:s31+s3], $0x80, $0x38;
	[tilespmem:$0x1E500] =	vst v63  }
.Ltmp2:
0x3b: {  	_ = 	snop;
	(pc) =	sbr.rel .LBB2_2-.Ltmp2, $4  }
0x3c: {  	_ =	swait.ge [sflag:s20], $0x80  }
0x3d: {  	s10 =	simm.s32 $0x0;
	s8 =	simm.s32 $0x0;
	[sflag:s20] =	ssyncset.done $0x0  }
0x3e: {  	s6 =	simm.s32 $0x0;
	s15 =	smov.u32 s29;
	[sflag:s20] =	ssyncadd.s32 $0xFFFFFF80  }
0x3f: {  	[tilespmem:s22], [sflag:$0x3] =	stream.indirect.gather [hbm4b:s4+s21], $0x80, s18, s21, $0xb8;
	[tilespmem:$0x1E500] =	vst v63  }
.LBB2_8:
0x40: {  	s31 =	simm.s32 $0x0  }
0x41: {  	[spmem:s2] =	stream.indirect.scatter.add.f32 [tilespmem:s22], [sflag:$0x5], $0x80, s31, s21, $0xb8;
	[tilespmem:$0x1E500] =	vst v63  }
0x42: {  	s0 =	simm.s32 $0x0  }
0x43: {  	[tilespmem:s18], [sflag:$0x1] =	stream.linear.gather [hbm4b:s11+s31], $0x80, $0x38;
	[tilespmem:$0x1E500] =	vst v63  }
.LBB2_5:
0x44: {  	_ =	swait.ge [sflag:s24], $0x80  }
0x45: {  	[sflag:s24] =	ssyncset.done $0x0  }
0x46: {  	[sflag:s24] =	ssyncadd.s32 $0xFFFFFF80  }
0x47: {  	[tilespmem:s25], [sflag:$0x4] =	stream.indirect.gather [hbm4b:s4+s21], $0x80, s19, s21, $0xb8;
	[tilespmem:$0x1E500] =	vst v63  }
0x48: {  	_ =	swait.ge [sflag:s26], $0x4000  }
0x49: {  	s0 =	sshra.s32 s0, $0x2;
	[sflag:s26] =	ssyncset.done $0x0  }
0x4a: {  	s31 =	sadd.s32 s31, s12;
	s0 =	sadd.s32 $0x80, s0;
	[sflag:s26] =	ssyncadd.s32 $0xFFFFC000  }
0x4b: {  	[spmem:s2] =	stream.indirect.scatter.add.f32 [tilespmem:s25], [sflag:$0x6], $0x80, s0, s21, $0xb8;
	[tilespmem:$0x1E500] =	vst v63  }
0x4c: {  	s0 =	sshrl.u32 s31, $0x3  }
0x4d: {  	s0 =	sadd.s32 s5, s0  }
0x4e: {  	[tilespmem:s19], [sflag:$0x2] =	stream.linear.gather [hbm4b:s0+s3], $0x80, $0x38;
	[tilespmem:$0x1E500] =	vst v63  }
0x4f: {  	_ =	swait.ge [sflag:s28], $0x4000  }
0x50: {  	[sflag:s28] =	ssyncset.done $0x0  }
0x51: {  	[sflag:s28] =	ssyncadd.s32 $0xFFFFC000  }
0x52: {  	_ =	swait.ge [sflag:s20], $0x80  }
0x53: {  	s6 =	sadd.s32 $0x1, s6;
	s8 =	sadd.s32 $0x100, s8;
	[sflag:s20] =	ssyncset.done $0x0  }
0x54: {  	s15 =	sadd.s32 $0x20, s15;
	s10 =	sadd.s32 $0x400, s10;
	[sflag:s20] =	ssyncadd.s32 $0xFFFFFF80  }
0x55: {  	[tilespmem:s22], [sflag:$0x3] =	stream.indirect.gather [hbm4b:s4+s21], $0x80, s18, s21, $0xb8;
	[tilespmem:$0x1E500] =	vst v63  }
.LBB2_2:
0x56: {  	p0 =	seq.s32 s6, $0x0  }
.Ltmp3:
0x57: {  	_ = 	snop;
	(pc) =	sbr.rel @p0 .LBB2_8-.Ltmp3, $4  }
0x58: {  	_ = 	snop  }
0x59: {  	_ =	swait.ge [sflag:s23], $0x4000  }
0x5a: {  	[sflag:s23] =	ssyncset.done $0x0  }
0x5b: {  	[sflag:s23] =	ssyncadd.s32 $0xFFFFC000  }
0x5c: {  	p0 =	seq.s32 s6, $0x27  }
.Ltmp4:
0x5d: {  	_ = 	snop;
	(pc) =	sbr.rel @p0 .LBB2_6-.Ltmp4, $1  }
0x5e: {  	_ =	sdelay $0x3  }
0x5f: {  	s0 =	sshra.s32 s10, $0x2  }
0x60: {  	[spmem:s2] =	stream.indirect.scatter.add.f32 [tilespmem:s22], [sflag:$0x5], $0x80, s0, s21, $0xb8;
	[tilespmem:$0x1E500] =	vst v63  }
.Ltmp5:
0x61: {  	_ = 	snop;
	(pc) =	sbr.rel .LBB2_5-.Ltmp5, $4  }
0x62: {  	[tilespmem:s18], [sflag:$0x1] =	stream.linear.gather [hbm4b:s15+s3], $0x80, $0x38;
	[tilespmem:$0x1E500] =	vst v63  }
0x63: {  	_ =	swait.ge [sflag:s30], $0x4000  }
0x64: {  	[sflag:s30] =	ssyncset.done $0x0  }
0x65: {  	s31 =	smov.u32 s8;
	s0 =	smov.u32 s10;
	[sflag:s30] =	ssyncadd.s32 $0xFFFFC000  }
.LBB2_7:
0x66: {  	_ =	sfence.sel $0x180000  }
0x67: {  	[bflag:$0x0] =	sbarrier.arrive $0xFFFF  }
0x68: {  	_ =	strace $0x90000056  }
0x69: {  	s0 =	stileid.u32;
	[bflag:$0x2] =	sbarrier.arrive $0xFFFF  }
0x6a: {  	p0 =	sne.s32 s0, $0x0;
	s0 =	rddreg [dreg:$0x2]  }
0x6b: {  	s0 =	sadd.s32 @!p0 $0x100000, s0  }
0x6c: {  	[sflag:s0] =	ssyncadd.tile.s32 @!p0 $0x1;
	_ =	shalt  }
.Lfunc_end2:
_tile_overlayer_lowered:
.L_overlay_start_2:
0x6d: {  	(tag) =	ssettag $0x2  }
0x6e: {  	s0 =	rddreg [dreg:$0x0];
	s2 =	stileid.u32  }
0x6f: {  	s1 =	rddreg [dreg:$0x1];
	p0 =	sne.s32 s2, $0x0  }
0x70: {  	s3 =	rddreg [dreg:$0x2];
	[bflag:$0x3] =	sbarrier.arrive $0xFFFF;
	s2 =	simm.s32 @!p0 $0x1C07  }
0x71: {  	[timem:s3], [sflag:s2] =	dma.local @!p0 [hbm:s0], s1  }
0x72: {  	s0 =	simm.s32 @!p0 $0x7  }
0x73: {  	_ =	swait.ge @!p0 [sflag:s0], s1  }
0x74: {  	s1 =	ssub.s32 @!p0 $0x0, s1;
	[sflag:s0] =	ssyncset.done @!p0 $0x0  }
0x75: {  	[sflag:s0] =	ssyncadd.s32 @!p0 s1  }
0x76: {  	[bflag:$0x3] =	sbarrier.arrive $0xFFFF  }
0x77: {  	_ =	shalt  }

// kernel: _run.23.cloned.1.call-start
scs
__scs_entry_jumppad:
0x0: {  	(pc) =	sbr.rel $0x88, $3  }
0x1: {  	(tag) =	ssettag $0x0;
	lr =	simm.s32 $0x1  }
0x2: {  	[smem:$0x3F92] =	sst lr;
	_ =	strace $0xD0000000  }
0x3: {  	_ = 	snop  }
0x4: {  	_ = 	snop  }
0x5: {  	_ = 	snop  }
0x6: {  	_ = 	snop  }
0x7: {  	_ = 	snop  }
__scs_overlays_trampoline_lowered:
0x8: {  	[smem:$0x3FA1] =	sst s0  }
0x9: {  	[smem:$0x3FA2] =	sst s1  }
0xa: {  	[smem:$0x3FA3] =	sst s2  }
0xb: {  	[smem:$0x3FA4] =	sst s3  }
0xc: {  	[smem:$0x3FA5] =	sst s4  }
0xd: {  	[smem:$0x3FA6] =	sst s5  }
0xe: {  	[smem:$0x3FA7] =	sst s6  }
0xf: {  	[smem:$0x3FA8] =	sst s7  }
0x10: {  	[smem:$0x3FA9] =	sst s8  }
0x11: {  	[smem:$0x3FAA] =	sst s9;
	s0 =	simm.s32 @!p0 $0x0  }
0x12: {  	s1 =	sld [smem:$0x3F90];
	s0 =	simm.s32 @p0 $0x1  }
0x13: {  	[smem:$0x3FAB] =	sst s0;
	s0 =	simm.s32 @!p1 $0x0  }
0x14: {  	s2 =	sld [smem:$0x3F8F];
	s0 =	simm.s32 @p1 $0x1  }
0x15: {  	[smem:$0x3FAC] =	sst s0;
	s0 =	simm.s32 @!p2 $0x0  }
0x16: {  	s3 =	sld [smem:$0x3FDB];
	s0 =	simm.s32 @p2 $0x1  }
0x17: {  	s4 =	simm.s32 $0x1BF5;
	[smem:$0x3FAE] =	sst s0  }
0x18: {  	s0 =	sld [smem:$0x3F91];
	_ =	swait.ge [sflag:s4], $0x0  }
0x19: {  	s7 =	sld [smem:$0x3F92]  }
0x1a: {  	s8 =	sadd.s32 $0xFFFFE003, lr  }
0x1b: {  	s9 =	sadd.s32 $0xFFFFFEF7, lr;
	s5 =	simm.s32 $0xFFFFFFFF;
	p2 =	slt.u32 s8, $0xFFFFF086  }
0x1c: {  	p1 =	slt.u32 s9, $0xF7A;
	s5 =	simm.s32 @!p2 $0x0  }
0x1d: {  	s5 =	simm.s32 @p1 $0x1;
	p0 =	seq.s32 s7, s2  }
0x1e: {  	s7 =	smul.u32 @!p0 $0xF7A, s2;
	p2 =	seq.s32 @!p0 s5, $0x0  }
0x1f: {  	s9 =	smul.u32 $0xF7A, s1;
	s8 =	simm.s32 @!p0 $0x1BF5;
	p2 =	por !p2, p0  }
0x20: {  	[sflag:s8] =	ssyncset.s32 @!p0 $0xFFFFF086;
	s6 =	sadd.s32 @!p0 s3, s7;
	s7 =	simm.s32 @!p0 $0x108  }
0x21: {  	s3 =	sadd.s32 s3, s9;
	s6 =	sadd.s32 @!p0 $0x88, s6;
	s7 =	simm.s32 @p2 $0x1082  }
0x22: {  	[simem:s7], [sflag:s8] =	dma.local @!p0 [hbm:s6], $0xF7A  }
0x23: {  	s9 =	sor.u32 $0xD0000000, s2;
	s6 =	simm.s32 $0x108;
	_ =	swait.ge @!p0 [sflag:s8], $0x0  }
0x24: {  	s3 =	sadd.s32 $0x88, s3;
	s6 =	simm.s32 @!p1 $0x1082;
	[sflag:s4] =	ssyncset.s32 $0xFFFFF086  }
0x25: {  	[simem:s6], [sflag:s4] =	dma.local [hbm:s3], $0xF7A  }
0x26: {  	[smem:$0x3F92] =	sst s1;
	(tag) =	ssettag s2;
	_ =	strace s9  }
0x27: {  	s1 =	sld [smem:$0x3FA2]  }
0x28: {  	s2 =	sld [smem:$0x3FA3]  }
0x29: {  	s4 =	sld [smem:$0x3FA5]  }
0x2a: {  	p0 =	seq.s32 s5, $0x0;
	s5 =	sld [smem:$0x3FA6]  }
0x2b: {  	s6 =	sld [smem:$0x3FA7]  }
0x2c: {  	s7 =	sld [smem:$0x3FA8]  }
0x2d: {  	s3 =	simm.s32 $0x108;
	s8 =	sld [smem:$0x3FA9]  }
0x2e: {  	s3 =	simm.s32 @!p0 $0x1082;
	s9 =	sld [smem:$0x3FAA]  }
0x2f: {  	lr =	sadd.s32 s0, s3;
	s0 =	sld [smem:$0x3FA1]  }
0x30: {  	s3 =	sld [smem:$0x3FA4]  }
0x31: {  	[smem:$0x3FAD] =	sst s10  }
0x32: {  	s10 =	sld [smem:$0x3FAB];
	_ =	sdelay $0x3  }
0x33: {  	p0 =	seq.s32 s10, $0x1;
	s10 =	sld [smem:$0x3FAD];
	_ =	sdelay $0x3  }
0x34: {  	[smem:$0x3FAD] =	sst s10  }
0x35: {  	s10 =	sld [smem:$0x3FAC];
	_ =	sdelay $0x3  }
0x36: {  	p1 =	seq.s32 s10, $0x1;
	s10 =	sld [smem:$0x3FAD];
	_ =	sdelay $0x3  }
0x37: {  	[smem:$0x3FAD] =	sst s10  }
0x38: {  	s10 =	sld [smem:$0x3FAE]  }
0x39: {  	_ = 	snop;
	(pc) =	sbr.ind lr, $3  }
0x3a: {  	_ = 	snop  }
0x3b: {  	_ = 	snop  }
0x3c: {  	p2 =	seq.s32 s10, $0x1;
	s10 =	sld [smem:$0x3FAD]  }
0x3d: {  	_ =	shalt  }
0x3e: {  	_ =	shalt  }
0x3f: {  	_ =	shalt  }
0x40: {  	_ =	shalt  }
0x41: {  	_ =	shalt  }
0x42: {  	_ =	shalt  }
0x43: {  	_ =	shalt  }
0x44: {  	_ =	shalt  }
0x45: {  	_ =	shalt  }
0x46: {  	_ =	shalt  }
0x47: {  	_ =	shalt  }
0x48: {  	_ =	shalt  }
0x49: {  	_ =	shalt  }
0x4a: {  	_ =	shalt  }
0x4b: {  	_ =	shalt  }
0x4c: {  	_ =	shalt  }
0x4d: {  	_ =	shalt  }
0x4e: {  	_ =	shalt  }
0x4f: {  	_ =	shalt  }
0x50: {  	_ =	shalt  }
0x51: {  	_ =	shalt  }
0x52: {  	_ =	shalt  }
0x53: {  	_ =	shalt  }
0x54: {  	_ =	shalt  }
0x55: {  	_ =	shalt  }
0x56: {  	_ =	shalt  }
0x57: {  	_ =	shalt  }
0x58: {  	_ =	shalt  }
0x59: {  	_ =	shalt  }
0x5a: {  	_ =	shalt  }
0x5b: {  	_ =	shalt  }
0x5c: {  	_ =	shalt  }
0x5d: {  	_ =	shalt  }
0x5e: {  	_ =	shalt  }
0x5f: {  	_ =	shalt  }
0x60: {  	_ =	shalt  }
0x61: {  	_ =	shalt  }
0x62: {  	_ =	shalt  }
0x63: {  	_ =	shalt  }
0x64: {  	_ =	shalt  }
0x65: {  	_ =	shalt  }
0x66: {  	_ =	shalt  }
0x67: {  	_ =	shalt  }
0x68: {  	_ =	shalt  }
0x69: {  	_ =	shalt  }
0x6a: {  	_ =	shalt  }
0x6b: {  	_ =	shalt  }
0x6c: {  	_ =	shalt  }
0x6d: {  	_ =	shalt  }
0x6e: {  	_ =	shalt  }
0x6f: {  	_ =	shalt  }
0x70: {  	_ =	shalt  }
0x71: {  	_ =	shalt  }
0x72: {  	_ =	shalt  }
0x73: {  	_ =	shalt  }
0x74: {  	_ =	shalt  }
0x75: {  	_ =	shalt  }
0x76: {  	_ =	shalt  }
0x77: {  	_ =	shalt  }
0x78: {  	_ =	shalt  }
0x79: {  	_ =	shalt  }
0x7a: {  	_ =	shalt  }
0x7b: {  	_ =	shalt  }
0x7c: {  	_ =	shalt  }
0x7d: {  	_ =	shalt  }
0x7e: {  	_ =	shalt  }
0x7f: {  	_ =	shalt  }
0x80: {  	_ =	shalt  }
0x81: {  	_ =	shalt  }
0x82: {  	_ =	shalt  }
0x83: {  	_ =	shalt  }
0x84: {  	_ =	shalt  }
0x85: {  	_ =	shalt  }
0x86: {  	_ =	shalt  }
0x87: {  	_ =	shalt  }
.Lfunc_end0:
.L_simem_size_0:
called_computation.6_lowered:
.L_overlay_start_0:
0x88: {  	s2 =	sld [smem:$0x3FD9]  }
0x89: {  	s3 =	sld [smem:$0x3FFE];
	_ =	sdelay $0x1  }
0x8a: {  	s1 =	srdreg.scid  }
0x8b: {  	s0 =	sand.u32 $0x1, s1  }
0x8c: {  	s16 =	sshll.u32 s0, $0xA;
	s2 =	sadd.s32 s3, s2  }
0x8d: {  	s2 =	sadd.s32 s2, s16  }
0x8e: {  	[smem:$0x3FB9] =	sst s2  }
0x8f: {  	_ = 	snop  }
0x90: {  	(tm) =	ssettm $0x1  }
0x91: {  	s17 =	sld [smem:$0x3FFB];
	_ =	sdelay $0x3  }
0x92: {  	_ =	strace s17  }
0x93: {  	s2 =	sld [smem:$0x3FFC];
	_ =	sdelay $0x3  }
0x94: {  	_ =	strace s2  }
0x95: {  	s2 =	sld [smem:$0x3FFD];
	_ =	sdelay $0x3  }
0x96: {  	_ =	strace s2  }
0x97: {  	_ =	strace $0x8FFFFFFF  }
0x98: {  	s18 =	sld [smem:$0x3FDB];
	_ =	sdelay $0x1  }
0x99: {  	s19 =	simm.s32 $_scs_section_size  }
0x9a: {  	s4 =	simm.s32 $_size__tile_overlayer_lowered;
	s5 =	simm.s32 $_tile_overlayer_lowered  }
0x9b: {  	s22 =	simm.s32 $0x1BFF;
	s21 =	sshll.u32 s5, $0x1;
	s2 =	sadd.s32 s19, s18  }
0x9c: {  	s6 =	simm.s32 $0x0;
	s20 =	sshll.u32 s4, $0x1;
	s4 =	sadd.s32 s21, s2  }
0x9d: {  	[timem:s6], [sflag:s22] =	dma.local [hbm:s4], s20  }
0x9e: {  	_ =	swait.ge [sflag:s22], s20  }
0x9f: {  	s3 =	ssub.s32 $0x0, s20;
	[sflag:s22] =	ssyncset.done $0x0  }
0xa0: {  	[sflag:s22] =	ssyncadd.s32 s3;
	_ =	sdelay $0x1  }
0xa1: {  	s23 =	simm.s32 $0x1B8B  }
0xa2: {  	_ =	swait.ge [sflag:s23], $0x1  }
0xa3: {  	[sflag:s23] =	ssyncset.done $0x0  }
0xa4: {  	s25 =	simm.s32 $0x1B8E;
	s24 =	sld [smem:$0x3FFE];
	[sflag:s23] =	ssyncadd.s32 $0xFFFFFFFF  }
0xa5: {  	s26 =	simm.s32 $execute0_lowered;
	[smem:$0x3FD2] =	sst s25  }
0xa6: {  	s4 =	sshll.u32 s26, $0x1;
	_ =	strace $0x80000058;
	[dreg:$0x1] =	wrdreg $0xFFFFFFFF  }
0xa7: {  	s28 =	simm.s32 $_size_execute0_lowered;
	s2 =	sadd.s32 s2, s4;
	[dreg:$0x0] =	wrdreg $0x0  }
0xa8: {  	s4 =	sshll.u32 s28, $0x1;
	[dreg:$0x2] =	wrdreg s2  }
0xa9: {  	[dreg:$0x3] =	wrdreg s4  }
0xaa: {  	[dreg:$0x4] =	wrdreg $0xC0  }
0xab: {  	_ =	task [dreg:s6], $0x5FFFF  }
0xac: {  	[dreg:$0x1] =	wrdreg $0xFFFFFFFF  }
0xad: {  	[dreg:$0x0] =	wrdreg $0x60  }
0xae: {  	[dreg:$0x2] =	wrdreg s24  }
0xaf: {  	[dreg:$0x3] =	wrdreg $0xA9000  }
0xb0: {  	[dreg:$0x4] =	wrdreg $0x9  }
0xb1: {  	_ =	task.clear_ibuf [dreg:s6], $0x5FFFF;
	_ =	strace $0x90000058  }
0xb2: {  	s29 =	simm.s32 $0x9;
	_ =	strace $0x8000005A  }
0xb3: {  	_ =	swait.ge [sflag:s29], $0x1  }
0xb4: {  	[sflag:s29] =	ssyncadd.s32 $0xFFFFFFFF  }
0xb5: {  	_ =	strace $0x9000005A  }
0xb6: {  	_ =	sfence  }
0xb7: {  	s30 =	sld [smem:$0x0];
	_ =	sdelay $0x2  }
0xb8: {  	s31 =	sshll.u32 s1, $0xD;
	s1 =	sshrl.u32 s1, $0x2  }
0xb9: {  	s3 =	sand.u32 $0x4000, s31;
	s1 =	sadd.s32 s1, s30  }
0xba: {  	s0 =	sor.u32 s3, s0;
	s1 =	sshll.u32 s1, $0x11  }
0xbb: {  	s0 =	sor.u32 s1, s0  }
0xbc: {  	s0 =	sadd.s32 $0x8F2B, s0  }
0xbd: {  	[sflag:s0] =	ssyncadd.remote.s32 $0x1  }
0xbe: {  	_ =	sfence.sel $0xFFFF  }
0xbf: {  	[dreg:$0x0] =	wrdreg $0xFFFFFFFF;
	(pc) =	sbr.abs _section_cstart, $3  }
0xc0: {  	[dreg:$0x1] =	wrdreg $0xFFFFFFFF  }
0xc1: {  	_ =	task.clear_ibuf [dreg:s6], $0x2FFFF;
	_ =	strace $0x9FFFFFFF  }
0xc2: {  	(tm) =	ssettm $0x7FFFFFFF  }
0xc3: {  	_ =	shalt  }
tec
execute0_lowered:
.L_overlay_start_1:
0x0: {  	(tag) =	ssettag $0x1  }
0x1: {  	s0 =	srdreg.scid  }
0x2: {  	s1 =	rddreg [dreg:$0x0];
	s13 =	stileid.u32  }
0x3: {  	s2 =	rddreg [dreg:$0x1];
	s17 =	simm.s32 $0x7;
	s18 =	simm.s32 $0x2800  }
0x4: {  	s19 =	simm.s32 $0x2880;
	s20 =	simm.s32 $0x1;
	s21 =	simm.s32 $0x80  }
0x5: {  	s22 =	simm.s32 $0x2900;
	s23 =	simm.s32 $0x3;
	s28 =	simm.s32 $0x5  }
0x6: {  	s30 =	simm.s32 $0x6;
	s0 =	sand.u32 $0x1, s0;
	s8 =	smul.u32 $0x13C00, s13  }
0x7: {  	s5 =	sadd.s32 $0x7B400, s1;
	s11 =	sadd.s32 $0xE000, s1;
	s25 =	smul.u32 $0x4F000, s13  }
0x8: {  	s12 =	sshll.u32 s13, $0x6;
	s3 =	sshll.u32 s0, $0x4;
	s7 =	smul.u32 $0x13C000, s0  }
0x9: {  	s24 =	ssub.s32 $0x2, s0;
	s0 =	smul.u32 $0x28000, s0;
	s4 =	sor.u32 s13, s3  }
0xa: {  	s3 =	simm.s32 $0x0;
	s26 =	sshrl.u32 s24, $0x1;
	s13 =	smul.u32 $0x2800, s13  }
0xb: {  	s6 =	smul.u32 $0x2800, s4;
	[smem:$0x7FF] =	sst s3;
	s4 =	sadd.s32 $0x85400, s1  }
0xc: {  	s7 =	sadd.s32 s8, s7;
	s8 =	ssub.s32 s24, s26;
	s24 =	simm.s32 $0x2  }
0xd: {  	s26 =	simm.s32 $0x4;
	_ =	strace $0x80000059;
	[dreg:$0x3] =	wrdreg s11  }
0xe: {  	s7 =	sshrl.u32 s7, $0x3;
	s11 =	sshrl.u32 s25, $0x2;
	s0 =	sadd.s32 s13, s0  }
0xf: {  	s14 =	smax.u32 s8, $0x1;
	s25 =	simm.s32 $0x6900;
	s9 =	sshrl.u32 s6, $0x3  }
0x10: {  	s15 =	sadd.s32 s11, s2;
	s0 =	sor.u32 $0x100, s0;
	s10 =	sadd.s32 s9, s1  }
.Ltmp0:
0x11: {  	s1 =	sadd.s32 s7, s1;
	s7 =	sor.u32 $0x1C07, s12;
	(pc) =	sbr.rel .LBB2_1-.Ltmp0, $4  }
0x12: {  	s9 =	sadd.s32 s5, s9;
	s12 =	sor.u32 $0x180, s6;
	s0 =	sshrl.u32 s0, $0x3  }
0x13: {  	s16 =	sshrl.u32 s15, $0x3;
	s10 =	sadd.s32 $0x4000, s10;
	s31 =	sadd.s32 $0x10, s9  }
0x14: {  	s11 =	sadd.s32 $0x20, s9;
	s13 =	sadd.s32 $0x10800, s1;
	[dreg:$0x4] =	wrdreg s10  }
0x15: {  	s29 =	sadd.s32 s0, s5;
	s1 =	simm.s32 $0x0;
	[dreg:$0x5] =	wrdreg s31  }
.LBB2_6:
0x16: {  	s0 =	simm.s32 $0x2700  }
0x17: {  	[spmem:s2] =	stream.indirect.scatter.add.f32 [tilespmem:s22], [sflag:$0x5], $0x80, s0, s21, $0xb8;
	[tilespmem:$0x1E500] =	vst v63  }
0x18: {  	_ =	swait.ge [sflag:s30], $0x4000  }
0x19: {  	[sflag:s30] =	ssyncset.done $0x0  }
0x1a: {  	[sflag:s30] =	ssyncadd.s32 $0xFFFFC000  }
0x1b: {  	_ =	swait.ge [sflag:s24], $0x80  }
0x1c: {  	[sflag:s24] =	ssyncset.done $0x0  }
0x1d: {  	[sflag:s24] =	ssyncadd.s32 $0xFFFFFF80  }
0x1e: {  	[tilespmem:s25], [sflag:$0x4] =	stream.indirect.gather [hbm4b:s4+s21], $0x80, s19, s21, $0xb8;
	[tilespmem:$0x1E500] =	vst v63  }
0x1f: {  	_ =	swait.ge [sflag:s26], $0x4000  }
0x20: {  	[sflag:s26] =	ssyncset.done $0x0  }
0x21: {  	s31 =	simm.s32 $0x2780;
	[sflag:s26] =	ssyncadd.s32 $0xFFFFC000  }
0x22: {  	[spmem:s2] =	stream.indirect.scatter.add.f32 [tilespmem:s25], [sflag:$0x6], $0x80, s31, s21, $0xb8;
	[tilespmem:$0x1E500] =	vst v63  }
0x23: {  	_ =	swait.ge [sflag:s28], $0x4000  }
0x24: {  	[sflag:s28] =	ssyncset.done $0x0  }
0x25: {  	[sflag:s28] =	ssyncadd.s32 $0xFFFFC000  }
0x26: {  	_ =	swait.ge [sflag:s30], $0x4000  }
0x27: {  	s1 =	sadd.s32 $0x1, s1;
	[sflag:s30] =	ssyncset.done $0x0  }
0x28: {  	p0 =	sne.s32 s1, s14;
	[sflag:s30] =	ssyncadd.s32 $0xFFFFC000  }
.Ltmp1:
0x29: {  	[bflag:$0x0] =	sbarrier.arrive $0xFFFF;
	(pc) =	sbr.rel @!p0 .LBB2_7-.Ltmp1, $4  }
0x2a: {  	[hbm:s13], [sflag:s7] =	dma.local [spmem:s16], $0x2780  }
0x2b: {  	_ =	swait.ge [sflag:s17], $0x2780  }
0x2c: {  	[sflag:s17] =	ssyncset.done $0x0  }
0x2d: {  	[sflag:s17] =	ssyncadd.s32 $0xFFFFD880  }
.LBB2_1:
0x2e: {  	s0 =	rddreg [dreg:$0x3]  }
0x2f: {  	[spmem:s16], [sflag:s7] =	dma.local [hbm:s0], $0x2780  }
0x30: {  	_ =	swait.ge [sflag:s17], $0x2780  }
0x31: {  	[sflag:s17] =	ssyncset.done $0x0  }
0x32: {  	s15 =	rddreg [dreg:$0x4];
	[sflag:s17] =	ssyncadd.s32 $0xFFFFD880  }
0x33: {  	[tilespmem:s3], [sflag:$0x7] =	stream.linear.gather [hbm4b:s15+s3], $0x2800, $0x38;
	[tilespmem:$0x1E500] =	vst v63  }
0x34: {  	_ =	swait.ge [sflag:s17], $0x2800  }
0x35: {  	[sflag:s17] =	ssyncset.done $0x0  }
0x36: {  	[sflag:s17] =	ssyncadd.s32 $0xFFFFD800  }
0x37: {  	[bflag:$0x0] =	sbarrier.arrive $0xFFFF  }
0x38: {  	[tilespmem:s18], [sflag:$0x1] =	stream.linear.gather [hbm4b:s9+s3], $0x80, $0x38;
	[tilespmem:$0x1E500] =	vst v63  }
0x39: {  	s31 =	rddreg [dreg:$0x5]  }
0x3a: {  	[tilespmem:s19], [sflag:$0x2] =	stream.linear.gather [hbm4b:s31+s3], $0x80, $0x38;
	[tilespmem:$0x1E500] =	vst v63  }
.Ltmp2:
0x3b: {  	_ = 	snop;
	(pc) =	sbr.rel .LBB2_2-.Ltmp2, $4  }
0x3c: {  	_ =	swait.ge [sflag:s20], $0x80  }
0x3d: {  	s10 =	simm.s32 $0x0;
	s8 =	simm.s32 $0x0;
	[sflag:s20] =	ssyncset.done $0x0  }
0x3e: {  	s6 =	simm.s32 $0x0;
	s15 =	smov.u32 s29;
	[sflag:s20] =	ssyncadd.s32 $0xFFFFFF80  }
0x3f: {  	[tilespmem:s22], [sflag:$0x3] =	stream.indirect.gather [hbm4b:s4+s21], $0x80, s18, s21, $0xb8;
	[tilespmem:$0x1E500] =	vst v63  }
.LBB2_8:
0x40: {  	s31 =	simm.s32 $0x0  }
0x41: {  	[spmem:s2] =	stream.indirect.scatter.add.f32 [tilespmem:s22], [sflag:$0x5], $0x80, s31, s21, $0xb8;
	[tilespmem:$0x1E500] =	vst v63  }
0x42: {  	s0 =	simm.s32 $0x0  }
0x43: {  	[tilespmem:s18], [sflag:$0x1] =	stream.linear.gather [hbm4b:s11+s31], $0x80, $0x38;
	[tilespmem:$0x1E500] =	vst v63  }
.LBB2_5:
0x44: {  	_ =	swait.ge [sflag:s24], $0x80  }
0x45: {  	[sflag:s24] =	ssyncset.done $0x0  }
0x46: {  	[sflag:s24] =	ssyncadd.s32 $0xFFFFFF80  }
0x47: {  	[tilespmem:s25], [sflag:$0x4] =	stream.indirect.gather [hbm4b:s4+s21], $0x80, s19, s21, $0xb8;
	[tilespmem:$0x1E500] =	vst v63  }
0x48: {  	_ =	swait.ge [sflag:s26], $0x4000  }
0x49: {  	s0 =	sshra.s32 s0, $0x2;
	[sflag:s26] =	ssyncset.done $0x0  }
0x4a: {  	s31 =	sadd.s32 s31, s12;
	s0 =	sadd.s32 $0x80, s0;
	[sflag:s26] =	ssyncadd.s32 $0xFFFFC000  }
0x4b: {  	[spmem:s2] =	stream.indirect.scatter.add.f32 [tilespmem:s25], [sflag:$0x6], $0x80, s0, s21, $0xb8;
	[tilespmem:$0x1E500] =	vst v63  }
0x4c: {  	s0 =	sshrl.u32 s31, $0x3  }
0x4d: {  	s0 =	sadd.s32 s5, s0  }
0x4e: {  	[tilespmem:s19], [sflag:$0x2] =	stream.linear.gather [hbm4b:s0+s3], $0x80, $0x38;
	[tilespmem:$0x1E500] =	vst v63  }
0x4f: {  	_ =	swait.ge [sflag:s28], $0x4000  }
0x50: {  	[sflag:s28] =	ssyncset.done $0x0  }
0x51: {  	[sflag:s28] =	ssyncadd.s32 $0xFFFFC000  }
0x52: {  	_ =	swait.ge [sflag:s20], $0x80  }
0x53: {  	s6 =	sadd.s32 $0x1, s6;
	s8 =	sadd.s32 $0x100, s8;
	[sflag:s20] =	ssyncset.done $0x0  }
0x54: {  	s15 =	sadd.s32 $0x20, s15;
	s10 =	sadd.s32 $0x400, s10;
	[sflag:s20] =	ssyncadd.s32 $0xFFFFFF80  }
0x55: {  	[tilespmem:s22], [sflag:$0x3] =	stream.indirect.gather [hbm4b:s4+s21], $0x80, s18, s21, $0xb8;
	[tilespmem:$0x1E500] =	vst v63  }
.LBB2_2:
0x56: {  	p0 =	seq.s32 s6, $0x0  }
.Ltmp3:
0x57: {  	_ = 	snop;
	(pc) =	sbr.rel @p0 .LBB2_8-.Ltmp3, $4  }
0x58: {  	_ = 	snop  }
0x59: {  	_ =	swait.ge [sflag:s23], $0x4000  }
0x5a: {  	[sflag:s23] =	ssyncset.done $0x0  }
0x5b: {  	[sflag:s23] =	ssyncadd.s32 $0xFFFFC000  }
0x5c: {  	p0 =	seq.s32 s6, $0x27  }
.Ltmp4:
0x5d: {  	_ = 	snop;
	(pc) =	sbr.rel @p0 .LBB2_6-.Ltmp4, $1  }
0x5e: {  	_ =	sdelay $0x3  }
0x5f: {  	s0 =	sshra.s32 s10, $0x2  }
0x60: {  	[spmem:s2] =	stream.indirect.scatter.add.f32 [tilespmem:s22], [sflag:$0x5], $0x80, s0, s21, $0xb8;
	[tilespmem:$0x1E500] =	vst v63  }
.Ltmp5:
0x61: {  	_ = 	snop;
	(pc) =	sbr.rel .LBB2_5-.Ltmp5, $4  }
0x62: {  	[tilespmem:s18], [sflag:$0x1] =	stream.linear.gather [hbm4b:s15+s3], $0x80, $0x38;
	[tilespmem:$0x1E500] =	vst v63  }
0x63: {  	_ =	swait.ge [sflag:s30], $0x4000  }
0x64: {  	[sflag:s30] =	ssyncset.done $0x0  }
0x65: {  	s31 =	smov.u32 s8;
	s0 =	smov.u32 s10;
	[sflag:s30] =	ssyncadd.s32 $0xFFFFC000  }
.LBB2_7:
0x66: {  	_ =	sfence.sel $0x180000  }
0x67: {  	[bflag:$0x0] =	sbarrier.arrive $0xFFFF  }
0x68: {  	_ =	strace $0x90000059  }
0x69: {  	s0 =	stileid.u32;
	[bflag:$0x2] =	sbarrier.arrive $0xFFFF  }
0x6a: {  	p0 =	sne.s32 s0, $0x0;
	s0 =	rddreg [dreg:$0x2]  }
0x6b: {  	s0 =	sadd.s32 @!p0 $0x100000, s0  }
0x6c: {  	[sflag:s0] =	ssyncadd.tile.s32 @!p0 $0x1;
	_ =	shalt  }
.Lfunc_end2:
_tile_overlayer_lowered:
.L_overlay_start_2:
0x6d: {  	(tag) =	ssettag $0x2  }
0x6e: {  	s0 =	rddreg [dreg:$0x0];
	s2 =	stileid.u32  }
0x6f: {  	s1 =	rddreg [dreg:$0x1];
	p0 =	sne.s32 s2, $0x0  }
0x70: {  	s3 =	rddreg [dreg:$0x2];
	[bflag:$0x3] =	sbarrier.arrive $0xFFFF;
	s2 =	simm.s32 @!p0 $0x1C07  }
0x71: {  	[timem:s3], [sflag:s2] =	dma.local @!p0 [hbm:s0], s1  }
0x72: {  	s0 =	simm.s32 @!p0 $0x7  }
0x73: {  	_ =	swait.ge @!p0 [sflag:s0], s1  }
0x74: {  	s1 =	ssub.s32 @!p0 $0x0, s1;
	[sflag:s0] =	ssyncset.done @!p0 $0x0  }
0x75: {  	[sflag:s0] =	ssyncadd.s32 @!p0 s1  }
0x76: {  	[bflag:$0x3] =	sbarrier.arrive $0xFFFF  }
0x77: {  	_ =	shalt  }

// kernel: gather_offload_async_start.1
scs
__scs_entry_jumppad:
0x0: {  	(pc) =	sbr.rel $0x88, $3  }
0x1: {  	(tag) =	ssettag $0x0;
	lr =	simm.s32 $0x1  }
0x2: {  	[smem:$0x3F92] =	sst lr;
	_ =	strace $0xD0000000  }
0x3: {  	_ = 	snop  }
0x4: {  	_ = 	snop  }
0x5: {  	_ = 	snop  }
0x6: {  	_ = 	snop  }
0x7: {  	_ = 	snop  }
__scs_overlays_trampoline_lowered:
0x8: {  	[smem:$0x3FA1] =	sst s0  }
0x9: {  	[smem:$0x3FA2] =	sst s1  }
0xa: {  	[smem:$0x3FA3] =	sst s2  }
0xb: {  	[smem:$0x3FA4] =	sst s3  }
0xc: {  	[smem:$0x3FA5] =	sst s4  }
0xd: {  	[smem:$0x3FA6] =	sst s5  }
0xe: {  	[smem:$0x3FA7] =	sst s6  }
0xf: {  	[smem:$0x3FA8] =	sst s7  }
0x10: {  	[smem:$0x3FA9] =	sst s8  }
0x11: {  	[smem:$0x3FAA] =	sst s9;
	s0 =	simm.s32 @!p0 $0x0  }
0x12: {  	s1 =	sld [smem:$0x3F90];
	s0 =	simm.s32 @p0 $0x1  }
0x13: {  	[smem:$0x3FAB] =	sst s0;
	s0 =	simm.s32 @!p1 $0x0  }
0x14: {  	s2 =	sld [smem:$0x3F8F];
	s0 =	simm.s32 @p1 $0x1  }
0x15: {  	[smem:$0x3FAC] =	sst s0;
	s0 =	simm.s32 @!p2 $0x0  }
0x16: {  	s3 =	sld [smem:$0x3FDB];
	s0 =	simm.s32 @p2 $0x1  }
0x17: {  	s4 =	simm.s32 $0x1BF5;
	[smem:$0x3FAE] =	sst s0  }
0x18: {  	s0 =	sld [smem:$0x3F91];
	_ =	swait.ge [sflag:s4], $0x0  }
0x19: {  	s7 =	sld [smem:$0x3F92]  }
0x1a: {  	s8 =	sadd.s32 $0xFFFFE003, lr  }
0x1b: {  	s9 =	sadd.s32 $0xFFFFFEF7, lr;
	s5 =	simm.s32 $0xFFFFFFFF;
	p2 =	slt.u32 s8, $0xFFFFF086  }
0x1c: {  	p1 =	slt.u32 s9, $0xF7A;
	s5 =	simm.s32 @!p2 $0x0  }
0x1d: {  	s5 =	simm.s32 @p1 $0x1;
	p0 =	seq.s32 s7, s2  }
0x1e: {  	s7 =	smul.u32 @!p0 $0xF7A, s2;
	p2 =	seq.s32 @!p0 s5, $0x0  }
0x1f: {  	s9 =	smul.u32 $0xF7A, s1;
	s8 =	simm.s32 @!p0 $0x1BF5;
	p2 =	por !p2, p0  }
0x20: {  	[sflag:s8] =	ssyncset.s32 @!p0 $0xFFFFF086;
	s6 =	sadd.s32 @!p0 s3, s7;
	s7 =	simm.s32 @!p0 $0x108  }
0x21: {  	s3 =	sadd.s32 s3, s9;
	s6 =	sadd.s32 @!p0 $0x88, s6;
	s7 =	simm.s32 @p2 $0x1082  }
0x22: {  	[simem:s7], [sflag:s8] =	dma.local @!p0 [hbm:s6], $0xF7A  }
0x23: {  	s9 =	sor.u32 $0xD0000000, s2;
	s6 =	simm.s32 $0x108;
	_ =	swait.ge @!p0 [sflag:s8], $0x0  }
0x24: {  	s3 =	sadd.s32 $0x88, s3;
	s6 =	simm.s32 @!p1 $0x1082;
	[sflag:s4] =	ssyncset.s32 $0xFFFFF086  }
0x25: {  	[simem:s6], [sflag:s4] =	dma.local [hbm:s3], $0xF7A  }
0x26: {  	[smem:$0x3F92] =	sst s1;
	(tag) =	ssettag s2;
	_ =	strace s9  }
0x27: {  	s1 =	sld [smem:$0x3FA2]  }
0x28: {  	s2 =	sld [smem:$0x3FA3]  }
0x29: {  	s4 =	sld [smem:$0x3FA5]  }
0x2a: {  	p0 =	seq.s32 s5, $0x0;
	s5 =	sld [smem:$0x3FA6]  }
0x2b: {  	s6 =	sld [smem:$0x3FA7]  }
0x2c: {  	s7 =	sld [smem:$0x3FA8]  }
0x2d: {  	s3 =	simm.s32 $0x108;
	s8 =	sld [smem:$0x3FA9]  }
0x2e: {  	s3 =	simm.s32 @!p0 $0x1082;
	s9 =	sld [smem:$0x3FAA]  }
0x2f: {  	lr =	sadd.s32 s0, s3;
	s0 =	sld [smem:$0x3FA1]  }
0x30: {  	s3 =	sld [smem:$0x3FA4]  }
0x31: {  	[smem:$0x3FAD] =	sst s10  }
0x32: {  	s10 =	sld [smem:$0x3FAB];
	_ =	sdelay $0x3  }
0x33: {  	p0 =	seq.s32 s10, $0x1;
	s10 =	sld [smem:$0x3FAD];
	_ =	sdelay $0x3  }
0x34: {  	[smem:$0x3FAD] =	sst s10  }
0x35: {  	s10 =	sld [smem:$0x3FAC];
	_ =	sdelay $0x3  }
0x36: {  	p1 =	seq.s32 s10, $0x1;
	s10 =	sld [smem:$0x3FAD];
	_ =	sdelay $0x3  }
0x37: {  	[smem:$0x3FAD] =	sst s10  }
0x38: {  	s10 =	sld [smem:$0x3FAE]  }
0x39: {  	_ = 	snop;
	(pc) =	sbr.ind lr, $3  }
0x3a: {  	_ = 	snop  }
0x3b: {  	_ = 	snop  }
0x3c: {  	p2 =	seq.s32 s10, $0x1;
	s10 =	sld [smem:$0x3FAD]  }
0x3d: {  	_ =	shalt  }
0x3e: {  	_ =	shalt  }
0x3f: {  	_ =	shalt  }
0x40: {  	_ =	shalt  }
0x41: {  	_ =	shalt  }
0x42: {  	_ =	shalt  }
0x43: {  	_ =	shalt  }
0x44: {  	_ =	shalt  }
0x45: {  	_ =	shalt  }
0x46: {  	_ =	shalt  }
0x47: {  	_ =	shalt  }
0x48: {  	_ =	shalt  }
0x49: {  	_ =	shalt  }
0x4a: {  	_ =	shalt  }
0x4b: {  	_ =	shalt  }
0x4c: {  	_ =	shalt  }
0x4d: {  	_ =	shalt  }
0x4e: {  	_ =	shalt  }
0x4f: {  	_ =	shalt  }
0x50: {  	_ =	shalt  }
0x51: {  	_ =	shalt  }
0x52: {  	_ =	shalt  }
0x53: {  	_ =	shalt  }
0x54: {  	_ =	shalt  }
0x55: {  	_ =	shalt  }
0x56: {  	_ =	shalt  }
0x57: {  	_ =	shalt  }
0x58: {  	_ =	shalt  }
0x59: {  	_ =	shalt  }
0x5a: {  	_ =	shalt  }
0x5b: {  	_ =	shalt  }
0x5c: {  	_ =	shalt  }
0x5d: {  	_ =	shalt  }
0x5e: {  	_ =	shalt  }
0x5f: {  	_ =	shalt  }
0x60: {  	_ =	shalt  }
0x61: {  	_ =	shalt  }
0x62: {  	_ =	shalt  }
0x63: {  	_ =	shalt  }
0x64: {  	_ =	shalt  }
0x65: {  	_ =	shalt  }
0x66: {  	_ =	shalt  }
0x67: {  	_ =	shalt  }
0x68: {  	_ =	shalt  }
0x69: {  	_ =	shalt  }
0x6a: {  	_ =	shalt  }
0x6b: {  	_ =	shalt  }
0x6c: {  	_ =	shalt  }
0x6d: {  	_ =	shalt  }
0x6e: {  	_ =	shalt  }
0x6f: {  	_ =	shalt  }
0x70: {  	_ =	shalt  }
0x71: {  	_ =	shalt  }
0x72: {  	_ =	shalt  }
0x73: {  	_ =	shalt  }
0x74: {  	_ =	shalt  }
0x75: {  	_ =	shalt  }
0x76: {  	_ =	shalt  }
0x77: {  	_ =	shalt  }
0x78: {  	_ =	shalt  }
0x79: {  	_ =	shalt  }
0x7a: {  	_ =	shalt  }
0x7b: {  	_ =	shalt  }
0x7c: {  	_ =	shalt  }
0x7d: {  	_ =	shalt  }
0x7e: {  	_ =	shalt  }
0x7f: {  	_ =	shalt  }
0x80: {  	_ =	shalt  }
0x81: {  	_ =	shalt  }
0x82: {  	_ =	shalt  }
0x83: {  	_ =	shalt  }
0x84: {  	_ =	shalt  }
0x85: {  	_ =	shalt  }
0x86: {  	_ =	shalt  }
0x87: {  	_ =	shalt  }
.Lfunc_end0:
.L_simem_size_0:
called_computation.1_lowered:
.L_overlay_start_0:
0x88: {  	s2 =	sld [smem:$0x3FD9]  }
0x89: {  	s3 =	sld [smem:$0x3FFE];
	_ =	sdelay $0x1  }
0x8a: {  	s1 =	srdreg.scid  }
0x8b: {  	s0 =	sand.u32 $0x1, s1  }
0x8c: {  	s16 =	sshll.u32 s0, $0xA;
	s2 =	sadd.s32 s3, s2  }
0x8d: {  	s2 =	sadd.s32 s2, s16  }
0x8e: {  	[smem:$0x3FB9] =	sst s2  }
0x8f: {  	_ = 	snop  }
0x90: {  	(tm) =	ssettm $0x1  }
0x91: {  	s17 =	sld [smem:$0x3FFB];
	_ =	sdelay $0x3  }
0x92: {  	_ =	strace s17  }
0x93: {  	s2 =	sld [smem:$0x3FFC];
	_ =	sdelay $0x3  }
0x94: {  	_ =	strace s2  }
0x95: {  	s2 =	sld [smem:$0x3FFD];
	_ =	sdelay $0x3  }
0x96: {  	_ =	strace s2  }
0x97: {  	_ =	strace $0x8FFFFFFF  }
0x98: {  	s18 =	sld [smem:$0x3FDB];
	_ =	sdelay $0x1  }
0x99: {  	s19 =	simm.s32 $_scs_section_size  }
0x9a: {  	s4 =	simm.s32 $_size__tile_overlayer_lowered;
	s5 =	simm.s32 $_tile_overlayer_lowered  }
0x9b: {  	s22 =	simm.s32 $0x1BFF;
	s21 =	sshll.u32 s5, $0x1;
	s2 =	sadd.s32 s19, s18  }
0x9c: {  	s6 =	simm.s32 $0x0;
	s20 =	sshll.u32 s4, $0x1;
	s4 =	sadd.s32 s21, s2  }
0x9d: {  	[timem:s6], [sflag:s22] =	dma.local [hbm:s4], s20  }
0x9e: {  	_ =	swait.ge [sflag:s22], s20  }
0x9f: {  	s3 =	ssub.s32 $0x0, s20;
	[sflag:s22] =	ssyncset.done $0x0  }
0xa0: {  	[sflag:s22] =	ssyncadd.s32 s3;
	_ =	sdelay $0x1  }
0xa1: {  	s23 =	simm.s32 $0x1B8B  }
0xa2: {  	_ =	swait.ge [sflag:s23], $0x1  }
0xa3: {  	[sflag:s23] =	ssyncset.done $0x0  }
0xa4: {  	s25 =	simm.s32 $0x1B8E;
	s24 =	sld [smem:$0x3FFE];
	[sflag:s23] =	ssyncadd.s32 $0xFFFFFFFF  }
0xa5: {  	s26 =	simm.s32 $execute0_lowered;
	[smem:$0x3FD2] =	sst s25  }
0xa6: {  	s4 =	sshll.u32 s26, $0x1;
	_ =	strace $0x80000049;
	[dreg:$0x1] =	wrdreg $0xFFFFFFFF  }
0xa7: {  	s28 =	simm.s32 $_size_execute0_lowered;
	s2 =	sadd.s32 s2, s4;
	[dreg:$0x0] =	wrdreg $0x0  }
0xa8: {  	s4 =	sshll.u32 s28, $0x1;
	[dreg:$0x2] =	wrdreg s2  }
0xa9: {  	[dreg:$0x3] =	wrdreg s4  }
0xaa: {  	[dreg:$0x4] =	wrdreg $0xC0  }
0xab: {  	_ =	task [dreg:s6], $0x5FFFF  }
0xac: {  	[dreg:$0x1] =	wrdreg $0xFFFFFFFF  }
0xad: {  	[dreg:$0x0] =	wrdreg $0x60  }
0xae: {  	[dreg:$0x2] =	wrdreg s24  }
0xaf: {  	[dreg:$0x3] =	wrdreg $0x9  }
0xb0: {  	_ =	task.clear_ibuf [dreg:s6], $0x4FFFF;
	_ =	strace $0x90000049  }
0xb1: {  	s29 =	simm.s32 $0x9;
	_ =	strace $0x8000004B  }
0xb2: {  	_ =	swait.ge [sflag:s29], $0x1  }
0xb3: {  	[sflag:s29] =	ssyncadd.s32 $0xFFFFFFFF  }
0xb4: {  	_ =	strace $0x9000004B  }
0xb5: {  	_ =	sfence  }
0xb6: {  	s30 =	sld [smem:$0x0];
	_ =	sdelay $0x2  }
0xb7: {  	s31 =	sshll.u32 s1, $0xD;
	s1 =	sshrl.u32 s1, $0x2  }
0xb8: {  	s3 =	sand.u32 $0x4000, s31;
	s1 =	sadd.s32 s1, s30  }
0xb9: {  	s0 =	sor.u32 s3, s0;
	s1 =	sshll.u32 s1, $0x11  }
0xba: {  	s0 =	sor.u32 s1, s0  }
0xbb: {  	s0 =	sadd.s32 $0x8F2B, s0  }
0xbc: {  	[sflag:s0] =	ssyncadd.remote.s32 $0x1  }
0xbd: {  	_ =	sfence.sel $0xFFFF  }
0xbe: {  	[dreg:$0x0] =	wrdreg $0xFFFFFFFF;
	(pc) =	sbr.abs _section_cstart, $3  }
0xbf: {  	[dreg:$0x1] =	wrdreg $0xFFFFFFFF  }
0xc0: {  	_ =	task.clear_ibuf [dreg:s6], $0x2FFFF;
	_ =	strace $0x9FFFFFFF  }
0xc1: {  	(tm) =	ssettm $0x7FFFFFFF  }
tec
execute0_lowered:
.L_overlay_start_1:
0x0: {  	(tag) =	ssettag $0x1  }
0x1: {  	s8 =	rddreg [dreg:$0x0]  }
0x2: {  	s0 =	rddreg [dreg:$0x1];
	_ =	strace $0x8000004A;
	s1 =	stileid.u32  }
0x3: {  	s3 =	srdreg.scid;
	s4 =	simm.s32 $0x1;
	s7 =	simm.s32 $0x1  }
0x4: {  	s9 =	simm.s32 $0x1;
	s10 =	simm.s32 $0x3;
	s13 =	simm.s32 $0x0  }
0x5: {  	s12 =	simm.s32 $0x0;
	s5 =	sand.u32 $0x1, s3;
	s6 =	sshll.u32 s1, $0x1  }
0x6: {  	s2 =	sadd.s32 $0x4000, s8;
	s3 =	sadd.s32 $0x17C00, s8;
	s5 =	sor.u32 s6, s5  }
.Ltmp0:
0x7: {  	[sflag:s4] =	ssyncpa.u1 $0x0;
	p0 =	slt.u32 s5, $0x9;
	(pc) =	sbr.rel .LBB2_1-.Ltmp0, $4  }
0x8: {  	s6 =	simm.s32 $0x2;
	s7 =	simm.s32 @!p0 $0x0;
	p0 =	sne.s32 s5, $0x8  }
0x9: {  	[sflag:s6] =	ssyncpa.u1 $0x0;
	s5 =	smul.u32 $0x1F40, s5;
	s9 =	simm.s32 @!p0 $0x0  }
0xa: {  	s8 =	sadd.s32 $0xDE00, s8;
	[sflag:s10] =	ssyncpa.u1 $0x0;
	s7 =	sadd.s32 s9, s7  }
0xb: {  	vm0 =	vmmov $0xffff;
	s10 =	simm.s32 $0x0;
	s11 =	smov.u32 s5;
	s9 =	sadd.s32 $0x1, s7  }
.LBB2_4:
0xc: {  	v2 =	vnsel vm1, $0x0, v2  }
0xd: {  	vm1 =	vgt.s32 v0, $0x0;
	v2 =	vmin.u32 v2, $0x4E1FF  }
0xe: {  	v0 =	vnsel vm1, $0x0, v0  }
0xf: {  	v0 =	vmin.u32 v0, $0x4E1FF  }
0x10: {  	[tilespmem:s18], [sflag:$0x1] =	stream.indirect_vreg.gather [hbm4b:s2+s10], $0x1, v1, vm0, $0x4038;
	[tilespmem:$0x7D00] =	vst v63  }
0x11: {  	(ifvalue) =	ssetifvalue $0x7FFFFFFF  }
0x12: {  	[tilespmem:s15], [sflag:$0x1] =	stream.indirect_vreg.gather [hbm4b:s2+s10], $0x1, v2, vm0, $0x4038;
	[tilespmem:$0x7D00] =	vst v63  }
0x13: {  	s29 =	sadd.s32 $0x10, s15;
	(ifvalue) =	ssetifvalue $0x7FFFFFFF  }
0x14: {  	[tilespmem:s29], [sflag:$0x1] =	stream.indirect_vreg.gather [hbm4b:s2+s10], $0x1, v0, vm0, $0x4038;
	[tilespmem:$0x7D00] =	vst v63  }
0x15: {  	_ =	swait.ge [sflag:s4], $0x1F40  }
0x16: {  	s30 =	sshrl.u32 s13, $0x3;
	[sflag:s4] =	ssyncset.done $0x0  }
0x17: {  	s31 =	sand.u32 $0x7, s13;
	s15 =	sadd.s32 s8, s30;
	[sflag:s4] =	ssyncadd.s32 $0xFFFFE0C0  }
0x18: {  	[hbm4b:s15+s31] =	stream.linear.scatter [tilespmem:s14], [sflag:$0x3], $0x1F40, $0x38;
	[tilespmem:$0x7D00] =	vst v63  }
.LBB2_5:
0x19: {  	s15 =	sadd.s32 $0x3E800, s11  }
0x1a: {  	p1 =	sgt.s32 s15, $0x4E1FF  }
0x1b: {  	s15 =	smov.u32 @p1 s5;
	p1 =	sne.s32 s12, s9  }
.Ltmp1:
0x1c: {  	p0 =	slt.u32 s12, $0x2;
	(pc) =	sbr.rel @!p1 .LBB2_6-.Ltmp1, $4  }
0x1d: {  	s14 =	simm.s32 @!p0 $0x3  }
0x1e: {  	_ =	swait.ge @!p0 [sflag:s14], $0x1F40  }
0x1f: {  	s16 =	sadd.s32 $0x1, s12;
	s13 =	smov.u32 s11;
	[sflag:s14] =	ssyncset.done @!p0 $0x0  }
0x20: {  	s12 =	smov.u32 s16;
	s11 =	smov.u32 s15;
	[sflag:s14] =	ssyncadd.s32 @!p0 $0xFFFFE0C0  }
.LBB2_1:
0x21: {  	p0 =	sge.u32 s12, s7  }
0x22: {  	s14 =	sxor.u32 @!p0 $0x1, s12  }
0x23: {  	s14 =	smul.u32 @!p0 $0x7D00, s14  }
0x24: {  	s31 =	sadd.s32 $0xFFFFFFFF, s12;
	s15 =	sshrl.u32 @!p0 s11, $0x3  }
0x25: {  	s16 =	sand.u32 @!p0 $0x7, s11;
	s15 =	sadd.s32 @!p0 s3, s15;
	s14 =	sshra.s32 @!p0 s14, $0x2  }
0x26: {  	[tilespmem:s14], [sflag:$0x2] =	stream.linear.gather @!p0 [hbm4b:s15+s16], $0x1F40, $0x38;
	[tilespmem:$0x7D00] =	vst v63  }
0x27: {  	p0 =	sge.u32 s31, s7  }
.Ltmp2:
0x28: {  	_ = 	snop;
	(pc) =	sbr.rel @p0 .LBB2_5-.Ltmp2, $1  }
0x29: {  	_ =	sdelay $0x3  }
0x2a: {  	s14 =	sand.u32 $0x1, s12  }
0x2b: {  	_ =	swait.ge [sflag:s6], $0x1F40;
	p0 =	seq.s32 s14, $0x1;
	s14 =	simm.s32 $0x1F40  }
0x2c: {  	[sflag:s6] =	ssyncset.done $0x0;
	s14 =	simm.s32 @!p0 $0x0  }
0x2d: {  	[sflag:s6] =	ssyncadd.s32 $0xFFFFE0C0;
	(ifvalue) =	ssetifvalue $0x7FFFFFFF;
	v0 =	vld.msk [tilespmem:s14+$0x0 ss:$0x1], $0xffff;
	_ =	sdelay $0x4  }
0x2e: {  	s15 =	sadd.s32 $0x10, s14;
	vm1 =	vgt.s32 v0, $0x0  }
0x2f: {  	v2 =	vld.msk [tilespmem:s15+$0x0 ss:$0x1], $0xffff;
	v1 =	vnsel vm1, $0x0, v0  }
0x30: {  	v1 =	vmin.u32 v1, $0x4E1FF;
	_ =	sdelay $0x2  }
0x31: {  	s17 =	simm.s32 $0x20;
	s14 =	sadd.s32 $0x3E80, s14;
	s16 =	sadd.s32 $0x10, s15  }
0x32: {  	s15 =	sadd.s32 $0x10, s14;
	s18 =	smov.u32 s14;
	v0 =	vld.msk [tilespmem:s16+$0x0 ss:$0x1], $0xffff;
	vm1 =	vgt.s32 v2, $0x0;
	(ifvalue) =	ssetifvalue $0x7FFFFFFF  }
.LBB2_3:
0x33: {  	[tilespmem:s18], [sflag:$0x1] =	stream.indirect_vreg.gather [hbm4b:s2+s10], $0x1, v1, vm0, $0x4038;
	[tilespmem:$0x7D00] =	vst v63  }
0x34: {  	s17 =	sadd.s32 $0x10, s17  }
0x35: {  	v2 =	vnsel vm1, $0x0, v2;
	p0 =	slt.u32 s17, $0x1F30  }
.Ltmp3:
0x36: {  	s18 =	smov.u32 s15;
	v1 =	vmin.u32 v2, $0x4E1FF;
	(pc) =	sbr.rel @p0 .LBB2_3-.Ltmp3, $3  }
0x37: {  	_ =	sdelay $0x1  }
0x38: {  	s16 =	sadd.s32 $0x10, s16  }
0x39: {  	vm1 =	vgt.s32 v0, $0x0;
	s15 =	sadd.s32 $0x10, s15;
	v2 =	vmov v0;
	(ifvalue) =	ssetifvalue $0x7FFFFFFF;
	v0 =	vld.msk [tilespmem:s16+$0x0 ss:$0x1], $0xffff  }
.Ltmp4:
0x3a: {  	_ = 	snop;
	(pc) =	sbr.rel .LBB2_4-.Ltmp4, $1  }
0x3b: {  	_ =	sdelay $0x3  }
.LBB2_6:
0x3c: {  	_ =	sfence.sel $0x180000  }
0x3d: {  	s2 =	simm.s32 $0x2;
	[bflag:$0x0] =	sbarrier.arrive $0xFFFF  }
0x3e: {  	s30 =	simm.s32 $0x3;
	[sflag:s2] =	ssyncpa.u1 $0x1  }
0x3f: {  	s31 =	simm.s32 $0x1;
	[sflag:s30] =	ssyncpa.u1 $0x1  }
0x40: {  	[sflag:s31] =	ssyncpa.u1 $0x1  }
0x41: {  	p0 =	sne.s32 s1, $0x0;
	_ =	strace $0x9000004A  }
0x42: {  	s0 =	sadd.s32 @!p0 $0x100000, s0;
	[bflag:$0x2] =	sbarrier.arrive $0xFFFF  }
0x43: {  	[sflag:s0] =	ssyncadd.tile.s32 @!p0 $0x1;
	_ =	shalt  }
.Lfunc_end2:
_tile_overlayer_lowered:
.L_overlay_start_2:
0x44: {  	(tag) =	ssettag $0x2  }
0x45: {  	s0 =	rddreg [dreg:$0x0];
	s2 =	stileid.u32  }
0x46: {  	s1 =	rddreg [dreg:$0x1];
	p0 =	sne.s32 s2, $0x0  }
0x47: {  	s3 =	rddreg [dreg:$0x2];
	[bflag:$0x3] =	sbarrier.arrive $0xFFFF;
	s2 =	simm.s32 @!p0 $0x1C01  }
0x48: {  	[timem:s3], [sflag:s2] =	dma.local @!p0 [hbm:s0], s1  }
0x49: {  	s0 =	simm.s32 @!p0 $0x1  }
0x4a: {  	_ =	swait.ge @!p0 [sflag:s0], s1  }
0x4b: {  	s1 =	ssub.s32 @!p0 $0x0, s1;
	[sflag:s0] =	ssyncset.done @!p0 $0x0  }
0x4c: {  	[sflag:s0] =	ssyncadd.s32 @!p0 s1  }
0x4d: {  	[bflag:$0x3] =	sbarrier.arrive $0xFFFF  }
0x4e: {  	_ =	shalt  }

// kernel: gather_offload_async_start.2
scs
__scs_entry_jumppad:
0x0: {  	(pc) =	sbr.rel $0x88, $3  }
0x1: {  	(tag) =	ssettag $0x0;
	lr =	simm.s32 $0x1  }
0x2: {  	[smem:$0x3F92] =	sst lr;
	_ =	strace $0xD0000000  }
0x3: {  	_ = 	snop  }
0x4: {  	_ = 	snop  }
0x5: {  	_ = 	snop  }
0x6: {  	_ = 	snop  }
0x7: {  	_ = 	snop  }
__scs_overlays_trampoline_lowered:
0x8: {  	[smem:$0x3FA1] =	sst s0  }
0x9: {  	[smem:$0x3FA2] =	sst s1  }
0xa: {  	[smem:$0x3FA3] =	sst s2  }
0xb: {  	[smem:$0x3FA4] =	sst s3  }
0xc: {  	[smem:$0x3FA5] =	sst s4  }
0xd: {  	[smem:$0x3FA6] =	sst s5  }
0xe: {  	[smem:$0x3FA7] =	sst s6  }
0xf: {  	[smem:$0x3FA8] =	sst s7  }
0x10: {  	[smem:$0x3FA9] =	sst s8  }
0x11: {  	[smem:$0x3FAA] =	sst s9;
	s0 =	simm.s32 @!p0 $0x0  }
0x12: {  	s1 =	sld [smem:$0x3F90];
	s0 =	simm.s32 @p0 $0x1  }
0x13: {  	[smem:$0x3FAB] =	sst s0;
	s0 =	simm.s32 @!p1 $0x0  }
0x14: {  	s2 =	sld [smem:$0x3F8F];
	s0 =	simm.s32 @p1 $0x1  }
0x15: {  	[smem:$0x3FAC] =	sst s0;
	s0 =	simm.s32 @!p2 $0x0  }
0x16: {  	s3 =	sld [smem:$0x3FDB];
	s0 =	simm.s32 @p2 $0x1  }
0x17: {  	s4 =	simm.s32 $0x1BF5;
	[smem:$0x3FAE] =	sst s0  }
0x18: {  	s0 =	sld [smem:$0x3F91];
	_ =	swait.ge [sflag:s4], $0x0  }
0x19: {  	s7 =	sld [smem:$0x3F92]  }
0x1a: {  	s8 =	sadd.s32 $0xFFFFE003, lr  }
0x1b: {  	s9 =	sadd.s32 $0xFFFFFEF7, lr;
	s5 =	simm.s32 $0xFFFFFFFF;
	p2 =	slt.u32 s8, $0xFFFFF086  }
0x1c: {  	p1 =	slt.u32 s9, $0xF7A;
	s5 =	simm.s32 @!p2 $0x0  }
0x1d: {  	s5 =	simm.s32 @p1 $0x1;
	p0 =	seq.s32 s7, s2  }
0x1e: {  	s7 =	smul.u32 @!p0 $0xF7A, s2;
	p2 =	seq.s32 @!p0 s5, $0x0  }
0x1f: {  	s9 =	smul.u32 $0xF7A, s1;
	s8 =	simm.s32 @!p0 $0x1BF5;
	p2 =	por !p2, p0  }
0x20: {  	[sflag:s8] =	ssyncset.s32 @!p0 $0xFFFFF086;
	s6 =	sadd.s32 @!p0 s3, s7;
	s7 =	simm.s32 @!p0 $0x108  }
0x21: {  	s3 =	sadd.s32 s3, s9;
	s6 =	sadd.s32 @!p0 $0x88, s6;
	s7 =	simm.s32 @p2 $0x1082  }
0x22: {  	[simem:s7], [sflag:s8] =	dma.local @!p0 [hbm:s6], $0xF7A  }
0x23: {  	s9 =	sor.u32 $0xD0000000, s2;
	s6 =	simm.s32 $0x108;
	_ =	swait.ge @!p0 [sflag:s8], $0x0  }
0x24: {  	s3 =	sadd.s32 $0x88, s3;
	s6 =	simm.s32 @!p1 $0x1082;
	[sflag:s4] =	ssyncset.s32 $0xFFFFF086  }
0x25: {  	[simem:s6], [sflag:s4] =	dma.local [hbm:s3], $0xF7A  }
0x26: {  	[smem:$0x3F92] =	sst s1;
	(tag) =	ssettag s2;
	_ =	strace s9  }
0x27: {  	s1 =	sld [smem:$0x3FA2]  }
0x28: {  	s2 =	sld [smem:$0x3FA3]  }
0x29: {  	s4 =	sld [smem:$0x3FA5]  }
0x2a: {  	p0 =	seq.s32 s5, $0x0;
	s5 =	sld [smem:$0x3FA6]  }
0x2b: {  	s6 =	sld [smem:$0x3FA7]  }
0x2c: {  	s7 =	sld [smem:$0x3FA8]  }
0x2d: {  	s3 =	simm.s32 $0x108;
	s8 =	sld [smem:$0x3FA9]  }
0x2e: {  	s3 =	simm.s32 @!p0 $0x1082;
	s9 =	sld [smem:$0x3FAA]  }
0x2f: {  	lr =	sadd.s32 s0, s3;
	s0 =	sld [smem:$0x3FA1]  }
0x30: {  	s3 =	sld [smem:$0x3FA4]  }
0x31: {  	[smem:$0x3FAD] =	sst s10  }
0x32: {  	s10 =	sld [smem:$0x3FAB];
	_ =	sdelay $0x3  }
0x33: {  	p0 =	seq.s32 s10, $0x1;
	s10 =	sld [smem:$0x3FAD];
	_ =	sdelay $0x3  }
0x34: {  	[smem:$0x3FAD] =	sst s10  }
0x35: {  	s10 =	sld [smem:$0x3FAC];
	_ =	sdelay $0x3  }
0x36: {  	p1 =	seq.s32 s10, $0x1;
	s10 =	sld [smem:$0x3FAD];
	_ =	sdelay $0x3  }
0x37: {  	[smem:$0x3FAD] =	sst s10  }
0x38: {  	s10 =	sld [smem:$0x3FAE]  }
0x39: {  	_ = 	snop;
	(pc) =	sbr.ind lr, $3  }
0x3a: {  	_ = 	snop  }
0x3b: {  	_ = 	snop  }
0x3c: {  	p2 =	seq.s32 s10, $0x1;
	s10 =	sld [smem:$0x3FAD]  }
0x3d: {  	_ =	shalt  }
0x3e: {  	_ =	shalt  }
0x3f: {  	_ =	shalt  }
0x40: {  	_ =	shalt  }
0x41: {  	_ =	shalt  }
0x42: {  	_ =	shalt  }
0x43: {  	_ =	shalt  }
0x44: {  	_ =	shalt  }
0x45: {  	_ =	shalt  }
0x46: {  	_ =	shalt  }
0x47: {  	_ =	shalt  }
0x48: {  	_ =	shalt  }
0x49: {  	_ =	shalt  }
0x4a: {  	_ =	shalt  }
0x4b: {  	_ =	shalt  }
0x4c: {  	_ =	shalt  }
0x4d: {  	_ =	shalt  }
0x4e: {  	_ =	shalt  }
0x4f: {  	_ =	shalt  }
0x50: {  	_ =	shalt  }
0x51: {  	_ =	shalt  }
0x52: {  	_ =	shalt  }
0x53: {  	_ =	shalt  }
0x54: {  	_ =	shalt  }
0x55: {  	_ =	shalt  }
0x56: {  	_ =	shalt  }
0x57: {  	_ =	shalt  }
0x58: {  	_ =	shalt  }
0x59: {  	_ =	shalt  }
0x5a: {  	_ =	shalt  }
0x5b: {  	_ =	shalt  }
0x5c: {  	_ =	shalt  }
0x5d: {  	_ =	shalt  }
0x5e: {  	_ =	shalt  }
0x5f: {  	_ =	shalt  }
0x60: {  	_ =	shalt  }
0x61: {  	_ =	shalt  }
0x62: {  	_ =	shalt  }
0x63: {  	_ =	shalt  }
0x64: {  	_ =	shalt  }
0x65: {  	_ =	shalt  }
0x66: {  	_ =	shalt  }
0x67: {  	_ =	shalt  }
0x68: {  	_ =	shalt  }
0x69: {  	_ =	shalt  }
0x6a: {  	_ =	shalt  }
0x6b: {  	_ =	shalt  }
0x6c: {  	_ =	shalt  }
0x6d: {  	_ =	shalt  }
0x6e: {  	_ =	shalt  }
0x6f: {  	_ =	shalt  }
0x70: {  	_ =	shalt  }
0x71: {  	_ =	shalt  }
0x72: {  	_ =	shalt  }
0x73: {  	_ =	shalt  }
0x74: {  	_ =	shalt  }
0x75: {  	_ =	shalt  }
0x76: {  	_ =	shalt  }
0x77: {  	_ =	shalt  }
0x78: {  	_ =	shalt  }
0x79: {  	_ =	shalt  }
0x7a: {  	_ =	shalt  }
0x7b: {  	_ =	shalt  }
0x7c: {  	_ =	shalt  }
0x7d: {  	_ =	shalt  }
0x7e: {  	_ =	shalt  }
0x7f: {  	_ =	shalt  }
0x80: {  	_ =	shalt  }
0x81: {  	_ =	shalt  }
0x82: {  	_ =	shalt  }
0x83: {  	_ =	shalt  }
0x84: {  	_ =	shalt  }
0x85: {  	_ =	shalt  }
0x86: {  	_ =	shalt  }
0x87: {  	_ =	shalt  }
.Lfunc_end0:
.L_simem_size_0:
called_computation.2_lowered:
.L_overlay_start_0:
0x88: {  	s2 =	sld [smem:$0x3FD9]  }
0x89: {  	s3 =	sld [smem:$0x3FFE];
	_ =	sdelay $0x1  }
0x8a: {  	s1 =	srdreg.scid  }
0x8b: {  	s0 =	sand.u32 $0x1, s1  }
0x8c: {  	s17 =	sshll.u32 s0, $0xA;
	s2 =	sadd.s32 s3, s2  }
0x8d: {  	s2 =	sadd.s32 s2, s17  }
0x8e: {  	[smem:$0x3FB9] =	sst s2  }
0x8f: {  	_ = 	snop  }
0x90: {  	s2 =	sld [smem:$0x3FC6];
	(tm) =	ssettm $0x1  }
0x91: {  	s18 =	sld [smem:$0x3FFB];
	_ =	sdelay $0x3  }
0x92: {  	_ =	strace s18  }
0x93: {  	s3 =	sld [smem:$0x3FFC];
	_ =	sdelay $0x3  }
0x94: {  	_ =	strace s3  }
0x95: {  	s3 =	sld [smem:$0x3FFD];
	_ =	sdelay $0x3  }
0x96: {  	_ =	strace s3  }
0x97: {  	_ =	strace $0x8FFFFFFF  }
0x98: {  	s19 =	sld [smem:$0x3FDB];
	_ =	sdelay $0x1  }
0x99: {  	s4 =	simm.s32 $_scs_section_size  }
0x9a: {  	s5 =	simm.s32 $_size__tile_overlayer_lowered;
	s6 =	simm.s32 $_tile_overlayer_lowered  }
0x9b: {  	s22 =	simm.s32 $0x1BFF;
	s21 =	sshll.u32 s6, $0x1;
	s3 =	sadd.s32 s4, s19  }
0x9c: {  	s7 =	simm.s32 $0x0;
	s20 =	sshll.u32 s5, $0x1;
	s5 =	sadd.s32 s21, s3  }
0x9d: {  	[timem:s7], [sflag:s22] =	dma.local [hbm:s5], s20  }
0x9e: {  	_ =	swait.ge [sflag:s22], s20  }
0x9f: {  	s4 =	ssub.s32 $0x0, s20;
	[sflag:s22] =	ssyncset.done $0x0  }
0xa0: {  	[sflag:s22] =	ssyncadd.s32 s4;
	_ =	sdelay $0x1  }
0xa1: {  	s23 =	simm.s32 $0x1B8B  }
0xa2: {  	_ =	swait.ge [sflag:s23], $0x1  }
0xa3: {  	[sflag:s23] =	ssyncset.done $0x0  }
0xa4: {  	s25 =	simm.s32 $0x1B8E;
	s24 =	sld [smem:$0x3FFE];
	[sflag:s23] =	ssyncadd.s32 $0xFFFFFFFF  }
0xa5: {  	s26 =	simm.s32 $execute0_lowered;
	[smem:$0x3FD2] =	sst s25  }
0xa6: {  	s5 =	sshll.u32 s26, $0x1;
	_ =	strace $0x8000004C;
	[dreg:$0x1] =	wrdreg $0xFFFFFFFF  }
0xa7: {  	s28 =	simm.s32 $_size_execute0_lowered;
	s3 =	sadd.s32 s3, s5;
	[dreg:$0x0] =	wrdreg $0x0  }
0xa8: {  	s5 =	sshll.u32 s28, $0x1;
	[dreg:$0x2] =	wrdreg s3  }
0xa9: {  	[dreg:$0x3] =	wrdreg s5  }
0xaa: {  	[dreg:$0x4] =	wrdreg $0xC0  }
0xab: {  	_ =	task [dreg:s7], $0x5FFFF  }
0xac: {  	[dreg:$0x1] =	wrdreg $0xFFFFFFFF  }
0xad: {  	[dreg:$0x0] =	wrdreg $0x60  }
0xae: {  	[dreg:$0x2] =	wrdreg s2  }
0xaf: {  	[dreg:$0x3] =	wrdreg s24  }
0xb0: {  	[dreg:$0x4] =	wrdreg $0xA  }
0xb1: {  	_ =	task.clear_ibuf [dreg:s7], $0x5FFFF;
	_ =	strace $0x9000004C  }
0xb2: {  	s29 =	simm.s32 $0xA;
	_ =	strace $0x8000004E  }
0xb3: {  	_ =	swait.ge [sflag:s29], $0x1  }
0xb4: {  	[sflag:s29] =	ssyncadd.s32 $0xFFFFFFFF  }
0xb5: {  	_ =	strace $0x9000004E  }
0xb6: {  	_ =	sfence  }
0xb7: {  	s30 =	sld [smem:$0x0];
	_ =	sdelay $0x2  }
0xb8: {  	s31 =	sshll.u32 s1, $0xD;
	s1 =	sshrl.u32 s1, $0x2  }
0xb9: {  	s3 =	sand.u32 $0x4000, s31;
	s1 =	sadd.s32 s1, s30  }
0xba: {  	s0 =	sor.u32 s3, s0;
	s1 =	sshll.u32 s1, $0x11  }
0xbb: {  	s0 =	sor.u32 s1, s0  }
0xbc: {  	s0 =	sadd.s32 $0x8F2B, s0  }
0xbd: {  	[sflag:s0] =	ssyncadd.remote.s32 $0x1  }
0xbe: {  	_ =	sfence.sel $0xFFFF  }
0xbf: {  	[dreg:$0x0] =	wrdreg $0xFFFFFFFF;
	(pc) =	sbr.abs _section_cstart, $3  }
0xc0: {  	[dreg:$0x1] =	wrdreg $0xFFFFFFFF  }
0xc1: {  	_ =	task.clear_ibuf [dreg:s7], $0x2FFFF;
	_ =	strace $0x9FFFFFFF  }
0xc2: {  	(tm) =	ssettm $0x7FFFFFFF  }
0xc3: {  	_ =	shalt  }
tec
execute0_lowered:
.L_overlay_start_1:
0x0: {  	(tag) =	ssettag $0x1  }
0x1: {  	s2 =	rddreg [dreg:$0x0]  }
0x2: {  	s8 =	rddreg [dreg:$0x1]  }
0x3: {  	s0 =	rddreg [dreg:$0x2];
	s1 =	stileid.u32  }
0x4: {  	s3 =	srdreg.scid;
	_ =	strace $0x8000004D;
	s4 =	simm.s32 $0x1  }
0x5: {  	s7 =	simm.s32 $0x1;
	s9 =	simm.s32 $0x1;
	s10 =	simm.s32 $0x3  }
0x6: {  	s13 =	simm.s32 $0x0;
	s5 =	sand.u32 $0x1, s3;
	s6 =	sshll.u32 s1, $0x1  }
0x7: {  	s12 =	simm.s32 $0x0;
	s3 =	sadd.s32 $0x17C00, s8;
	s5 =	sor.u32 s6, s5  }
.Ltmp0:
0x8: {  	[sflag:s4] =	ssyncpa.u1 $0x0;
	p0 =	slt.u32 s5, $0x9;
	(pc) =	sbr.rel .LBB2_1-.Ltmp0, $4  }
0x9: {  	s6 =	simm.s32 $0x2;
	s7 =	simm.s32 @!p0 $0x0;
	p0 =	sne.s32 s5, $0x8  }
0xa: {  	[sflag:s6] =	ssyncpa.u1 $0x0;
	s5 =	smul.u32 $0x1F40, s5;
	s9 =	simm.s32 @!p0 $0x0  }
0xb: {  	s8 =	sadd.s32 $0x4A400, s8;
	[sflag:s10] =	ssyncpa.u1 $0x0;
	s7 =	sadd.s32 s9, s7  }
0xc: {  	vm0 =	vmmov $0xffff;
	s10 =	simm.s32 $0x0;
	s11 =	smov.u32 s5;
	s9 =	sadd.s32 $0x1, s7  }
.LBB2_4:
0xd: {  	v2 =	vnsel vm1, $0x0, v2  }
0xe: {  	vm1 =	vgt.s32 v0, $0x0;
	v2 =	vmin.u32 v2, $0x4E1FF  }
0xf: {  	v0 =	vnsel vm1, $0x0, v0  }
0x10: {  	v0 =	vmin.u32 v0, $0x4E1FF  }
0x11: {  	[tilespmem:s18], [sflag:$0x1] =	stream.indirect_vreg.gather [hbm4b:s2+s10], $0x1, v1, vm0, $0x4038;
	[tilespmem:$0x7D00] =	vst v63  }
0x12: {  	(ifvalue) =	ssetifvalue $0x7FFFFFFF  }
0x13: {  	[tilespmem:s15], [sflag:$0x1] =	stream.indirect_vreg.gather [hbm4b:s2+s10], $0x1, v2, vm0, $0x4038;
	[tilespmem:$0x7D00] =	vst v63  }
0x14: {  	s29 =	sadd.s32 $0x10, s15;
	(ifvalue) =	ssetifvalue $0x7FFFFFFF  }
0x15: {  	[tilespmem:s29], [sflag:$0x1] =	stream.indirect_vreg.gather [hbm4b:s2+s10], $0x1, v0, vm0, $0x4038;
	[tilespmem:$0x7D00] =	vst v63  }
0x16: {  	_ =	swait.ge [sflag:s4], $0x1F40  }
0x17: {  	s30 =	sshrl.u32 s13, $0x3;
	[sflag:s4] =	ssyncset.done $0x0  }
0x18: {  	s31 =	sand.u32 $0x7, s13;
	s15 =	sadd.s32 s8, s30;
	[sflag:s4] =	ssyncadd.s32 $0xFFFFE0C0  }
0x19: {  	[hbm4b:s15+s31] =	stream.linear.scatter [tilespmem:s14], [sflag:$0x3], $0x1F40, $0x38;
	[tilespmem:$0x7D00] =	vst v63  }
.LBB2_5:
0x1a: {  	s15 =	sadd.s32 $0x3E800, s11  }
0x1b: {  	p1 =	sgt.s32 s15, $0x4E1FF  }
0x1c: {  	s15 =	smov.u32 @p1 s5;
	p1 =	sne.s32 s12, s9  }
.Ltmp1:
0x1d: {  	p0 =	slt.u32 s12, $0x2;
	(pc) =	sbr.rel @!p1 .LBB2_6-.Ltmp1, $4  }
0x1e: {  	s14 =	simm.s32 @!p0 $0x3  }
0x1f: {  	_ =	swait.ge @!p0 [sflag:s14], $0x1F40  }
0x20: {  	s16 =	sadd.s32 $0x1, s12;
	s13 =	smov.u32 s11;
	[sflag:s14] =	ssyncset.done @!p0 $0x0  }
0x21: {  	s12 =	smov.u32 s16;
	s11 =	smov.u32 s15;
	[sflag:s14] =	ssyncadd.s32 @!p0 $0xFFFFE0C0  }
.LBB2_1:
0x22: {  	p0 =	sge.u32 s12, s7  }
0x23: {  	s14 =	sxor.u32 @!p0 $0x1, s12  }
0x24: {  	s14 =	smul.u32 @!p0 $0x7D00, s14  }
0x25: {  	s31 =	sadd.s32 $0xFFFFFFFF, s12;
	s15 =	sshrl.u32 @!p0 s11, $0x3  }
0x26: {  	s16 =	sand.u32 @!p0 $0x7, s11;
	s15 =	sadd.s32 @!p0 s3, s15;
	s14 =	sshra.s32 @!p0 s14, $0x2  }
0x27: {  	[tilespmem:s14], [sflag:$0x2] =	stream.linear.gather @!p0 [hbm4b:s15+s16], $0x1F40, $0x38;
	[tilespmem:$0x7D00] =	vst v63  }
0x28: {  	p0 =	sge.u32 s31, s7  }
.Ltmp2:
0x29: {  	_ = 	snop;
	(pc) =	sbr.rel @p0 .LBB2_5-.Ltmp2, $1  }
0x2a: {  	_ =	sdelay $0x3  }
0x2b: {  	s14 =	sand.u32 $0x1, s12  }
0x2c: {  	_ =	swait.ge [sflag:s6], $0x1F40;
	p0 =	seq.s32 s14, $0x1;
	s14 =	simm.s32 $0x1F40  }
0x2d: {  	[sflag:s6] =	ssyncset.done $0x0;
	s14 =	simm.s32 @!p0 $0x0  }
0x2e: {  	[sflag:s6] =	ssyncadd.s32 $0xFFFFE0C0;
	(ifvalue) =	ssetifvalue $0x7FFFFFFF;
	v0 =	vld.msk [tilespmem:s14+$0x0 ss:$0x1], $0xffff;
	_ =	sdelay $0x4  }
0x2f: {  	s15 =	sadd.s32 $0x10, s14;
	vm1 =	vgt.s32 v0, $0x0  }
0x30: {  	v2 =	vld.msk [tilespmem:s15+$0x0 ss:$0x1], $0xffff;
	v1 =	vnsel vm1, $0x0, v0  }
0x31: {  	v1 =	vmin.u32 v1, $0x4E1FF;
	_ =	sdelay $0x2  }
0x32: {  	s17 =	simm.s32 $0x20;
	s14 =	sadd.s32 $0x3E80, s14;
	s16 =	sadd.s32 $0x10, s15  }
0x33: {  	s15 =	sadd.s32 $0x10, s14;
	s18 =	smov.u32 s14;
	v0 =	vld.msk [tilespmem:s16+$0x0 ss:$0x1], $0xffff;
	vm1 =	vgt.s32 v2, $0x0;
	(ifvalue) =	ssetifvalue $0x7FFFFFFF  }
.LBB2_3:
0x34: {  	[tilespmem:s18], [sflag:$0x1] =	stream.indirect_vreg.gather [hbm4b:s2+s10], $0x1, v1, vm0, $0x4038;
	[tilespmem:$0x7D00] =	vst v63  }
0x35: {  	s17 =	sadd.s32 $0x10, s17  }
0x36: {  	v2 =	vnsel vm1, $0x0, v2;
	p0 =	slt.u32 s17, $0x1F30  }
.Ltmp3:
0x37: {  	s18 =	smov.u32 s15;
	v1 =	vmin.u32 v2, $0x4E1FF;
	(pc) =	sbr.rel @p0 .LBB2_3-.Ltmp3, $3  }
0x38: {  	_ =	sdelay $0x1  }
0x39: {  	s16 =	sadd.s32 $0x10, s16  }
0x3a: {  	vm1 =	vgt.s32 v0, $0x0;
	s15 =	sadd.s32 $0x10, s15;
	v2 =	vmov v0;
	(ifvalue) =	ssetifvalue $0x7FFFFFFF;
	v0 =	vld.msk [tilespmem:s16+$0x0 ss:$0x1], $0xffff  }
.Ltmp4:
0x3b: {  	_ = 	snop;
	(pc) =	sbr.rel .LBB2_4-.Ltmp4, $1  }
0x3c: {  	_ =	sdelay $0x3  }
.LBB2_6:
0x3d: {  	_ =	sfence.sel $0x180000  }
0x3e: {  	s2 =	simm.s32 $0x2;
	[bflag:$0x0] =	sbarrier.arrive $0xFFFF  }
0x3f: {  	s30 =	simm.s32 $0x3;
	[sflag:s2] =	ssyncpa.u1 $0x1  }
0x40: {  	s31 =	simm.s32 $0x1;
	[sflag:s30] =	ssyncpa.u1 $0x1  }
0x41: {  	[sflag:s31] =	ssyncpa.u1 $0x1  }
0x42: {  	p0 =	sne.s32 s1, $0x0;
	_ =	strace $0x9000004D  }
0x43: {  	s0 =	sadd.s32 @!p0 $0x100000, s0;
	[bflag:$0x2] =	sbarrier.arrive $0xFFFF  }
0x44: {  	[sflag:s0] =	ssyncadd.tile.s32 @!p0 $0x1;
	_ =	shalt  }
.Lfunc_end2:
_tile_overlayer_lowered:
.L_overlay_start_2:
0x45: {  	(tag) =	ssettag $0x2  }
0x46: {  	s0 =	rddreg [dreg:$0x0];
	s2 =	stileid.u32  }
0x47: {  	s1 =	rddreg [dreg:$0x1];
	p0 =	sne.s32 s2, $0x0  }
0x48: {  	s3 =	rddreg [dreg:$0x2];
	[bflag:$0x3] =	sbarrier.arrive $0xFFFF;
	s2 =	simm.s32 @!p0 $0x1C01  }
0x49: {  	[timem:s3], [sflag:s2] =	dma.local @!p0 [hbm:s0], s1  }
0x4a: {  	s0 =	simm.s32 @!p0 $0x1  }
0x4b: {  	_ =	swait.ge @!p0 [sflag:s0], s1  }
0x4c: {  	s1 =	ssub.s32 @!p0 $0x0, s1;
	[sflag:s0] =	ssyncset.done @!p0 $0x0  }
0x4d: {  	[sflag:s0] =	ssyncadd.s32 @!p0 s1  }
0x4e: {  	[bflag:$0x3] =	sbarrier.arrive $0xFFFF  }
0x4f: {  	_ =	shalt  }

// kernel: gather_offload_async_start
scs
__scs_entry_jumppad:
0x0: {  	(pc) =	sbr.rel $0x88, $3  }
0x1: {  	(tag) =	ssettag $0x0;
	lr =	simm.s32 $0x1  }
0x2: {  	[smem:$0x3F92] =	sst lr;
	_ =	strace $0xD0000000  }
0x3: {  	_ = 	snop  }
0x4: {  	_ = 	snop  }
0x5: {  	_ = 	snop  }
0x6: {  	_ = 	snop  }
0x7: {  	_ = 	snop  }
__scs_overlays_trampoline_lowered:
0x8: {  	[smem:$0x3FA1] =	sst s0  }
0x9: {  	[smem:$0x3FA2] =	sst s1  }
0xa: {  	[smem:$0x3FA3] =	sst s2  }
0xb: {  	[smem:$0x3FA4] =	sst s3  }
0xc: {  	[smem:$0x3FA5] =	sst s4  }
0xd: {  	[smem:$0x3FA6] =	sst s5  }
0xe: {  	[smem:$0x3FA7] =	sst s6  }
0xf: {  	[smem:$0x3FA8] =	sst s7  }
0x10: {  	[smem:$0x3FA9] =	sst s8  }
0x11: {  	[smem:$0x3FAA] =	sst s9;
	s0 =	simm.s32 @!p0 $0x0  }
0x12: {  	s1 =	sld [smem:$0x3F90];
	s0 =	simm.s32 @p0 $0x1  }
0x13: {  	[smem:$0x3FAB] =	sst s0;
	s0 =	simm.s32 @!p1 $0x0  }
0x14: {  	s2 =	sld [smem:$0x3F8F];
	s0 =	simm.s32 @p1 $0x1  }
0x15: {  	[smem:$0x3FAC] =	sst s0;
	s0 =	simm.s32 @!p2 $0x0  }
0x16: {  	s3 =	sld [smem:$0x3FDB];
	s0 =	simm.s32 @p2 $0x1  }
0x17: {  	s4 =	simm.s32 $0x1BF5;
	[smem:$0x3FAE] =	sst s0  }
0x18: {  	s0 =	sld [smem:$0x3F91];
	_ =	swait.ge [sflag:s4], $0x0  }
0x19: {  	s7 =	sld [smem:$0x3F92]  }
0x1a: {  	s8 =	sadd.s32 $0xFFFFE003, lr  }
0x1b: {  	s9 =	sadd.s32 $0xFFFFFEF7, lr;
	s5 =	simm.s32 $0xFFFFFFFF;
	p2 =	slt.u32 s8, $0xFFFFF086  }
0x1c: {  	p1 =	slt.u32 s9, $0xF7A;
	s5 =	simm.s32 @!p2 $0x0  }
0x1d: {  	s5 =	simm.s32 @p1 $0x1;
	p0 =	seq.s32 s7, s2  }
0x1e: {  	s7 =	smul.u32 @!p0 $0xF7A, s2;
	p2 =	seq.s32 @!p0 s5, $0x0  }
0x1f: {  	s9 =	smul.u32 $0xF7A, s1;
	s8 =	simm.s32 @!p0 $0x1BF5;
	p2 =	por !p2, p0  }
0x20: {  	[sflag:s8] =	ssyncset.s32 @!p0 $0xFFFFF086;
	s6 =	sadd.s32 @!p0 s3, s7;
	s7 =	simm.s32 @!p0 $0x108  }
0x21: {  	s3 =	sadd.s32 s3, s9;
	s6 =	sadd.s32 @!p0 $0x88, s6;
	s7 =	simm.s32 @p2 $0x1082  }
0x22: {  	[simem:s7], [sflag:s8] =	dma.local @!p0 [hbm:s6], $0xF7A  }
0x23: {  	s9 =	sor.u32 $0xD0000000, s2;
	s6 =	simm.s32 $0x108;
	_ =	swait.ge @!p0 [sflag:s8], $0x0  }
0x24: {  	s3 =	sadd.s32 $0x88, s3;
	s6 =	simm.s32 @!p1 $0x1082;
	[sflag:s4] =	ssyncset.s32 $0xFFFFF086  }
0x25: {  	[simem:s6], [sflag:s4] =	dma.local [hbm:s3], $0xF7A  }
0x26: {  	[smem:$0x3F92] =	sst s1;
	(tag) =	ssettag s2;
	_ =	strace s9  }
0x27: {  	s1 =	sld [smem:$0x3FA2]  }
0x28: {  	s2 =	sld [smem:$0x3FA3]  }
0x29: {  	s4 =	sld [smem:$0x3FA5]  }
0x2a: {  	p0 =	seq.s32 s5, $0x0;
	s5 =	sld [smem:$0x3FA6]  }
0x2b: {  	s6 =	sld [smem:$0x3FA7]  }
0x2c: {  	s7 =	sld [smem:$0x3FA8]  }
0x2d: {  	s3 =	simm.s32 $0x108;
	s8 =	sld [smem:$0x3FA9]  }
0x2e: {  	s3 =	simm.s32 @!p0 $0x1082;
	s9 =	sld [smem:$0x3FAA]  }
0x2f: {  	lr =	sadd.s32 s0, s3;
	s0 =	sld [smem:$0x3FA1]  }
0x30: {  	s3 =	sld [smem:$0x3FA4]  }
0x31: {  	[smem:$0x3FAD] =	sst s10  }
0x32: {  	s10 =	sld [smem:$0x3FAB];
	_ =	sdelay $0x3  }
0x33: {  	p0 =	seq.s32 s10, $0x1;
	s10 =	sld [smem:$0x3FAD];
	_ =	sdelay $0x3  }
0x34: {  	[smem:$0x3FAD] =	sst s10  }
0x35: {  	s10 =	sld [smem:$0x3FAC];
	_ =	sdelay $0x3  }
0x36: {  	p1 =	seq.s32 s10, $0x1;
	s10 =	sld [smem:$0x3FAD];
	_ =	sdelay $0x3  }
0x37: {  	[smem:$0x3FAD] =	sst s10  }
0x38: {  	s10 =	sld [smem:$0x3FAE]  }
0x39: {  	_ = 	snop;
	(pc) =	sbr.ind lr, $3  }
0x3a: {  	_ = 	snop  }
0x3b: {  	_ = 	snop  }
0x3c: {  	p2 =	seq.s32 s10, $0x1;
	s10 =	sld [smem:$0x3FAD]  }
0x3d: {  	_ =	shalt  }
0x3e: {  	_ =	shalt  }
0x3f: {  	_ =	shalt  }
0x40: {  	_ =	shalt  }
0x41: {  	_ =	shalt  }
0x42: {  	_ =	shalt  }
0x43: {  	_ =	shalt  }
0x44: {  	_ =	shalt  }
0x45: {  	_ =	shalt  }
0x46: {  	_ =	shalt  }
0x47: {  	_ =	shalt  }
0x48: {  	_ =	shalt  }
0x49: {  	_ =	shalt  }
0x4a: {  	_ =	shalt  }
0x4b: {  	_ =	shalt  }
0x4c: {  	_ =	shalt  }
0x4d: {  	_ =	shalt  }
0x4e: {  	_ =	shalt  }
0x4f: {  	_ =	shalt  }
0x50: {  	_ =	shalt  }
0x51: {  	_ =	shalt  }
0x52: {  	_ =	shalt  }
0x53: {  	_ =	shalt  }
0x54: {  	_ =	shalt  }
0x55: {  	_ =	shalt  }
0x56: {  	_ =	shalt  }
0x57: {  	_ =	shalt  }
0x58: {  	_ =	shalt  }
0x59: {  	_ =	shalt  }
0x5a: {  	_ =	shalt  }
0x5b: {  	_ =	shalt  }
0x5c: {  	_ =	shalt  }
0x5d: {  	_ =	shalt  }
0x5e: {  	_ =	shalt  }
0x5f: {  	_ =	shalt  }
0x60: {  	_ =	shalt  }
0x61: {  	_ =	shalt  }
0x62: {  	_ =	shalt  }
0x63: {  	_ =	shalt  }
0x64: {  	_ =	shalt  }
0x65: {  	_ =	shalt  }
0x66: {  	_ =	shalt  }
0x67: {  	_ =	shalt  }
0x68: {  	_ =	shalt  }
0x69: {  	_ =	shalt  }
0x6a: {  	_ =	shalt  }
0x6b: {  	_ =	shalt  }
0x6c: {  	_ =	shalt  }
0x6d: {  	_ =	shalt  }
0x6e: {  	_ =	shalt  }
0x6f: {  	_ =	shalt  }
0x70: {  	_ =	shalt  }
0x71: {  	_ =	shalt  }
0x72: {  	_ =	shalt  }
0x73: {  	_ =	shalt  }
0x74: {  	_ =	shalt  }
0x75: {  	_ =	shalt  }
0x76: {  	_ =	shalt  }
0x77: {  	_ =	shalt  }
0x78: {  	_ =	shalt  }
0x79: {  	_ =	shalt  }
0x7a: {  	_ =	shalt  }
0x7b: {  	_ =	shalt  }
0x7c: {  	_ =	shalt  }
0x7d: {  	_ =	shalt  }
0x7e: {  	_ =	shalt  }
0x7f: {  	_ =	shalt  }
0x80: {  	_ =	shalt  }
0x81: {  	_ =	shalt  }
0x82: {  	_ =	shalt  }
0x83: {  	_ =	shalt  }
0x84: {  	_ =	shalt  }
0x85: {  	_ =	shalt  }
0x86: {  	_ =	shalt  }
0x87: {  	_ =	shalt  }
.Lfunc_end0:
.L_simem_size_0:
called_computation_lowered:
.L_overlay_start_0:
0x88: {  	s2 =	sld [smem:$0x3FD9]  }
0x89: {  	s3 =	sld [smem:$0x3FFE];
	_ =	sdelay $0x1  }
0x8a: {  	s1 =	srdreg.scid  }
0x8b: {  	s0 =	sand.u32 $0x1, s1  }
0x8c: {  	s16 =	sshll.u32 s0, $0xA;
	s2 =	sadd.s32 s3, s2  }
0x8d: {  	s2 =	sadd.s32 s2, s16  }
0x8e: {  	[smem:$0x3FB9] =	sst s2  }
0x8f: {  	_ = 	snop  }
0x90: {  	(tm) =	ssettm $0x1  }
0x91: {  	s17 =	sld [smem:$0x3FFB];
	_ =	sdelay $0x3  }
0x92: {  	_ =	strace s17  }
0x93: {  	s2 =	sld [smem:$0x3FFC];
	_ =	sdelay $0x3  }
0x94: {  	_ =	strace s2  }
0x95: {  	s2 =	sld [smem:$0x3FFD];
	_ =	sdelay $0x3  }
0x96: {  	_ =	strace s2  }
0x97: {  	_ =	strace $0x8FFFFFFF  }
0x98: {  	s18 =	sld [smem:$0x3FDB];
	_ =	sdelay $0x1  }
0x99: {  	s19 =	simm.s32 $_scs_section_size  }
0x9a: {  	s4 =	simm.s32 $_size__tile_overlayer_lowered;
	s5 =	simm.s32 $_tile_overlayer_lowered  }
0x9b: {  	s22 =	simm.s32 $0x1BFF;
	s21 =	sshll.u32 s5, $0x1;
	s2 =	sadd.s32 s19, s18  }
0x9c: {  	s6 =	simm.s32 $0x0;
	s20 =	sshll.u32 s4, $0x1;
	s4 =	sadd.s32 s21, s2  }
0x9d: {  	[timem:s6], [sflag:s22] =	dma.local [hbm:s4], s20  }
0x9e: {  	_ =	swait.ge [sflag:s22], s20  }
0x9f: {  	s3 =	ssub.s32 $0x0, s20;
	[sflag:s22] =	ssyncset.done $0x0  }
0xa0: {  	[sflag:s22] =	ssyncadd.s32 s3;
	_ =	sdelay $0x1  }
0xa1: {  	s23 =	simm.s32 $0x1B8B  }
0xa2: {  	_ =	swait.ge [sflag:s23], $0x1  }
0xa3: {  	[sflag:s23] =	ssyncset.done $0x0  }
0xa4: {  	s25 =	simm.s32 $0x1B8E;
	s24 =	sld [smem:$0x3FFE];
	[sflag:s23] =	ssyncadd.s32 $0xFFFFFFFF  }
0xa5: {  	s26 =	simm.s32 $execute0_lowered;
	[smem:$0x3FD2] =	sst s25  }
0xa6: {  	s4 =	sshll.u32 s26, $0x1;
	_ =	strace $0x80000046;
	[dreg:$0x1] =	wrdreg $0xFFFFFFFF  }
0xa7: {  	s28 =	simm.s32 $_size_execute0_lowered;
	s2 =	sadd.s32 s2, s4;
	[dreg:$0x0] =	wrdreg $0x0  }
0xa8: {  	s4 =	sshll.u32 s28, $0x1;
	[dreg:$0x2] =	wrdreg s2  }
0xa9: {  	[dreg:$0x3] =	wrdreg s4  }
0xaa: {  	[dreg:$0x4] =	wrdreg $0xC0  }
0xab: {  	_ =	task [dreg:s6], $0x5FFFF  }
0xac: {  	[dreg:$0x1] =	wrdreg $0xFFFFFFFF  }
0xad: {  	[dreg:$0x0] =	wrdreg $0x60  }
0xae: {  	[dreg:$0x2] =	wrdreg s24  }
0xaf: {  	[dreg:$0x3] =	wrdreg $0x9  }
0xb0: {  	_ =	task.clear_ibuf [dreg:s6], $0x4FFFF;
	_ =	strace $0x90000046  }
0xb1: {  	s29 =	simm.s32 $0x9;
	_ =	strace $0x80000048  }
0xb2: {  	_ =	swait.ge [sflag:s29], $0x1  }
0xb3: {  	[sflag:s29] =	ssyncadd.s32 $0xFFFFFFFF  }
0xb4: {  	_ =	strace $0x90000048  }
0xb5: {  	_ =	sfence  }
0xb6: {  	s30 =	sld [smem:$0x0];
	_ =	sdelay $0x2  }
0xb7: {  	s31 =	sshll.u32 s1, $0xD;
	s1 =	sshrl.u32 s1, $0x2  }
0xb8: {  	s3 =	sand.u32 $0x4000, s31;
	s1 =	sadd.s32 s1, s30  }
0xb9: {  	s0 =	sor.u32 s3, s0;
	s1 =	sshll.u32 s1, $0x11  }
0xba: {  	s0 =	sor.u32 s1, s0  }
0xbb: {  	s0 =	sadd.s32 $0x8F2B, s0  }
0xbc: {  	[sflag:s0] =	ssyncadd.remote.s32 $0x1  }
0xbd: {  	_ =	sfence.sel $0xFFFF  }
0xbe: {  	[dreg:$0x0] =	wrdreg $0xFFFFFFFF;
	(pc) =	sbr.abs _section_cstart, $3  }
0xbf: {  	[dreg:$0x1] =	wrdreg $0xFFFFFFFF  }
0xc0: {  	_ =	task.clear_ibuf [dreg:s6], $0x2FFFF;
	_ =	strace $0x9FFFFFFF  }
0xc1: {  	(tm) =	ssettm $0x7FFFFFFF  }
tec
execute0_lowered:
.L_overlay_start_1:
0x0: {  	(tag) =	ssettag $0x1  }
0x1: {  	s8 =	rddreg [dreg:$0x0]  }
0x2: {  	s0 =	rddreg [dreg:$0x1];
	_ =	strace $0x80000047;
	s1 =	stileid.u32  }
0x3: {  	s3 =	srdreg.scid;
	s4 =	simm.s32 $0x1;
	s7 =	simm.s32 $0x1  }
0x4: {  	s9 =	simm.s32 $0x1;
	s10 =	simm.s32 $0x3;
	s13 =	simm.s32 $0x0  }
0x5: {  	s12 =	simm.s32 $0x0;
	s5 =	sand.u32 $0x1, s3;
	s6 =	sshll.u32 s1, $0x1  }
0x6: {  	s2 =	sadd.s32 $0xDE00, s8;
	s3 =	sadd.s32 $0x17C00, s8;
	s5 =	sor.u32 s6, s5  }
.Ltmp0:
0x7: {  	[sflag:s4] =	ssyncpa.u1 $0x0;
	p0 =	slt.u32 s5, $0x9;
	(pc) =	sbr.rel .LBB2_1-.Ltmp0, $4  }
0x8: {  	s6 =	simm.s32 $0x2;
	s7 =	simm.s32 @!p0 $0x0;
	p0 =	sne.s32 s5, $0x8  }
0x9: {  	[sflag:s6] =	ssyncpa.u1 $0x0;
	s5 =	smul.u32 $0x1F40, s5;
	s9 =	simm.s32 @!p0 $0x0  }
0xa: {  	s8 =	sadd.s32 $0x4A400, s8;
	[sflag:s10] =	ssyncpa.u1 $0x0;
	s7 =	sadd.s32 s9, s7  }
0xb: {  	vm0 =	vmmov $0xffff;
	s10 =	simm.s32 $0x0;
	s11 =	smov.u32 s5;
	s9 =	sadd.s32 $0x1, s7  }
.LBB2_4:
0xc: {  	v2 =	vnsel vm1, $0x0, v2  }
0xd: {  	vm1 =	vgt.s32 v0, $0x0;
	v2 =	vmin.u32 v2, $0x4E1FF  }
0xe: {  	v0 =	vnsel vm1, $0x0, v0  }
0xf: {  	v0 =	vmin.u32 v0, $0x4E1FF  }
0x10: {  	[tilespmem:s18], [sflag:$0x1] =	stream.indirect_vreg.gather [hbm4b:s2+s10], $0x1, v1, vm0, $0x4038;
	[tilespmem:$0x7D00] =	vst v63  }
0x11: {  	(ifvalue) =	ssetifvalue $0x7FFFFFFF  }
0x12: {  	[tilespmem:s15], [sflag:$0x1] =	stream.indirect_vreg.gather [hbm4b:s2+s10], $0x1, v2, vm0, $0x4038;
	[tilespmem:$0x7D00] =	vst v63  }
0x13: {  	s29 =	sadd.s32 $0x10, s15;
	(ifvalue) =	ssetifvalue $0x7FFFFFFF  }
0x14: {  	[tilespmem:s29], [sflag:$0x1] =	stream.indirect_vreg.gather [hbm4b:s2+s10], $0x1, v0, vm0, $0x4038;
	[tilespmem:$0x7D00] =	vst v63  }
0x15: {  	_ =	swait.ge [sflag:s4], $0x1F40  }
0x16: {  	s30 =	sshrl.u32 s13, $0x3;
	[sflag:s4] =	ssyncset.done $0x0  }
0x17: {  	s31 =	sand.u32 $0x7, s13;
	s15 =	sadd.s32 s8, s30;
	[sflag:s4] =	ssyncadd.s32 $0xFFFFE0C0  }
0x18: {  	[hbm4b:s15+s31] =	stream.linear.scatter [tilespmem:s14], [sflag:$0x3], $0x1F40, $0x38;
	[tilespmem:$0x7D00] =	vst v63  }
.LBB2_5:
0x19: {  	s15 =	sadd.s32 $0x3E800, s11  }
0x1a: {  	p1 =	sgt.s32 s15, $0x4E1FF  }
0x1b: {  	s15 =	smov.u32 @p1 s5;
	p1 =	sne.s32 s12, s9  }
.Ltmp1:
0x1c: {  	p0 =	slt.u32 s12, $0x2;
	(pc) =	sbr.rel @!p1 .LBB2_6-.Ltmp1, $4  }
0x1d: {  	s14 =	simm.s32 @!p0 $0x3  }
0x1e: {  	_ =	swait.ge @!p0 [sflag:s14], $0x1F40  }
0x1f: {  	s16 =	sadd.s32 $0x1, s12;
	s13 =	smov.u32 s11;
	[sflag:s14] =	ssyncset.done @!p0 $0x0  }
0x20: {  	s12 =	smov.u32 s16;
	s11 =	smov.u32 s15;
	[sflag:s14] =	ssyncadd.s32 @!p0 $0xFFFFE0C0  }
.LBB2_1:
0x21: {  	p0 =	sge.u32 s12, s7  }
0x22: {  	s14 =	sxor.u32 @!p0 $0x1, s12  }
0x23: {  	s14 =	smul.u32 @!p0 $0x7D00, s14  }
0x24: {  	s31 =	sadd.s32 $0xFFFFFFFF, s12;
	s15 =	sshrl.u32 @!p0 s11, $0x3  }
0x25: {  	s16 =	sand.u32 @!p0 $0x7, s11;
	s15 =	sadd.s32 @!p0 s3, s15;
	s14 =	sshra.s32 @!p0 s14, $0x2  }
0x26: {  	[tilespmem:s14], [sflag:$0x2] =	stream.linear.gather @!p0 [hbm4b:s15+s16], $0x1F40, $0x38;
	[tilespmem:$0x7D00] =	vst v63  }
0x27: {  	p0 =	sge.u32 s31, s7  }
.Ltmp2:
0x28: {  	_ = 	snop;
	(pc) =	sbr.rel @p0 .LBB2_5-.Ltmp2, $1  }
0x29: {  	_ =	sdelay $0x3  }
0x2a: {  	s14 =	sand.u32 $0x1, s12  }
0x2b: {  	_ =	swait.ge [sflag:s6], $0x1F40;
	p0 =	seq.s32 s14, $0x1;
	s14 =	simm.s32 $0x1F40  }
0x2c: {  	[sflag:s6] =	ssyncset.done $0x0;
	s14 =	simm.s32 @!p0 $0x0  }
0x2d: {  	[sflag:s6] =	ssyncadd.s32 $0xFFFFE0C0;
	(ifvalue) =	ssetifvalue $0x7FFFFFFF;
	v0 =	vld.msk [tilespmem:s14+$0x0 ss:$0x1], $0xffff;
	_ =	sdelay $0x4  }
0x2e: {  	s15 =	sadd.s32 $0x10, s14;
	vm1 =	vgt.s32 v0, $0x0  }
0x2f: {  	v2 =	vld.msk [tilespmem:s15+$0x0 ss:$0x1], $0xffff;
	v1 =	vnsel vm1, $0x0, v0  }
0x30: {  	v1 =	vmin.u32 v1, $0x4E1FF;
	_ =	sdelay $0x2  }
0x31: {  	s17 =	simm.s32 $0x20;
	s14 =	sadd.s32 $0x3E80, s14;
	s16 =	sadd.s32 $0x10, s15  }
0x32: {  	s15 =	sadd.s32 $0x10, s14;
	s18 =	smov.u32 s14;
	v0 =	vld.msk [tilespmem:s16+$0x0 ss:$0x1], $0xffff;
	vm1 =	vgt.s32 v2, $0x0;
	(ifvalue) =	ssetifvalue $0x7FFFFFFF  }
.LBB2_3:
0x33: {  	[tilespmem:s18], [sflag:$0x1] =	stream.indirect_vreg.gather [hbm4b:s2+s10], $0x1, v1, vm0, $0x4038;
	[tilespmem:$0x7D00] =	vst v63  }
0x34: {  	s17 =	sadd.s32 $0x10, s17  }
0x35: {  	v2 =	vnsel vm1, $0x0, v2;
	p0 =	slt.u32 s17, $0x1F30  }
.Ltmp3:
0x36: {  	s18 =	smov.u32 s15;
	v1 =	vmin.u32 v2, $0x4E1FF;
	(pc) =	sbr.rel @p0 .LBB2_3-.Ltmp3, $3  }
0x37: {  	_ =	sdelay $0x1  }
0x38: {  	s16 =	sadd.s32 $0x10, s16  }
0x39: {  	vm1 =	vgt.s32 v0, $0x0;
	s15 =	sadd.s32 $0x10, s15;
	v2 =	vmov v0;
	(ifvalue) =	ssetifvalue $0x7FFFFFFF;
	v0 =	vld.msk [tilespmem:s16+$0x0 ss:$0x1], $0xffff  }
.Ltmp4:
0x3a: {  	_ = 	snop;
	(pc) =	sbr.rel .LBB2_4-.Ltmp4, $1  }
0x3b: {  	_ =	sdelay $0x3  }
.LBB2_6:
0x3c: {  	_ =	sfence.sel $0x180000  }
0x3d: {  	s2 =	simm.s32 $0x2;
	[bflag:$0x0] =	sbarrier.arrive $0xFFFF  }
0x3e: {  	s30 =	simm.s32 $0x3;
	[sflag:s2] =	ssyncpa.u1 $0x1  }
0x3f: {  	s31 =	simm.s32 $0x1;
	[sflag:s30] =	ssyncpa.u1 $0x1  }
0x40: {  	[sflag:s31] =	ssyncpa.u1 $0x1  }
0x41: {  	p0 =	sne.s32 s1, $0x0;
	_ =	strace $0x90000047  }
0x42: {  	s0 =	sadd.s32 @!p0 $0x100000, s0;
	[bflag:$0x2] =	sbarrier.arrive $0xFFFF  }
0x43: {  	[sflag:s0] =	ssyncadd.tile.s32 @!p0 $0x1;
	_ =	shalt  }
.Lfunc_end2:
_tile_overlayer_lowered:
.L_overlay_start_2:
0x44: {  	(tag) =	ssettag $0x2  }
0x45: {  	s0 =	rddreg [dreg:$0x0];
	s2 =	stileid.u32  }
0x46: {  	s1 =	rddreg [dreg:$0x1];
	p0 =	sne.s32 s2, $0x0  }
0x47: {  	s3 =	rddreg [dreg:$0x2];
	[bflag:$0x3] =	sbarrier.arrive $0xFFFF;
	s2 =	simm.s32 @!p0 $0x1C01  }
0x48: {  	[timem:s3], [sflag:s2] =	dma.local @!p0 [hbm:s0], s1  }
0x49: {  	s0 =	simm.s32 @!p0 $0x1  }
0x4a: {  	_ =	swait.ge @!p0 [sflag:s0], s1  }
0x4b: {  	s1 =	ssub.s32 @!p0 $0x0, s1;
	[sflag:s0] =	ssyncset.done @!p0 $0x0  }
0x4c: {  	[sflag:s0] =	ssyncadd.s32 @!p0 s1  }
0x4d: {  	[bflag:$0x3] =	sbarrier.arrive $0xFFFF  }
0x4e: {  	_ =	shalt  }

</sc_bundles>
